<compile_context>
chip_gen: v7x
topology: tpu7x:2x2x1
jax: 0.10.2.dev20260603
libtpu: 0.0.44.dev20260713+nightly
codegen_flags: <defaults>
</compile_context>

<pallas_src>
import functools

import jax
import jax.numpy as jnp
from jax import lax
from jax.experimental import pallas as pl
from jax.experimental.pallas import tpu as pltpu
from jax.experimental.pallas import tpu_sc as plsc

NUM_CORES = 2
NUM_SUBCORES = 16
NUM_WORKERS = NUM_CORES * NUM_SUBCORES

B = 16384
L = 200
ROWS_PER_TILE = B // NUM_WORKERS
GROUP_L = 40
NUM_GROUPS = L // GROUP_L
CHUNKS = ROWS_PER_TILE // 16


def _sc_body(rules_t_hbm, rel_hbm, w_hbm, bias_hbm, out_hbm,
             idx0, idx1, val0, val1, rel_v, brow_v, out_v,
             sem_i0, sem_i1, sem_g0, sem_g1, sem_b):
    sid = lax.axis_index("s")
    wid = sid * NUM_CORES + lax.axis_index("c")
    row_base = wid * ROWS_PER_TILE

    idx_bufs = (idx0, idx1)
    val_bufs = (val0, val1)
    sem_is = (sem_i0, sem_i1)
    sem_gs = (sem_g0, sem_g1)

    lane = lax.iota(jnp.int32, 16)

    def start_idx(g):
        return pltpu.async_copy(
            rules_t_hbm.at[pl.ds(g * GROUP_L, GROUP_L),
                           pl.ds(row_base, ROWS_PER_TILE)],
            idx_bufs[g % 2], sem_is[g % 2])

    class _GatherDrain:
        def __init__(self, val_b, sem):
            self.val_b, self.sem = val_b, sem

        def wait(self):
            def drain(l, _, val_b=self.val_b, sem=self.sem):
                pltpu.make_async_copy(
                    w_hbm.at[pl.ds(0, ROWS_PER_TILE)], val_b.at[0],
                    sem).wait()
                return 0
            lax.fori_loop(0, GROUP_L, drain, 0)

    def start_gather(g):
        idx_b, val_b, sem = idx_bufs[g % 2], val_bufs[g % 2], sem_gs[g % 2]

        def fire(l, _):
            pltpu.async_copy(w_hbm.at[idx_b.at[l]], val_b.at[l], sem)
            return 0

        lax.fori_loop(0, GROUP_L, fire, 0)
        return _GatherDrain(val_b, sem)

    pltpu.sync_copy(rel_hbm.at[pl.ds(row_base, ROWS_PER_TILE)], rel_v)
    bias_dma = pltpu.async_copy(bias_hbm.at[rel_v], brow_v, sem_b)

    start_idx(0).wait()
    gathers = {0: start_gather(0)}
    idx_dmas = {1: start_idx(1)}

    for g in range(NUM_GROUPS):
        gathers[g].wait()
        if g + 1 < NUM_GROUPS:
            idx_dmas[g + 1].wait()
            gathers[g + 1] = start_gather(g + 1)
        if g + 2 < NUM_GROUPS:
            idx_dmas[g + 2] = start_idx(g + 2)

        val_v = val_bufs[g % 2]

        def chunk(c, _, val_v=val_v, g=g):
            acc = jnp.zeros((16,), jnp.float32)
            for l in range(GROUP_L):
                acc = acc + val_v[l, pl.ds(c * 16, 16)]
            sl = pl.ds(c * 16, 16)
            if g == 0:
                out_v[sl] = acc
            else:
                out_v[sl] = out_v[sl] + acc
            return 0

        lax.fori_loop(0, CHUNKS, chunk, 0)

    bias_dma.wait()
    for j in range(CHUNKS):
        sl = pl.ds(j * 16, 16)
        out_v[sl] = out_v[sl] + brow_v[sl]
    pltpu.sync_copy(out_v, out_hbm.at[pl.ds(row_base, ROWS_PER_TILE)])


@jax.jit
def _run(rules_t, relation, w_flat, bias_flat):
    mesh = plsc.VectorSubcoreMesh(core_axis_name="c", subcore_axis_name="s")
    f = functools.partial(
        pl.kernel,
        mesh=mesh,
        compiler_params=pltpu.CompilerParams(
            needs_layout_passes=False, use_tc_tiling_on_sc=False),
        out_type=jax.ShapeDtypeStruct((B,), jnp.float32),
        scratch_types=[
            pltpu.VMEM((GROUP_L, ROWS_PER_TILE), jnp.int32),
            pltpu.VMEM((GROUP_L, ROWS_PER_TILE), jnp.int32),
            pltpu.VMEM((GROUP_L, ROWS_PER_TILE), jnp.float32),
            pltpu.VMEM((GROUP_L, ROWS_PER_TILE), jnp.float32),
            pltpu.VMEM((ROWS_PER_TILE,), jnp.int32),
            pltpu.VMEM((ROWS_PER_TILE,), jnp.float32),
            pltpu.VMEM((ROWS_PER_TILE,), jnp.float32),
            pltpu.SemaphoreType.DMA,
            pltpu.SemaphoreType.DMA,
            pltpu.SemaphoreType.DMA,
            pltpu.SemaphoreType.DMA,
            pltpu.SemaphoreType.DMA,
        ],
    )(_sc_body)
    return f(rules_t, relation, w_flat, bias_flat)


def kernel(rules, relation, W, bias):
    out = _run(rules.T, relation, W.reshape(-1), bias.reshape(-1))
    return out.reshape(B, 1)

# --- scband reference (transcript-rebuilt; emitter-appended) ---
"""Pipeline reference for scband-linear-aggregator-45681272160758 (READ-ONLY COPY).

The authoritative reference and input builder live on the scoring server;
editing this copy changes nothing except your own understanding.
"""

import jax, jax.numpy as jnp
import numpy as np

LEN_RULES = 1000000
PAD_TOK = LEN_RULES
NUM_RELATIONS = 500
B = 16384
L = 200


def setup_inputs(seed: int = 0) -> dict:
    key = jax.random.key(seed)
    k1, k2, k3, k4 = jax.random.split(key, 4)
    # forward args (per input_specs)
    rules = jax.random.randint(k1, (B, L), 0, LEN_RULES + 1, dtype=jnp.int32)
    relation = jax.random.randint(k2, (B,), 0, NUM_RELATIONS, dtype=jnp.int32)
    # learned params: nn.Embedding(LEN_RULES+1, 1, padding_idx=PAD_TOK) and bias[num_relations, 1]
    W = jax.random.normal(k3, (LEN_RULES + 1, 1), dtype=jnp.float32) * 0.1
    W = W.at[PAD_TOK].set(0.0)  # padding_idx row zeroed
    bias = jax.random.normal(k4, (NUM_RELATIONS, 1), dtype=jnp.float32) * 0.01
    return {"rules": rules, "relation": relation, "W": W, "bias": bias}


def reference(rules, relation, W, bias):
    # mask = rules == PAD_TOK
    mask = rules == PAD_TOK
    # rules = self.rules(rules)  -> embedding gather [B, L, 1]
    emb = jnp.take(W, rules, axis=0)
    # rules.masked_fill_(mask.unsqueeze(dim=2), 0.0)
    emb = jnp.where(mask[..., None], 0.0, emb)
    # sign_constraint=False, so no squaring
    # logits = rules.sum(dim=1) + self.bias[relation]
    logits = emb.sum(axis=1) + jnp.take(bias, relation, axis=0)
    return logits

if __name__ == "__main__":
    import jax
    _d = setup_inputs()
    print(jax.jit(kernel)(*tuple(_d.values())))

</pallas_src>

<mosaic_0001>
#map = affine_map<(d0, d1) -> (0, 0)>
#map1 = affine_map<(d0, d1) -> (0)>
module attributes {stable_mosaic.version = 14 : i64} {
  func.func @_sc_body(%arg0: i32, %arg1: i32, %arg2: memref<200x16384xi32, #tpu.memory_space<hbm>>, %arg3: memref<16384xi32, #tpu.memory_space<hbm>>, %arg4: memref<1000001xf32, #tpu.memory_space<hbm>>, %arg5: memref<500xf32, #tpu.memory_space<hbm>>, %arg6: memref<16384xf32, #tpu.memory_space<hbm>>, %arg7: memref<40x512xi32, #tpu.memory_space<vmem>>, %arg8: memref<40x512xi32, #tpu.memory_space<vmem>>, %arg9: memref<40x512xf32, #tpu.memory_space<vmem>>, %arg10: memref<40x512xf32, #tpu.memory_space<vmem>>, %arg11: memref<512xi32, #tpu.memory_space<vmem>>, %arg12: memref<512xf32, #tpu.memory_space<vmem>>, %arg13: memref<512xf32, #tpu.memory_space<vmem>>, %arg14: memref<!tpu.dma_semaphore, #tpu.memory_space<semaphore_mem>>, %arg15: memref<!tpu.dma_semaphore, #tpu.memory_space<semaphore_mem>>, %arg16: memref<!tpu.dma_semaphore, #tpu.memory_space<semaphore_mem>>, %arg17: memref<!tpu.dma_semaphore, #tpu.memory_space<semaphore_mem>>, %arg18: memref<!tpu.dma_semaphore, #tpu.memory_space<semaphore_mem>>) attributes {dimension_semantics = [#tpu.dimension_semantics<core_parallel>, #tpu.dimension_semantics<subcore_parallel>], iteration_bounds = array<i64: 2, 16>, scalar_prefetch = 0 : i64, scratch_operands = 12 : i64, tpu.core_type = #tpu.core_type<sc_vector_subcore>, window_params = [{transform_indices = #map}, {transform_indices = #map1}, {transform_indices = #map1}, {transform_indices = #map1}, {transform_indices = #map1}]} {
    %mul3A = arith.constant 2 : i32
    %mul3A_0 = arith.muli %arg1, %mul3A : i32
    %add3A = arith.addi %mul3A_0, %arg0 : i32
    %mul3A_1 = arith.constant 512 : i32
    %mul3A_2 = arith.muli %add3A, %mul3A_1 : i32
    %iota3A = tpu.iota {dimensions = array<i32: 0>} : vector<16xi32>
    "tpu.region"() ({
      %run_scoped3A = tpu.sem_alloc : memref<!tpu.dma_semaphore, #tpu.memory_space<semaphore_mem>>
      %dma_start3A_371 = tpu.memref_slice %arg3[%mul3A_2] : memref<16384xi32, #tpu.memory_space<hbm>> -> memref<512xi32, #tpu.memory_space<hbm>>
      %dma_start3A_372 = tpu.memref_slice %arg3[%mul3A_2] : memref<16384xi32, #tpu.memory_space<hbm>> -> memref<512xi32, #tpu.memory_space<hbm>>
      tpu.enqueue_dma source(%dma_start3A_372 : memref<512xi32, #tpu.memory_space<hbm>>) target(%arg11 : memref<512xi32, #tpu.memory_space<vmem>>) target_semaphore(%run_scoped3A : memref<!tpu.dma_semaphore, #tpu.memory_space<semaphore_mem>>)
      %dma_wait3A_373 = tpu.memref_slice %arg3[%mul3A_2] : memref<16384xi32, #tpu.memory_space<hbm>> -> memref<512xi32, #tpu.memory_space<hbm>>
      %dma_wait3A_374 = tpu.memref_slice %arg3[%mul3A_2] : memref<16384xi32, #tpu.memory_space<hbm>> -> memref<512xi32, #tpu.memory_space<hbm>>
      tpu.wait_dma2 semaphore(%run_scoped3A : memref<!tpu.dma_semaphore, #tpu.memory_space<semaphore_mem>>) src(%dma_wait3A_374 : memref<512xi32, #tpu.memory_space<hbm>>) dst(%arg11 : memref<512xi32, #tpu.memory_space<vmem>>)
      tpu.yield
    }) : () -> ()
    %dma_start3A = arith.constant 0 : i32
    %dma_start3A_3 = tpu.memref_slice %arg5[%dma_start3A] : memref<500xf32, #tpu.memory_space<hbm>> -> memref<500xf32, #tpu.memory_space<hbm>>
    tpu.enqueue_indirect_dma source(%dma_start3A_3 : memref<500xf32, #tpu.memory_space<hbm>>) target(%arg12 : memref<512xf32, #tpu.memory_space<vmem>>) offsets(%arg11 : memref<512xi32, #tpu.memory_space<vmem>>) semaphore(%arg18 : memref<!tpu.dma_semaphore, #tpu.memory_space<semaphore_mem>>)
    %dma_start3A_4 = arith.constant 0 : i32
    %dma_start3A_5 = tpu.memref_slice %arg2[%dma_start3A_4, %mul3A_2] : memref<200x16384xi32, #tpu.memory_space<hbm>> -> memref<40x512xi32, #tpu.memory_space<hbm>>
    %dma_start3A_6 = arith.constant 0 : i32
    %dma_start3A_7 = tpu.memref_slice %arg2[%dma_start3A_6, %mul3A_2] : memref<200x16384xi32, #tpu.memory_space<hbm>> -> memref<40x512xi32, #tpu.memory_space<hbm>>
    tpu.enqueue_dma source(%dma_start3A_7 : memref<40x512xi32, #tpu.memory_space<hbm>>) target(%arg7 : memref<40x512xi32, #tpu.memory_space<vmem>>) target_semaphore(%arg14 : memref<!tpu.dma_semaphore, #tpu.memory_space<semaphore_mem>>)
    %dma_wait3A = arith.constant 0 : i32
    %dma_wait3A_8 = tpu.memref_slice %arg2[%dma_wait3A, %mul3A_2] : memref<200x16384xi32, #tpu.memory_space<hbm>> -> memref<40x512xi32, #tpu.memory_space<hbm>>
    %dma_wait3A_9 = arith.constant 0 : i32
    %dma_wait3A_10 = tpu.memref_slice %arg2[%dma_wait3A_9, %mul3A_2] : memref<200x16384xi32, #tpu.memory_space<hbm>> -> memref<40x512xi32, #tpu.memory_space<hbm>>
    tpu.wait_dma2 semaphore(%arg14 : memref<!tpu.dma_semaphore, #tpu.memory_space<semaphore_mem>>) src(%dma_wait3A_10 : memref<40x512xi32, #tpu.memory_space<hbm>>) dst(%arg7 : memref<40x512xi32, #tpu.memory_space<vmem>>)
    %scan3A = arith.constant 0 : i32
    %scan3A_11 = arith.constant 0 : i32
    %scan3A_12 = arith.constant 40 : i32
    %scan3A_13 = arith.addi %scan3A_11, %scan3A_12 : i32
    %scan3A_14 = arith.constant 1 : i32
    %scan3A_15 = scf.for %scan3A_371 = %scan3A_11 to %scan3A_13 step %scan3A_14 iter_args(%scan3A_372 = %scan3A) -> (i32)  : i32 {
      %dma_start3A_373 = arith.constant 0 : i32
      %dma_start3A_374 = tpu.memref_slice %arg9[%scan3A_371, %dma_start3A_373] : memref<40x512xf32, #tpu.memory_space<vmem>> -> memref<1x512xf32, #tpu.memory_space<vmem>>
      %dma_start3A_375 = tpu.memref_squeeze %dma_start3A_374 : memref<1x512xf32, #tpu.memory_space<vmem>> -> memref<512xf32, #tpu.memory_space<vmem>>
      %dma_start3A_376 = arith.constant 0 : i32
      %dma_start3A_377 = tpu.memref_slice %arg7[%scan3A_371, %dma_start3A_376] : memref<40x512xi32, #tpu.memory_space<vmem>> -> memref<1x512xi32, #tpu.memory_space<vmem>>
      %dma_start3A_378 = tpu.memref_squeeze %dma_start3A_377 : memref<1x512xi32, #tpu.memory_space<vmem>> -> memref<512xi32, #tpu.memory_space<vmem>>
      %dma_start3A_379 = arith.constant 0 : i32
      %dma_start3A_380 = tpu.memref_slice %arg4[%dma_start3A_379] : memref<1000001xf32, #tpu.memory_space<hbm>> -> memref<1000001xf32, #tpu.memory_space<hbm>>
      tpu.enqueue_indirect_dma source(%dma_start3A_380 : memref<1000001xf32, #tpu.memory_space<hbm>>) target(%dma_start3A_375 : memref<512xf32, #tpu.memory_space<vmem>>) offsets(%dma_start3A_378 : memref<512xi32, #tpu.memory_space<vmem>>) semaphore(%arg16 : memref<!tpu.dma_semaphore, #tpu.memory_space<semaphore_mem>>)
      %scan3A_381 = arith.constant 0 : i32
      scf.yield %scan3A_381 : i32
    }
    %scan3A_16 = arith.constant 40 : i32
    %dma_start3A_17 = arith.constant 40 : i32
    %dma_start3A_18 = tpu.memref_slice %arg2[%dma_start3A_17, %mul3A_2] : memref<200x16384xi32, #tpu.memory_space<hbm>> -> memref<40x512xi32, #tpu.memory_space<hbm>>
    %dma_start3A_19 = arith.constant 40 : i32
    %dma_start3A_20 = tpu.memref_slice %arg2[%dma_start3A_19, %mul3A_2] : memref<200x16384xi32, #tpu.memory_space<hbm>> -> memref<40x512xi32, #tpu.memory_space<hbm>>
    tpu.enqueue_dma source(%dma_start3A_20 : memref<40x512xi32, #tpu.memory_space<hbm>>) target(%arg8 : memref<40x512xi32, #tpu.memory_space<vmem>>) target_semaphore(%arg15 : memref<!tpu.dma_semaphore, #tpu.memory_space<semaphore_mem>>)
    %scan3A_21 = arith.constant 0 : i32
    %scan3A_22 = arith.constant 0 : i32
    %scan3A_23 = arith.constant 40 : i32
    %scan3A_24 = arith.addi %scan3A_22, %scan3A_23 : i32
    %scan3A_25 = arith.constant 1 : i32
    %scan3A_26 = scf.for %scan3A_371 = %scan3A_22 to %scan3A_24 step %scan3A_25 iter_args(%scan3A_372 = %scan3A_21) -> (i32)  : i32 {
      %dma_wait3A_373 = arith.constant 0 : i32
      %dma_wait3A_374 = arith.constant 0 : i32
      %dma_wait3A_375 = tpu.memref_slice %arg9[%dma_wait3A_373, %dma_wait3A_374] : memref<40x512xf32, #tpu.memory_space<vmem>> -> memref<1x512xf32, #tpu.memory_space<vmem>>
      %dma_wait3A_376 = tpu.memref_squeeze %dma_wait3A_375 : memref<1x512xf32, #tpu.memory_space<vmem>> -> memref<512xf32, #tpu.memory_space<vmem>>
      %dma_wait3A_377 = arith.constant 0 : i32
      %dma_wait3A_378 = tpu.memref_slice %arg4[%dma_wait3A_377] : memref<1000001xf32, #tpu.memory_space<hbm>> -> memref<512xf32, #tpu.memory_space<hbm>>
      %dma_wait3A_379 = arith.constant 0 : i32
      %dma_wait3A_380 = tpu.memref_slice %arg9[%dma_wait3A_373, %dma_wait3A_379] : memref<40x512xf32, #tpu.memory_space<vmem>> -> memref<1x512xf32, #tpu.memory_space<vmem>>
      %dma_wait3A_381 = tpu.memref_squeeze %dma_wait3A_380 : memref<1x512xf32, #tpu.memory_space<vmem>> -> memref<512xf32, #tpu.memory_space<vmem>>
      %dma_wait3A_382 = arith.constant 0 : i32
      %dma_wait3A_383 = tpu.memref_slice %arg4[%dma_wait3A_382] : memref<1000001xf32, #tpu.memory_space<hbm>> -> memref<512xf32, #tpu.memory_space<hbm>>
      tpu.wait_dma2 semaphore(%arg16 : memref<!tpu.dma_semaphore, #tpu.memory_space<semaphore_mem>>) src(%dma_wait3A_383 : memref<512xf32, #tpu.memory_space<hbm>>) dst(%dma_wait3A_381 : memref<512xf32, #tpu.memory_space<vmem>>)
      %scan3A_384 = arith.constant 0 : i32
      scf.yield %scan3A_384 : i32
    }
    %scan3A_27 = arith.constant 40 : i32
    %dma_wait3A_28 = arith.constant 40 : i32
    %dma_wait3A_29 = tpu.memref_slice %arg2[%dma_wait3A_28, %mul3A_2] : memref<200x16384xi32, #tpu.memory_space<hbm>> -> memref<40x512xi32, #tpu.memory_space<hbm>>
    %dma_wait3A_30 = arith.constant 40 : i32
    %dma_wait3A_31 = tpu.memref_slice %arg2[%dma_wait3A_30, %mul3A_2] : memref<200x16384xi32, #tpu.memory_space<hbm>> -> memref<40x512xi32, #tpu.memory_space<hbm>>
    tpu.wait_dma2 semaphore(%arg15 : memref<!tpu.dma_semaphore, #tpu.memory_space<semaphore_mem>>) src(%dma_wait3A_31 : memref<40x512xi32, #tpu.memory_space<hbm>>) dst(%arg8 : memref<40x512xi32, #tpu.memory_space<vmem>>)
    %scan3A_32 = arith.constant 0 : i32
    %scan3A_33 = arith.constant 0 : i32
    %scan3A_34 = arith.constant 40 : i32
    %scan3A_35 = arith.addi %scan3A_33, %scan3A_34 : i32
    %scan3A_36 = arith.constant 1 : i32
    %scan3A_37 = scf.for %scan3A_371 = %scan3A_33 to %scan3A_35 step %scan3A_36 iter_args(%scan3A_372 = %scan3A_32) -> (i32)  : i32 {
      %dma_start3A_373 = arith.constant 0 : i32
      %dma_start3A_374 = tpu.memref_slice %arg10[%scan3A_371, %dma_start3A_373] : memref<40x512xf32, #tpu.memory_space<vmem>> -> memref<1x512xf32, #tpu.memory_space<vmem>>
      %dma_start3A_375 = tpu.memref_squeeze %dma_start3A_374 : memref<1x512xf32, #tpu.memory_space<vmem>> -> memref<512xf32, #tpu.memory_space<vmem>>
      %dma_start3A_376 = arith.constant 0 : i32
      %dma_start3A_377 = tpu.memref_slice %arg8[%scan3A_371, %dma_start3A_376] : memref<40x512xi32, #tpu.memory_space<vmem>> -> memref<1x512xi32, #tpu.memory_space<vmem>>
      %dma_start3A_378 = tpu.memref_squeeze %dma_start3A_377 : memref<1x512xi32, #tpu.memory_space<vmem>> -> memref<512xi32, #tpu.memory_space<vmem>>
      %dma_start3A_379 = arith.constant 0 : i32
      %dma_start3A_380 = tpu.memref_slice %arg4[%dma_start3A_379] : memref<1000001xf32, #tpu.memory_space<hbm>> -> memref<1000001xf32, #tpu.memory_space<hbm>>
      tpu.enqueue_indirect_dma source(%dma_start3A_380 : memref<1000001xf32, #tpu.memory_space<hbm>>) target(%dma_start3A_375 : memref<512xf32, #tpu.memory_space<vmem>>) offsets(%dma_start3A_378 : memref<512xi32, #tpu.memory_space<vmem>>) semaphore(%arg17 : memref<!tpu.dma_semaphore, #tpu.memory_space<semaphore_mem>>)
      %scan3A_381 = arith.constant 0 : i32
      scf.yield %scan3A_381 : i32
    }
    %scan3A_38 = arith.constant 40 : i32
    %dma_start3A_39 = arith.constant 80 : i32
    %dma_start3A_40 = tpu.memref_slice %arg2[%dma_start3A_39, %mul3A_2] : memref<200x16384xi32, #tpu.memory_space<hbm>> -> memref<40x512xi32, #tpu.memory_space<hbm>>
    %dma_start3A_41 = arith.constant 80 : i32
    %dma_start3A_42 = tpu.memref_slice %arg2[%dma_start3A_41, %mul3A_2] : memref<200x16384xi32, #tpu.memory_space<hbm>> -> memref<40x512xi32, #tpu.memory_space<hbm>>
    tpu.enqueue_dma source(%dma_start3A_42 : memref<40x512xi32, #tpu.memory_space<hbm>>) target(%arg7 : memref<40x512xi32, #tpu.memory_space<vmem>>) target_semaphore(%arg14 : memref<!tpu.dma_semaphore, #tpu.memory_space<semaphore_mem>>)
    %scan3A_43 = arith.constant 0 : i32
    %scan3A_44 = arith.constant 0 : i32
    %scan3A_45 = arith.constant 32 : i32
    %scan3A_46 = arith.addi %scan3A_44, %scan3A_45 : i32
    %scan3A_47 = arith.constant 1 : i32
    %scan3A_48 = scf.for %scan3A_371 = %scan3A_44 to %scan3A_46 step %scan3A_47 iter_args(%scan3A_372 = %scan3A_43) -> (i32)  : i32 {
      %broadcast_in_dim3A = arith.constant 0.000000e+00 : f32
      %broadcast_in_dim3A_373 = vector.broadcast %broadcast_in_dim3A : f32 to vector<16xf32>
      %mul3A_374 = arith.constant 16 : i32
      %mul3A_375 = arith.muli %scan3A_371, %mul3A_374 : i32
      %get3A_376 = arith.constant 0 : i32
      %get3A_377 = arith.index_cast %get3A_376 : i32 to index
      %get3A_378 = arith.index_cast %mul3A_375 : i32 to index
      %get3A_379 = tpu.vector_load %arg9[%get3A_377, %get3A_378] {strides = array<i32>} : memref<40x512xf32, #tpu.memory_space<vmem>>, vector<16xf32>,
      %add3A_380 = arith.addf %broadcast_in_dim3A_373, %get3A_379 : vector<16xf32>
      %mul3A_381 = arith.constant 16 : i32
      %mul3A_382 = arith.muli %scan3A_371, %mul3A_381 : i32
      %get3A_383 = arith.constant 1 : i32
      %get3A_384 = arith.index_cast %get3A_383 : i32 to index
      %get3A_385 = arith.index_cast %mul3A_382 : i32 to index
      %get3A_386 = tpu.vector_load %arg9[%get3A_384, %get3A_385] {strides = array<i32>} : memref<40x512xf32, #tpu.memory_space<vmem>>, vector<16xf32>,
      %add3A_387 = arith.addf %add3A_380, %get3A_386 : vector<16xf32>
      %mul3A_388 = arith.constant 16 : i32
      %mul3A_389 = arith.muli %scan3A_371, %mul3A_388 : i32
      %get3A_390 = arith.constant 2 : i32
      %get3A_391 = arith.index_cast %get3A_390 : i32 to index
      %get3A_392 = arith.index_cast %mul3A_389 : i32 to index
      %get3A_393 = tpu.vector_load %arg9[%get3A_391, %get3A_392] {strides = array<i32>} : memref<40x512xf32, #tpu.memory_space<vmem>>, vector<16xf32>,
      %add3A_394 = arith.addf %add3A_387, %get3A_393 : vector<16xf32>
      %mul3A_395 = arith.constant 16 : i32
      %mul3A_396 = arith.muli %scan3A_371, %mul3A_395 : i32
      %get3A_397 = arith.constant 3 : i32
      %get3A_398 = arith.index_cast %get3A_397 : i32 to index
      %get3A_399 = arith.index_cast %mul3A_396 : i32 to index
      %get3A_400 = tpu.vector_load %arg9[%get3A_398, %get3A_399] {strides = array<i32>} : memref<40x512xf32, #tpu.memory_space<vmem>>, vector<16xf32>,
      %add3A_401 = arith.addf %add3A_394, %get3A_400 : vector<16xf32>
      %mul3A_402 = arith.constant 16 : i32
      %mul3A_403 = arith.muli %scan3A_371, %mul3A_402 : i32
      %get3A_404 = arith.constant 4 : i32
      %get3A_405 = arith.index_cast %get3A_404 : i32 to index
      %get3A_406 = arith.index_cast %mul3A_403 : i32 to index
      %get3A_407 = tpu.vector_load %arg9[%get3A_405, %get3A_406] {strides = array<i32>} : memref<40x512xf32, #tpu.memory_space<vmem>>, vector<16xf32>,
      %add3A_408 = arith.addf %add3A_401, %get3A_407 : vector<16xf32>
      %mul3A_409 = arith.constant 16 : i32
      %mul3A_410 = arith.muli %scan3A_371, %mul3A_409 : i32
      %get3A_411 = arith.constant 5 : i32
      %get3A_412 = arith.index_cast %get3A_411 : i32 to index
      %get3A_413 = arith.index_cast %mul3A_410 : i32 to index
      %get3A_414 = tpu.vector_load %arg9[%get3A_412, %get3A_413] {strides = array<i32>} : memref<40x512xf32, #tpu.memory_space<vmem>>, vector<16xf32>,
      %add3A_415 = arith.addf %add3A_408, %get3A_414 : vector<16xf32>
      %mul3A_416 = arith.constant 16 : i32
      %mul3A_417 = arith.muli %scan3A_371, %mul3A_416 : i32
      %get3A_418 = arith.constant 6 : i32
      %get3A_419 = arith.index_cast %get3A_418 : i32 to index
      %get3A_420 = arith.index_cast %mul3A_417 : i32 to index
      %get3A_421 = tpu.vector_load %arg9[%get3A_419, %get3A_420] {strides = array<i32>} : memref<40x512xf32, #tpu.memory_space<vmem>>, vector<16xf32>,
      %add3A_422 = arith.addf %add3A_415, %get3A_421 : vector<16xf32>
      %mul3A_423 = arith.constant 16 : i32
      %mul3A_424 = arith.muli %scan3A_371, %mul3A_423 : i32
      %get3A_425 = arith.constant 7 : i32
      %get3A_426 = arith.index_cast %get3A_425 : i32 to index
      %get3A_427 = arith.index_cast %mul3A_424 : i32 to index
      %get3A_428 = tpu.vector_load %arg9[%get3A_426, %get3A_427] {strides = array<i32>} : memref<40x512xf32, #tpu.memory_space<vmem>>, vector<16xf32>,
      %add3A_429 = arith.addf %add3A_422, %get3A_428 : vector<16xf32>
      %mul3A_430 = arith.constant 16 : i32
      %mul3A_431 = arith.muli %scan3A_371, %mul3A_430 : i32
      %get3A_432 = arith.constant 8 : i32
      %get3A_433 = arith.index_cast %get3A_432 : i32 to index
      %get3A_434 = arith.index_cast %mul3A_431 : i32 to index
      %get3A_435 = tpu.vector_load %arg9[%get3A_433, %get3A_434] {strides = array<i32>} : memref<40x512xf32, #tpu.memory_space<vmem>>, vector<16xf32>,
      %add3A_436 = arith.addf %add3A_429, %get3A_435 : vector<16xf32>
      %mul3A_437 = arith.constant 16 : i32
      %mul3A_438 = arith.muli %scan3A_371, %mul3A_437 : i32
      %get3A_439 = arith.constant 9 : i32
      %get3A_440 = arith.index_cast %get3A_439 : i32 to index
      %get3A_441 = arith.index_cast %mul3A_438 : i32 to index
      %get3A_442 = tpu.vector_load %arg9[%get3A_440, %get3A_441] {strides = array<i32>} : memref<40x512xf32, #tpu.memory_space<vmem>>, vector<16xf32>,
      %add3A_443 = arith.addf %add3A_436, %get3A_442 : vector<16xf32>
      %mul3A_444 = arith.constant 16 : i32
      %mul3A_445 = arith.muli %scan3A_371, %mul3A_444 : i32
      %get3A_446 = arith.constant 10 : i32
      %get3A_447 = arith.index_cast %get3A_446 : i32 to index
      %get3A_448 = arith.index_cast %mul3A_445 : i32 to index
      %get3A_449 = tpu.vector_load %arg9[%get3A_447, %get3A_448] {strides = array<i32>} : memref<40x512xf32, #tpu.memory_space<vmem>>, vector<16xf32>,
      %add3A_450 = arith.addf %add3A_443, %get3A_449 : vector<16xf32>
      %mul3A_451 = arith.constant 16 : i32
      %mul3A_452 = arith.muli %scan3A_371, %mul3A_451 : i32
      %get3A_453 = arith.constant 11 : i32
      %get3A_454 = arith.index_cast %get3A_453 : i32 to index
      %get3A_455 = arith.index_cast %mul3A_452 : i32 to index
      %get3A_456 = tpu.vector_load %arg9[%get3A_454, %get3A_455] {strides = array<i32>} : memref<40x512xf32, #tpu.memory_space<vmem>>, vector<16xf32>,
      %add3A_457 = arith.addf %add3A_450, %get3A_456 : vector<16xf32>
      %mul3A_458 = arith.constant 16 : i32
      %mul3A_459 = arith.muli %scan3A_371, %mul3A_458 : i32
      %get3A_460 = arith.constant 12 : i32
      %get3A_461 = arith.index_cast %get3A_460 : i32 to index
      %get3A_462 = arith.index_cast %mul3A_459 : i32 to index
      %get3A_463 = tpu.vector_load %arg9[%get3A_461, %get3A_462] {strides = array<i32>} : memref<40x512xf32, #tpu.memory_space<vmem>>, vector<16xf32>,
      %add3A_464 = arith.addf %add3A_457, %get3A_463 : vector<16xf32>
      %mul3A_465 = arith.constant 16 : i32
      %mul3A_466 = arith.muli %scan3A_371, %mul3A_465 : i32
      %get3A_467 = arith.constant 13 : i32
      %get3A_468 = arith.index_cast %get3A_467 : i32 to index
      %get3A_469 = arith.index_cast %mul3A_466 : i32 to index
      %get3A_470 = tpu.vector_load %arg9[%get3A_468, %get3A_469] {strides = array<i32>} : memref<40x512xf32, #tpu.memory_space<vmem>>, vector<16xf32>,
      %add3A_471 = arith.addf %add3A_464, %get3A_470 : vector<16xf32>
      %mul3A_472 = arith.constant 16 : i32
      %mul3A_473 = arith.muli %scan3A_371, %mul3A_472 : i32
      %get3A_474 = arith.constant 14 : i32
      %get3A_475 = arith.index_cast %get3A_474 : i32 to index
      %get3A_476 = arith.index_cast %mul3A_473 : i32 to index
      %get3A_477 = tpu.vector_load %arg9[%get3A_475, %get3A_476] {strides = array<i32>} : memref<40x512xf32, #tpu.memory_space<vmem>>, vector<16xf32>,
      %add3A_478 = arith.addf %add3A_471, %get3A_477 : vector<16xf32>
      %mul3A_479 = arith.constant 16 : i32
      %mul3A_480 = arith.muli %scan3A_371, %mul3A_479 : i32
      %get3A_481 = arith.constant 15 : i32
      %get3A_482 = arith.index_cast %get3A_481 : i32 to index
      %get3A_483 = arith.index_cast %mul3A_480 : i32 to index
      %get3A_484 = tpu.vector_load %arg9[%get3A_482, %get3A_483] {strides = array<i32>} : memref<40x512xf32, #tpu.memory_space<vmem>>, vector<16xf32>,
      %add3A_485 = arith.addf %add3A_478, %get3A_484 : vector<16xf32>
      %mul3A_486 = arith.constant 16 : i32
      %mul3A_487 = arith.muli %scan3A_371, %mul3A_486 : i32
      %get3A_488 = arith.constant 16 : i32
      %get3A_489 = arith.index_cast %get3A_488 : i32 to index
      %get3A_490 = arith.index_cast %mul3A_487 : i32 to index
      %get3A_491 = tpu.vector_load %arg9[%get3A_489, %get3A_490] {strides = array<i32>} : memref<40x512xf32, #tpu.memory_space<vmem>>, vector<16xf32>,
      %add3A_492 = arith.addf %add3A_485, %get3A_491 : vector<16xf32>
      %mul3A_493 = arith.constant 16 : i32
      %mul3A_494 = arith.muli %scan3A_371, %mul3A_493 : i32
      %get3A_495 = arith.constant 17 : i32
      %get3A_496 = arith.index_cast %get3A_495 : i32 to index
      %get3A_497 = arith.index_cast %mul3A_494 : i32 to index
      %get3A_498 = tpu.vector_load %arg9[%get3A_496, %get3A_497] {strides = array<i32>} : memref<40x512xf32, #tpu.memory_space<vmem>>, vector<16xf32>,
      %add3A_499 = arith.addf %add3A_492, %get3A_498 : vector<16xf32>
      %mul3A_500 = arith.constant 16 : i32
      %mul3A_501 = arith.muli %scan3A_371, %mul3A_500 : i32
      %get3A_502 = arith.constant 18 : i32
      %get3A_503 = arith.index_cast %get3A_502 : i32 to index
      %get3A_504 = arith.index_cast %mul3A_501 : i32 to index
      %get3A_505 = tpu.vector_load %arg9[%get3A_503, %get3A_504] {strides = array<i32>} : memref<40x512xf32, #tpu.memory_space<vmem>>, vector<16xf32>,
      %add3A_506 = arith.addf %add3A_499, %get3A_505 : vector<16xf32>
      %mul3A_507 = arith.constant 16 : i32
      %mul3A_508 = arith.muli %scan3A_371, %mul3A_507 : i32
      %get3A_509 = arith.constant 19 : i32
      %get3A_510 = arith.index_cast %get3A_509 : i32 to index
      %get3A_511 = arith.index_cast %mul3A_508 : i32 to index
      %get3A_512 = tpu.vector_load %arg9[%get3A_510, %get3A_511] {strides = array<i32>} : memref<40x512xf32, #tpu.memory_space<vmem>>, vector<16xf32>,
      %add3A_513 = arith.addf %add3A_506, %get3A_512 : vector<16xf32>
      %mul3A_514 = arith.constant 16 : i32
      %mul3A_515 = arith.muli %scan3A_371, %mul3A_514 : i32
      %get3A_516 = arith.constant 20 : i32
      %get3A_517 = arith.index_cast %get3A_516 : i32 to index
      %get3A_518 = arith.index_cast %mul3A_515 : i32 to index
      %get3A_519 = tpu.vector_load %arg9[%get3A_517, %get3A_518] {strides = array<i32>} : memref<40x512xf32, #tpu.memory_space<vmem>>, vector<16xf32>,
      %add3A_520 = arith.addf %add3A_513, %get3A_519 : vector<16xf32>
      %mul3A_521 = arith.constant 16 : i32
      %mul3A_522 = arith.muli %scan3A_371, %mul3A_521 : i32
      %get3A_523 = arith.constant 21 : i32
      %get3A_524 = arith.index_cast %get3A_523 : i32 to index
      %get3A_525 = arith.index_cast %mul3A_522 : i32 to index
      %get3A_526 = tpu.vector_load %arg9[%get3A_524, %get3A_525] {strides = array<i32>} : memref<40x512xf32, #tpu.memory_space<vmem>>, vector<16xf32>,
      %add3A_527 = arith.addf %add3A_520, %get3A_526 : vector<16xf32>
      %mul3A_528 = arith.constant 16 : i32
      %mul3A_529 = arith.muli %scan3A_371, %mul3A_528 : i32
      %get3A_530 = arith.constant 22 : i32
      %get3A_531 = arith.index_cast %get3A_530 : i32 to index
      %get3A_532 = arith.index_cast %mul3A_529 : i32 to index
      %get3A_533 = tpu.vector_load %arg9[%get3A_531, %get3A_532] {strides = array<i32>} : memref<40x512xf32, #tpu.memory_space<vmem>>, vector<16xf32>,
      %add3A_534 = arith.addf %add3A_527, %get3A_533 : vector<16xf32>
      %mul3A_535 = arith.constant 16 : i32
      %mul3A_536 = arith.muli %scan3A_371, %mul3A_535 : i32
      %get3A_537 = arith.constant 23 : i32
      %get3A_538 = arith.index_cast %get3A_537 : i32 to index
      %get3A_539 = arith.index_cast %mul3A_536 : i32 to index
      %get3A_540 = tpu.vector_load %arg9[%get3A_538, %get3A_539] {strides = array<i32>} : memref<40x512xf32, #tpu.memory_space<vmem>>, vector<16xf32>,
      %add3A_541 = arith.addf %add3A_534, %get3A_540 : vector<16xf32>
      %mul3A_542 = arith.constant 16 : i32
      %mul3A_543 = arith.muli %scan3A_371, %mul3A_542 : i32
      %get3A_544 = arith.constant 24 : i32
      %get3A_545 = arith.index_cast %get3A_544 : i32 to index
      %get3A_546 = arith.index_cast %mul3A_543 : i32 to index
      %get3A_547 = tpu.vector_load %arg9[%get3A_545, %get3A_546] {strides = array<i32>} : memref<40x512xf32, #tpu.memory_space<vmem>>, vector<16xf32>,
      %add3A_548 = arith.addf %add3A_541, %get3A_547 : vector<16xf32>
      %mul3A_549 = arith.constant 16 : i32
      %mul3A_550 = arith.muli %scan3A_371, %mul3A_549 : i32
      %get3A_551 = arith.constant 25 : i32
      %get3A_552 = arith.index_cast %get3A_551 : i32 to index
      %get3A_553 = arith.index_cast %mul3A_550 : i32 to index
      %get3A_554 = tpu.vector_load %arg9[%get3A_552, %get3A_553] {strides = array<i32>} : memref<40x512xf32, #tpu.memory_space<vmem>>, vector<16xf32>,
      %add3A_555 = arith.addf %add3A_548, %get3A_554 : vector<16xf32>
      %mul3A_556 = arith.constant 16 : i32
      %mul3A_557 = arith.muli %scan3A_371, %mul3A_556 : i32
      %get3A_558 = arith.constant 26 : i32
      %get3A_559 = arith.index_cast %get3A_558 : i32 to index
      %get3A_560 = arith.index_cast %mul3A_557 : i32 to index
      %get3A_561 = tpu.vector_load %arg9[%get3A_559, %get3A_560] {strides = array<i32>} : memref<40x512xf32, #tpu.memory_space<vmem>>, vector<16xf32>,
      %add3A_562 = arith.addf %add3A_555, %get3A_561 : vector<16xf32>
      %mul3A_563 = arith.constant 16 : i32
      %mul3A_564 = arith.muli %scan3A_371, %mul3A_563 : i32
      %get3A_565 = arith.constant 27 : i32
      %get3A_566 = arith.index_cast %get3A_565 : i32 to index
      %get3A_567 = arith.index_cast %mul3A_564 : i32 to index
      %get3A_568 = tpu.vector_load %arg9[%get3A_566, %get3A_567] {strides = array<i32>} : memref<40x512xf32, #tpu.memory_space<vmem>>, vector<16xf32>,
      %add3A_569 = arith.addf %add3A_562, %get3A_568 : vector<16xf32>
      %mul3A_570 = arith.constant 16 : i32
      %mul3A_571 = arith.muli %scan3A_371, %mul3A_570 : i32
      %get3A_572 = arith.constant 28 : i32
      %get3A_573 = arith.index_cast %get3A_572 : i32 to index
      %get3A_574 = arith.index_cast %mul3A_571 : i32 to index
      %get3A_575 = tpu.vector_load %arg9[%get3A_573, %get3A_574] {strides = array<i32>} : memref<40x512xf32, #tpu.memory_space<vmem>>, vector<16xf32>,
      %add3A_576 = arith.addf %add3A_569, %get3A_575 : vector<16xf32>
      %mul3A_577 = arith.constant 16 : i32
      %mul3A_578 = arith.muli %scan3A_371, %mul3A_577 : i32
      %get3A_579 = arith.constant 29 : i32
      %get3A_580 = arith.index_cast %get3A_579 : i32 to index
      %get3A_581 = arith.index_cast %mul3A_578 : i32 to index
      %get3A_582 = tpu.vector_load %arg9[%get3A_580, %get3A_581] {strides = array<i32>} : memref<40x512xf32, #tpu.memory_space<vmem>>, vector<16xf32>,
      %add3A_583 = arith.addf %add3A_576, %get3A_582 : vector<16xf32>
      %mul3A_584 = arith.constant 16 : i32
      %mul3A_585 = arith.muli %scan3A_371, %mul3A_584 : i32
      %get3A_586 = arith.constant 30 : i32
      %get3A_587 = arith.index_cast %get3A_586 : i32 to index
      %get3A_588 = arith.index_cast %mul3A_585 : i32 to index
      %get3A_589 = tpu.vector_load %arg9[%get3A_587, %get3A_588] {strides = array<i32>} : memref<40x512xf32, #tpu.memory_space<vmem>>, vector<16xf32>,
      %add3A_590 = arith.addf %add3A_583, %get3A_589 : vector<16xf32>
      %mul3A_591 = arith.constant 16 : i32
      %mul3A_592 = arith.muli %scan3A_371, %mul3A_591 : i32
      %get3A_593 = arith.constant 31 : i32
      %get3A_594 = arith.index_cast %get3A_593 : i32 to index
      %get3A_595 = arith.index_cast %mul3A_592 : i32 to index
      %get3A_596 = tpu.vector_load %arg9[%get3A_594, %get3A_595] {strides = array<i32>} : memref<40x512xf32, #tpu.memory_space<vmem>>, vector<16xf32>,
      %add3A_597 = arith.addf %add3A_590, %get3A_596 : vector<16xf32>
      %mul3A_598 = arith.constant 16 : i32
      %mul3A_599 = arith.muli %scan3A_371, %mul3A_598 : i32
      %get3A_600 = arith.constant 32 : i32
      %get3A_601 = arith.index_cast %get3A_600 : i32 to index
      %get3A_602 = arith.index_cast %mul3A_599 : i32 to index
      %get3A_603 = tpu.vector_load %arg9[%get3A_601, %get3A_602] {strides = array<i32>} : memref<40x512xf32, #tpu.memory_space<vmem>>, vector<16xf32>,
      %add3A_604 = arith.addf %add3A_597, %get3A_603 : vector<16xf32>
      %mul3A_605 = arith.constant 16 : i32
      %mul3A_606 = arith.muli %scan3A_371, %mul3A_605 : i32
      %get3A_607 = arith.constant 33 : i32
      %get3A_608 = arith.index_cast %get3A_607 : i32 to index
      %get3A_609 = arith.index_cast %mul3A_606 : i32 to index
      %get3A_610 = tpu.vector_load %arg9[%get3A_608, %get3A_609] {strides = array<i32>} : memref<40x512xf32, #tpu.memory_space<vmem>>, vector<16xf32>,
      %add3A_611 = arith.addf %add3A_604, %get3A_610 : vector<16xf32>
      %mul3A_612 = arith.constant 16 : i32
      %mul3A_613 = arith.muli %scan3A_371, %mul3A_612 : i32
      %get3A_614 = arith.constant 34 : i32
      %get3A_615 = arith.index_cast %get3A_614 : i32 to index
      %get3A_616 = arith.index_cast %mul3A_613 : i32 to index
      %get3A_617 = tpu.vector_load %arg9[%get3A_615, %get3A_616] {strides = array<i32>} : memref<40x512xf32, #tpu.memory_space<vmem>>, vector<16xf32>,
      %add3A_618 = arith.addf %add3A_611, %get3A_617 : vector<16xf32>
      %mul3A_619 = arith.constant 16 : i32
      %mul3A_620 = arith.muli %scan3A_371, %mul3A_619 : i32
      %get3A_621 = arith.constant 35 : i32
      %get3A_622 = arith.index_cast %get3A_621 : i32 to index
      %get3A_623 = arith.index_cast %mul3A_620 : i32 to index
      %get3A_624 = tpu.vector_load %arg9[%get3A_622, %get3A_623] {strides = array<i32>} : memref<40x512xf32, #tpu.memory_space<vmem>>, vector<16xf32>,
      %add3A_625 = arith.addf %add3A_618, %get3A_624 : vector<16xf32>
      %mul3A_626 = arith.constant 16 : i32
      %mul3A_627 = arith.muli %scan3A_371, %mul3A_626 : i32
      %get3A_628 = arith.constant 36 : i32
      %get3A_629 = arith.index_cast %get3A_628 : i32 to index
      %get3A_630 = arith.index_cast %mul3A_627 : i32 to index
      %get3A_631 = tpu.vector_load %arg9[%get3A_629, %get3A_630] {strides = array<i32>} : memref<40x512xf32, #tpu.memory_space<vmem>>, vector<16xf32>,
      %add3A_632 = arith.addf %add3A_625, %get3A_631 : vector<16xf32>
      %mul3A_633 = arith.constant 16 : i32
      %mul3A_634 = arith.muli %scan3A_371, %mul3A_633 : i32
      %get3A_635 = arith.constant 37 : i32
      %get3A_636 = arith.index_cast %get3A_635 : i32 to index
      %get3A_637 = arith.index_cast %mul3A_634 : i32 to index
      %get3A_638 = tpu.vector_load %arg9[%get3A_636, %get3A_637] {strides = array<i32>} : memref<40x512xf32, #tpu.memory_space<vmem>>, vector<16xf32>,
      %add3A_639 = arith.addf %add3A_632, %get3A_638 : vector<16xf32>
      %mul3A_640 = arith.constant 16 : i32
      %mul3A_641 = arith.muli %scan3A_371, %mul3A_640 : i32
      %get3A_642 = arith.constant 38 : i32
      %get3A_643 = arith.index_cast %get3A_642 : i32 to index
      %get3A_644 = arith.index_cast %mul3A_641 : i32 to index
      %get3A_645 = tpu.vector_load %arg9[%get3A_643, %get3A_644] {strides = array<i32>} : memref<40x512xf32, #tpu.memory_space<vmem>>, vector<16xf32>,
      %add3A_646 = arith.addf %add3A_639, %get3A_645 : vector<16xf32>
      %mul3A_647 = arith.constant 16 : i32
      %mul3A_648 = arith.muli %scan3A_371, %mul3A_647 : i32
      %get3A_649 = arith.constant 39 : i32
      %get3A_650 = arith.index_cast %get3A_649 : i32 to index
      %get3A_651 = arith.index_cast %mul3A_648 : i32 to index
      %get3A_652 = tpu.vector_load %arg9[%get3A_650, %get3A_651] {strides = array<i32>} : memref<40x512xf32, #tpu.memory_space<vmem>>, vector<16xf32>,
      %add3A_653 = arith.addf %add3A_646, %get3A_652 : vector<16xf32>
      %mul3A_654 = arith.constant 16 : i32
      %mul3A_655 = arith.muli %scan3A_371, %mul3A_654 : i32
      %swap3A_656 = arith.index_cast %mul3A_655 : i32 to index
      %swap3A_657 = tpu.vector_load %arg13[%swap3A_656] {strides = array<i32>} : memref<512xf32, #tpu.memory_space<vmem>>, vector<16xf32>,
      tpu.vector_store %arg13[%swap3A_656], %add3A_653 {strides = array<i32>} : memref<512xf32, #tpu.memory_space<vmem>>, vector<16xf32>,
      %scan3A_658 = arith.constant 0 : i32
      scf.yield %scan3A_658 : i32
    }
    %scan3A_49 = arith.constant 32 : i32
    %scan3A_50 = arith.constant 0 : i32
    %scan3A_51 = arith.constant 0 : i32
    %scan3A_52 = arith.constant 40 : i32
    %scan3A_53 = arith.addi %scan3A_51, %scan3A_52 : i32
    %scan3A_54 = arith.constant 1 : i32
    %scan3A_55 = scf.for %scan3A_371 = %scan3A_51 to %scan3A_53 step %scan3A_54 iter_args(%scan3A_372 = %scan3A_50) -> (i32)  : i32 {
      %dma_wait3A_373 = arith.constant 0 : i32
      %dma_wait3A_374 = arith.constant 0 : i32
      %dma_wait3A_375 = tpu.memref_slice %arg10[%dma_wait3A_373, %dma_wait3A_374] : memref<40x512xf32, #tpu.memory_space<vmem>> -> memref<1x512xf32, #tpu.memory_space<vmem>>
      %dma_wait3A_376 = tpu.memref_squeeze %dma_wait3A_375 : memref<1x512xf32, #tpu.memory_space<vmem>> -> memref<512xf32, #tpu.memory_space<vmem>>
      %dma_wait3A_377 = arith.constant 0 : i32
      %dma_wait3A_378 = tpu.memref_slice %arg4[%dma_wait3A_377] : memref<1000001xf32, #tpu.memory_space<hbm>> -> memref<512xf32, #tpu.memory_space<hbm>>
      %dma_wait3A_379 = arith.constant 0 : i32
      %dma_wait3A_380 = tpu.memref_slice %arg10[%dma_wait3A_373, %dma_wait3A_379] : memref<40x512xf32, #tpu.memory_space<vmem>> -> memref<1x512xf32, #tpu.memory_space<vmem>>
      %dma_wait3A_381 = tpu.memref_squeeze %dma_wait3A_380 : memref<1x512xf32, #tpu.memory_space<vmem>> -> memref<512xf32, #tpu.memory_space<vmem>>
      %dma_wait3A_382 = arith.constant 0 : i32
      %dma_wait3A_383 = tpu.memref_slice %arg4[%dma_wait3A_382] : memref<1000001xf32, #tpu.memory_space<hbm>> -> memref<512xf32, #tpu.memory_space<hbm>>
      tpu.wait_dma2 semaphore(%arg17 : memref<!tpu.dma_semaphore, #tpu.memory_space<semaphore_mem>>) src(%dma_wait3A_383 : memref<512xf32, #tpu.memory_space<hbm>>) dst(%dma_wait3A_381 : memref<512xf32, #tpu.memory_space<vmem>>)
      %scan3A_384 = arith.constant 0 : i32
      scf.yield %scan3A_384 : i32
    }
    %scan3A_56 = arith.constant 40 : i32
    %dma_wait3A_57 = arith.constant 80 : i32
    %dma_wait3A_58 = tpu.memref_slice %arg2[%dma_wait3A_57, %mul3A_2] : memref<200x16384xi32, #tpu.memory_space<hbm>> -> memref<40x512xi32, #tpu.memory_space<hbm>>
    %dma_wait3A_59 = arith.constant 80 : i32
    %dma_wait3A_60 = tpu.memref_slice %arg2[%dma_wait3A_59, %mul3A_2] : memref<200x16384xi32, #tpu.memory_space<hbm>> -> memref<40x512xi32, #tpu.memory_space<hbm>>
    tpu.wait_dma2 semaphore(%arg14 : memref<!tpu.dma_semaphore, #tpu.memory_space<semaphore_mem>>) src(%dma_wait3A_60 : memref<40x512xi32, #tpu.memory_space<hbm>>) dst(%arg7 : memref<40x512xi32, #tpu.memory_space<vmem>>)
    %scan3A_61 = arith.constant 0 : i32
    %scan3A_62 = arith.constant 0 : i32
    %scan3A_63 = arith.constant 40 : i32
    %scan3A_64 = arith.addi %scan3A_62, %scan3A_63 : i32
    %scan3A_65 = arith.constant 1 : i32
    %scan3A_66 = scf.for %scan3A_371 = %scan3A_62 to %scan3A_64 step %scan3A_65 iter_args(%scan3A_372 = %scan3A_61) -> (i32)  : i32 {
      %dma_start3A_373 = arith.constant 0 : i32
      %dma_start3A_374 = tpu.memref_slice %arg9[%scan3A_371, %dma_start3A_373] : memref<40x512xf32, #tpu.memory_space<vmem>> -> memref<1x512xf32, #tpu.memory_space<vmem>>
      %dma_start3A_375 = tpu.memref_squeeze %dma_start3A_374 : memref<1x512xf32, #tpu.memory_space<vmem>> -> memref<512xf32, #tpu.memory_space<vmem>>
      %dma_start3A_376 = arith.constant 0 : i32
      %dma_start3A_377 = tpu.memref_slice %arg7[%scan3A_371, %dma_start3A_376] : memref<40x512xi32, #tpu.memory_space<vmem>> -> memref<1x512xi32, #tpu.memory_space<vmem>>
      %dma_start3A_378 = tpu.memref_squeeze %dma_start3A_377 : memref<1x512xi32, #tpu.memory_space<vmem>> -> memref<512xi32, #tpu.memory_space<vmem>>
      %dma_start3A_379 = arith.constant 0 : i32
      %dma_start3A_380 = tpu.memref_slice %arg4[%dma_start3A_379] : memref<1000001xf32, #tpu.memory_space<hbm>> -> memref<1000001xf32, #tpu.memory_space<hbm>>
      tpu.enqueue_indirect_dma source(%dma_start3A_380 : memref<1000001xf32, #tpu.memory_space<hbm>>) target(%dma_start3A_375 : memref<512xf32, #tpu.memory_space<vmem>>) offsets(%dma_start3A_378 : memref<512xi32, #tpu.memory_space<vmem>>) semaphore(%arg16 : memref<!tpu.dma_semaphore, #tpu.memory_space<semaphore_mem>>)
      %scan3A_381 = arith.constant 0 : i32
      scf.yield %scan3A_381 : i32
    }
    %scan3A_67 = arith.constant 40 : i32
    %dma_start3A_68 = arith.constant 120 : i32
    %dma_start3A_69 = tpu.memref_slice %arg2[%dma_start3A_68, %mul3A_2] : memref<200x16384xi32, #tpu.memory_space<hbm>> -> memref<40x512xi32, #tpu.memory_space<hbm>>
    %dma_start3A_70 = arith.constant 120 : i32
    %dma_start3A_71 = tpu.memref_slice %arg2[%dma_start3A_70, %mul3A_2] : memref<200x16384xi32, #tpu.memory_space<hbm>> -> memref<40x512xi32, #tpu.memory_space<hbm>>
    tpu.enqueue_dma source(%dma_start3A_71 : memref<40x512xi32, #tpu.memory_space<hbm>>) target(%arg8 : memref<40x512xi32, #tpu.memory_space<vmem>>) target_semaphore(%arg15 : memref<!tpu.dma_semaphore, #tpu.memory_space<semaphore_mem>>)
    %scan3A_72 = arith.constant 0 : i32
    %scan3A_73 = arith.constant 0 : i32
    %scan3A_74 = arith.constant 32 : i32
    %scan3A_75 = arith.addi %scan3A_73, %scan3A_74 : i32
    %scan3A_76 = arith.constant 1 : i32
    %scan3A_77 = scf.for %scan3A_371 = %scan3A_73 to %scan3A_75 step %scan3A_76 iter_args(%scan3A_372 = %scan3A_72) -> (i32)  : i32 {
      %broadcast_in_dim3A = arith.constant 0.000000e+00 : f32
      %broadcast_in_dim3A_373 = vector.broadcast %broadcast_in_dim3A : f32 to vector<16xf32>
      %mul3A_374 = arith.constant 16 : i32
      %mul3A_375 = arith.muli %scan3A_371, %mul3A_374 : i32
      %get3A_376 = arith.constant 0 : i32
      %get3A_377 = arith.index_cast %get3A_376 : i32 to index
      %get3A_378 = arith.index_cast %mul3A_375 : i32 to index
      %get3A_379 = tpu.vector_load %arg10[%get3A_377, %get3A_378] {strides = array<i32>} : memref<40x512xf32, #tpu.memory_space<vmem>>, vector<16xf32>,
      %add3A_380 = arith.addf %broadcast_in_dim3A_373, %get3A_379 : vector<16xf32>
      %mul3A_381 = arith.constant 16 : i32
      %mul3A_382 = arith.muli %scan3A_371, %mul3A_381 : i32
      %get3A_383 = arith.constant 1 : i32
      %get3A_384 = arith.index_cast %get3A_383 : i32 to index
      %get3A_385 = arith.index_cast %mul3A_382 : i32 to index
      %get3A_386 = tpu.vector_load %arg10[%get3A_384, %get3A_385] {strides = array<i32>} : memref<40x512xf32, #tpu.memory_space<vmem>>, vector<16xf32>,
      %add3A_387 = arith.addf %add3A_380, %get3A_386 : vector<16xf32>
      %mul3A_388 = arith.constant 16 : i32
      %mul3A_389 = arith.muli %scan3A_371, %mul3A_388 : i32
      %get3A_390 = arith.constant 2 : i32
      %get3A_391 = arith.index_cast %get3A_390 : i32 to index
      %get3A_392 = arith.index_cast %mul3A_389 : i32 to index
      %get3A_393 = tpu.vector_load %arg10[%get3A_391, %get3A_392] {strides = array<i32>} : memref<40x512xf32, #tpu.memory_space<vmem>>, vector<16xf32>,
      %add3A_394 = arith.addf %add3A_387, %get3A_393 : vector<16xf32>
      %mul3A_395 = arith.constant 16 : i32
      %mul3A_396 = arith.muli %scan3A_371, %mul3A_395 : i32
      %get3A_397 = arith.constant 3 : i32
      %get3A_398 = arith.index_cast %get3A_397 : i32 to index
      %get3A_399 = arith.index_cast %mul3A_396 : i32 to index
      %get3A_400 = tpu.vector_load %arg10[%get3A_398, %get3A_399] {strides = array<i32>} : memref<40x512xf32, #tpu.memory_space<vmem>>, vector<16xf32>,
      %add3A_401 = arith.addf %add3A_394, %get3A_400 : vector<16xf32>
      %mul3A_402 = arith.constant 16 : i32
      %mul3A_403 = arith.muli %scan3A_371, %mul3A_402 : i32
      %get3A_404 = arith.constant 4 : i32
      %get3A_405 = arith.index_cast %get3A_404 : i32 to index
      %get3A_406 = arith.index_cast %mul3A_403 : i32 to index
      %get3A_407 = tpu.vector_load %arg10[%get3A_405, %get3A_406] {strides = array<i32>} : memref<40x512xf32, #tpu.memory_space<vmem>>, vector<16xf32>,
      %add3A_408 = arith.addf %add3A_401, %get3A_407 : vector<16xf32>
      %mul3A_409 = arith.constant 16 : i32
      %mul3A_410 = arith.muli %scan3A_371, %mul3A_409 : i32
      %get3A_411 = arith.constant 5 : i32
      %get3A_412 = arith.index_cast %get3A_411 : i32 to index
      %get3A_413 = arith.index_cast %mul3A_410 : i32 to index
      %get3A_414 = tpu.vector_load %arg10[%get3A_412, %get3A_413] {strides = array<i32>} : memref<40x512xf32, #tpu.memory_space<vmem>>, vector<16xf32>,
      %add3A_415 = arith.addf %add3A_408, %get3A_414 : vector<16xf32>
      %mul3A_416 = arith.constant 16 : i32
      %mul3A_417 = arith.muli %scan3A_371, %mul3A_416 : i32
      %get3A_418 = arith.constant 6 : i32
      %get3A_419 = arith.index_cast %get3A_418 : i32 to index
      %get3A_420 = arith.index_cast %mul3A_417 : i32 to index
      %get3A_421 = tpu.vector_load %arg10[%get3A_419, %get3A_420] {strides = array<i32>} : memref<40x512xf32, #tpu.memory_space<vmem>>, vector<16xf32>,
      %add3A_422 = arith.addf %add3A_415, %get3A_421 : vector<16xf32>
      %mul3A_423 = arith.constant 16 : i32
      %mul3A_424 = arith.muli %scan3A_371, %mul3A_423 : i32
      %get3A_425 = arith.constant 7 : i32
      %get3A_426 = arith.index_cast %get3A_425 : i32 to index
      %get3A_427 = arith.index_cast %mul3A_424 : i32 to index
      %get3A_428 = tpu.vector_load %arg10[%get3A_426, %get3A_427] {strides = array<i32>} : memref<40x512xf32, #tpu.memory_space<vmem>>, vector<16xf32>,
      %add3A_429 = arith.addf %add3A_422, %get3A_428 : vector<16xf32>
      %mul3A_430 = arith.constant 16 : i32
      %mul3A_431 = arith.muli %scan3A_371, %mul3A_430 : i32
      %get3A_432 = arith.constant 8 : i32
      %get3A_433 = arith.index_cast %get3A_432 : i32 to index
      %get3A_434 = arith.index_cast %mul3A_431 : i32 to index
      %get3A_435 = tpu.vector_load %arg10[%get3A_433, %get3A_434] {strides = array<i32>} : memref<40x512xf32, #tpu.memory_space<vmem>>, vector<16xf32>,
      %add3A_436 = arith.addf %add3A_429, %get3A_435 : vector<16xf32>
      %mul3A_437 = arith.constant 16 : i32
      %mul3A_438 = arith.muli %scan3A_371, %mul3A_437 : i32
      %get3A_439 = arith.constant 9 : i32
      %get3A_440 = arith.index_cast %get3A_439 : i32 to index
      %get3A_441 = arith.index_cast %mul3A_438 : i32 to index
      %get3A_442 = tpu.vector_load %arg10[%get3A_440, %get3A_441] {strides = array<i32>} : memref<40x512xf32, #tpu.memory_space<vmem>>, vector<16xf32>,
      %add3A_443 = arith.addf %add3A_436, %get3A_442 : vector<16xf32>
      %mul3A_444 = arith.constant 16 : i32
      %mul3A_445 = arith.muli %scan3A_371, %mul3A_444 : i32
      %get3A_446 = arith.constant 10 : i32
      %get3A_447 = arith.index_cast %get3A_446 : i32 to index
      %get3A_448 = arith.index_cast %mul3A_445 : i32 to index
      %get3A_449 = tpu.vector_load %arg10[%get3A_447, %get3A_448] {strides = array<i32>} : memref<40x512xf32, #tpu.memory_space<vmem>>, vector<16xf32>,
      %add3A_450 = arith.addf %add3A_443, %get3A_449 : vector<16xf32>
      %mul3A_451 = arith.constant 16 : i32
      %mul3A_452 = arith.muli %scan3A_371, %mul3A_451 : i32
      %get3A_453 = arith.constant 11 : i32
      %get3A_454 = arith.index_cast %get3A_453 : i32 to index
      %get3A_455 = arith.index_cast %mul3A_452 : i32 to index
      %get3A_456 = tpu.vector_load %arg10[%get3A_454, %get3A_455] {strides = array<i32>} : memref<40x512xf32, #tpu.memory_space<vmem>>, vector<16xf32>,
      %add3A_457 = arith.addf %add3A_450, %get3A_456 : vector<16xf32>
      %mul3A_458 = arith.constant 16 : i32
      %mul3A_459 = arith.muli %scan3A_371, %mul3A_458 : i32
      %get3A_460 = arith.constant 12 : i32
      %get3A_461 = arith.index_cast %get3A_460 : i32 to index
      %get3A_462 = arith.index_cast %mul3A_459 : i32 to index
      %get3A_463 = tpu.vector_load %arg10[%get3A_461, %get3A_462] {strides = array<i32>} : memref<40x512xf32, #tpu.memory_space<vmem>>, vector<16xf32>,
      %add3A_464 = arith.addf %add3A_457, %get3A_463 : vector<16xf32>
      %mul3A_465 = arith.constant 16 : i32
      %mul3A_466 = arith.muli %scan3A_371, %mul3A_465 : i32
      %get3A_467 = arith.constant 13 : i32
      %get3A_468 = arith.index_cast %get3A_467 : i32 to index
      %get3A_469 = arith.index_cast %mul3A_466 : i32 to index
      %get3A_470 = tpu.vector_load %arg10[%get3A_468, %get3A_469] {strides = array<i32>} : memref<40x512xf32, #tpu.memory_space<vmem>>, vector<16xf32>,
      %add3A_471 = arith.addf %add3A_464, %get3A_470 : vector<16xf32>
      %mul3A_472 = arith.constant 16 : i32
      %mul3A_473 = arith.muli %scan3A_371, %mul3A_472 : i32
      %get3A_474 = arith.constant 14 : i32
      %get3A_475 = arith.index_cast %get3A_474 : i32 to index
      %get3A_476 = arith.index_cast %mul3A_473 : i32 to index
      %get3A_477 = tpu.vector_load %arg10[%get3A_475, %get3A_476] {strides = array<i32>} : memref<40x512xf32, #tpu.memory_space<vmem>>, vector<16xf32>,
      %add3A_478 = arith.addf %add3A_471, %get3A_477 : vector<16xf32>
      %mul3A_479 = arith.constant 16 : i32
      %mul3A_480 = arith.muli %scan3A_371, %mul3A_479 : i32
      %get3A_481 = arith.constant 15 : i32
      %get3A_482 = arith.index_cast %get3A_481 : i32 to index
      %get3A_483 = arith.index_cast %mul3A_480 : i32 to index
      %get3A_484 = tpu.vector_load %arg10[%get3A_482, %get3A_483] {strides = array<i32>} : memref<40x512xf32, #tpu.memory_space<vmem>>, vector<16xf32>,
      %add3A_485 = arith.addf %add3A_478, %get3A_484 : vector<16xf32>
      %mul3A_486 = arith.constant 16 : i32
      %mul3A_487 = arith.muli %scan3A_371, %mul3A_486 : i32
      %get3A_488 = arith.constant 16 : i32
      %get3A_489 = arith.index_cast %get3A_488 : i32 to index
      %get3A_490 = arith.index_cast %mul3A_487 : i32 to index
      %get3A_491 = tpu.vector_load %arg10[%get3A_489, %get3A_490] {strides = array<i32>} : memref<40x512xf32, #tpu.memory_space<vmem>>, vector<16xf32>,
      %add3A_492 = arith.addf %add3A_485, %get3A_491 : vector<16xf32>
      %mul3A_493 = arith.constant 16 : i32
      %mul3A_494 = arith.muli %scan3A_371, %mul3A_493 : i32
      %get3A_495 = arith.constant 17 : i32
      %get3A_496 = arith.index_cast %get3A_495 : i32 to index
      %get3A_497 = arith.index_cast %mul3A_494 : i32 to index
      %get3A_498 = tpu.vector_load %arg10[%get3A_496, %get3A_497] {strides = array<i32>} : memref<40x512xf32, #tpu.memory_space<vmem>>, vector<16xf32>,
      %add3A_499 = arith.addf %add3A_492, %get3A_498 : vector<16xf32>
      %mul3A_500 = arith.constant 16 : i32
      %mul3A_501 = arith.muli %scan3A_371, %mul3A_500 : i32
      %get3A_502 = arith.constant 18 : i32
      %get3A_503 = arith.index_cast %get3A_502 : i32 to index
      %get3A_504 = arith.index_cast %mul3A_501 : i32 to index
      %get3A_505 = tpu.vector_load %arg10[%get3A_503, %get3A_504] {strides = array<i32>} : memref<40x512xf32, #tpu.memory_space<vmem>>, vector<16xf32>,
      %add3A_506 = arith.addf %add3A_499, %get3A_505 : vector<16xf32>
      %mul3A_507 = arith.constant 16 : i32
      %mul3A_508 = arith.muli %scan3A_371, %mul3A_507 : i32
      %get3A_509 = arith.constant 19 : i32
      %get3A_510 = arith.index_cast %get3A_509 : i32 to index
      %get3A_511 = arith.index_cast %mul3A_508 : i32 to index
      %get3A_512 = tpu.vector_load %arg10[%get3A_510, %get3A_511] {strides = array<i32>} : memref<40x512xf32, #tpu.memory_space<vmem>>, vector<16xf32>,
      %add3A_513 = arith.addf %add3A_506, %get3A_512 : vector<16xf32>
      %mul3A_514 = arith.constant 16 : i32
      %mul3A_515 = arith.muli %scan3A_371, %mul3A_514 : i32
      %get3A_516 = arith.constant 20 : i32
      %get3A_517 = arith.index_cast %get3A_516 : i32 to index
      %get3A_518 = arith.index_cast %mul3A_515 : i32 to index
      %get3A_519 = tpu.vector_load %arg10[%get3A_517, %get3A_518] {strides = array<i32>} : memref<40x512xf32, #tpu.memory_space<vmem>>, vector<16xf32>,
      %add3A_520 = arith.addf %add3A_513, %get3A_519 : vector<16xf32>
      %mul3A_521 = arith.constant 16 : i32
      %mul3A_522 = arith.muli %scan3A_371, %mul3A_521 : i32
      %get3A_523 = arith.constant 21 : i32
      %get3A_524 = arith.index_cast %get3A_523 : i32 to index
      %get3A_525 = arith.index_cast %mul3A_522 : i32 to index
      %get3A_526 = tpu.vector_load %arg10[%get3A_524, %get3A_525] {strides = array<i32>} : memref<40x512xf32, #tpu.memory_space<vmem>>, vector<16xf32>,
      %add3A_527 = arith.addf %add3A_520, %get3A_526 : vector<16xf32>
      %mul3A_528 = arith.constant 16 : i32
      %mul3A_529 = arith.muli %scan3A_371, %mul3A_528 : i32
      %get3A_530 = arith.constant 22 : i32
      %get3A_531 = arith.index_cast %get3A_530 : i32 to index
      %get3A_532 = arith.index_cast %mul3A_529 : i32 to index
      %get3A_533 = tpu.vector_load %arg10[%get3A_531, %get3A_532] {strides = array<i32>} : memref<40x512xf32, #tpu.memory_space<vmem>>, vector<16xf32>,
      %add3A_534 = arith.addf %add3A_527, %get3A_533 : vector<16xf32>
      %mul3A_535 = arith.constant 16 : i32
      %mul3A_536 = arith.muli %scan3A_371, %mul3A_535 : i32
      %get3A_537 = arith.constant 23 : i32
      %get3A_538 = arith.index_cast %get3A_537 : i32 to index
      %get3A_539 = arith.index_cast %mul3A_536 : i32 to index
      %get3A_540 = tpu.vector_load %arg10[%get3A_538, %get3A_539] {strides = array<i32>} : memref<40x512xf32, #tpu.memory_space<vmem>>, vector<16xf32>,
      %add3A_541 = arith.addf %add3A_534, %get3A_540 : vector<16xf32>
      %mul3A_542 = arith.constant 16 : i32
      %mul3A_543 = arith.muli %scan3A_371, %mul3A_542 : i32
      %get3A_544 = arith.constant 24 : i32
      %get3A_545 = arith.index_cast %get3A_544 : i32 to index
      %get3A_546 = arith.index_cast %mul3A_543 : i32 to index
      %get3A_547 = tpu.vector_load %arg10[%get3A_545, %get3A_546] {strides = array<i32>} : memref<40x512xf32, #tpu.memory_space<vmem>>, vector<16xf32>,
      %add3A_548 = arith.addf %add3A_541, %get3A_547 : vector<16xf32>
      %mul3A_549 = arith.constant 16 : i32
      %mul3A_550 = arith.muli %scan3A_371, %mul3A_549 : i32
      %get3A_551 = arith.constant 25 : i32
      %get3A_552 = arith.index_cast %get3A_551 : i32 to index
      %get3A_553 = arith.index_cast %mul3A_550 : i32 to index
      %get3A_554 = tpu.vector_load %arg10[%get3A_552, %get3A_553] {strides = array<i32>} : memref<40x512xf32, #tpu.memory_space<vmem>>, vector<16xf32>,
      %add3A_555 = arith.addf %add3A_548, %get3A_554 : vector<16xf32>
      %mul3A_556 = arith.constant 16 : i32
      %mul3A_557 = arith.muli %scan3A_371, %mul3A_556 : i32
      %get3A_558 = arith.constant 26 : i32
      %get3A_559 = arith.index_cast %get3A_558 : i32 to index
      %get3A_560 = arith.index_cast %mul3A_557 : i32 to index
      %get3A_561 = tpu.vector_load %arg10[%get3A_559, %get3A_560] {strides = array<i32>} : memref<40x512xf32, #tpu.memory_space<vmem>>, vector<16xf32>,
      %add3A_562 = arith.addf %add3A_555, %get3A_561 : vector<16xf32>
      %mul3A_563 = arith.constant 16 : i32
      %mul3A_564 = arith.muli %scan3A_371, %mul3A_563 : i32
      %get3A_565 = arith.constant 27 : i32
      %get3A_566 = arith.index_cast %get3A_565 : i32 to index
      %get3A_567 = arith.index_cast %mul3A_564 : i32 to index
      %get3A_568 = tpu.vector_load %arg10[%get3A_566, %get3A_567] {strides = array<i32>} : memref<40x512xf32, #tpu.memory_space<vmem>>, vector<16xf32>,
      %add3A_569 = arith.addf %add3A_562, %get3A_568 : vector<16xf32>
      %mul3A_570 = arith.constant 16 : i32
      %mul3A_571 = arith.muli %scan3A_371, %mul3A_570 : i32
      %get3A_572 = arith.constant 28 : i32
      %get3A_573 = arith.index_cast %get3A_572 : i32 to index
      %get3A_574 = arith.index_cast %mul3A_571 : i32 to index
      %get3A_575 = tpu.vector_load %arg10[%get3A_573, %get3A_574] {strides = array<i32>} : memref<40x512xf32, #tpu.memory_space<vmem>>, vector<16xf32>,
      %add3A_576 = arith.addf %add3A_569, %get3A_575 : vector<16xf32>
      %mul3A_577 = arith.constant 16 : i32
      %mul3A_578 = arith.muli %scan3A_371, %mul3A_577 : i32
      %get3A_579 = arith.constant 29 : i32
      %get3A_580 = arith.index_cast %get3A_579 : i32 to index
      %get3A_581 = arith.index_cast %mul3A_578 : i32 to index
      %get3A_582 = tpu.vector_load %arg10[%get3A_580, %get3A_581] {strides = array<i32>} : memref<40x512xf32, #tpu.memory_space<vmem>>, vector<16xf32>,
      %add3A_583 = arith.addf %add3A_576, %get3A_582 : vector<16xf32>
      %mul3A_584 = arith.constant 16 : i32
      %mul3A_585 = arith.muli %scan3A_371, %mul3A_584 : i32
      %get3A_586 = arith.constant 30 : i32
      %get3A_587 = arith.index_cast %get3A_586 : i32 to index
      %get3A_588 = arith.index_cast %mul3A_585 : i32 to index
      %get3A_589 = tpu.vector_load %arg10[%get3A_587, %get3A_588] {strides = array<i32>} : memref<40x512xf32, #tpu.memory_space<vmem>>, vector<16xf32>,
      %add3A_590 = arith.addf %add3A_583, %get3A_589 : vector<16xf32>
      %mul3A_591 = arith.constant 16 : i32
      %mul3A_592 = arith.muli %scan3A_371, %mul3A_591 : i32
      %get3A_593 = arith.constant 31 : i32
      %get3A_594 = arith.index_cast %get3A_593 : i32 to index
      %get3A_595 = arith.index_cast %mul3A_592 : i32 to index
      %get3A_596 = tpu.vector_load %arg10[%get3A_594, %get3A_595] {strides = array<i32>} : memref<40x512xf32, #tpu.memory_space<vmem>>, vector<16xf32>,
      %add3A_597 = arith.addf %add3A_590, %get3A_596 : vector<16xf32>
      %mul3A_598 = arith.constant 16 : i32
      %mul3A_599 = arith.muli %scan3A_371, %mul3A_598 : i32
      %get3A_600 = arith.constant 32 : i32
      %get3A_601 = arith.index_cast %get3A_600 : i32 to index
      %get3A_602 = arith.index_cast %mul3A_599 : i32 to index
      %get3A_603 = tpu.vector_load %arg10[%get3A_601, %get3A_602] {strides = array<i32>} : memref<40x512xf32, #tpu.memory_space<vmem>>, vector<16xf32>,
      %add3A_604 = arith.addf %add3A_597, %get3A_603 : vector<16xf32>
      %mul3A_605 = arith.constant 16 : i32
      %mul3A_606 = arith.muli %scan3A_371, %mul3A_605 : i32
      %get3A_607 = arith.constant 33 : i32
      %get3A_608 = arith.index_cast %get3A_607 : i32 to index
      %get3A_609 = arith.index_cast %mul3A_606 : i32 to index
      %get3A_610 = tpu.vector_load %arg10[%get3A_608, %get3A_609] {strides = array<i32>} : memref<40x512xf32, #tpu.memory_space<vmem>>, vector<16xf32>,
      %add3A_611 = arith.addf %add3A_604, %get3A_610 : vector<16xf32>
      %mul3A_612 = arith.constant 16 : i32
      %mul3A_613 = arith.muli %scan3A_371, %mul3A_612 : i32
      %get3A_614 = arith.constant 34 : i32
      %get3A_615 = arith.index_cast %get3A_614 : i32 to index
      %get3A_616 = arith.index_cast %mul3A_613 : i32 to index
      %get3A_617 = tpu.vector_load %arg10[%get3A_615, %get3A_616] {strides = array<i32>} : memref<40x512xf32, #tpu.memory_space<vmem>>, vector<16xf32>,
      %add3A_618 = arith.addf %add3A_611, %get3A_617 : vector<16xf32>
      %mul3A_619 = arith.constant 16 : i32
      %mul3A_620 = arith.muli %scan3A_371, %mul3A_619 : i32
      %get3A_621 = arith.constant 35 : i32
      %get3A_622 = arith.index_cast %get3A_621 : i32 to index
      %get3A_623 = arith.index_cast %mul3A_620 : i32 to index
      %get3A_624 = tpu.vector_load %arg10[%get3A_622, %get3A_623] {strides = array<i32>} : memref<40x512xf32, #tpu.memory_space<vmem>>, vector<16xf32>,
      %add3A_625 = arith.addf %add3A_618, %get3A_624 : vector<16xf32>
      %mul3A_626 = arith.constant 16 : i32
      %mul3A_627 = arith.muli %scan3A_371, %mul3A_626 : i32
      %get3A_628 = arith.constant 36 : i32
      %get3A_629 = arith.index_cast %get3A_628 : i32 to index
      %get3A_630 = arith.index_cast %mul3A_627 : i32 to index
      %get3A_631 = tpu.vector_load %arg10[%get3A_629, %get3A_630] {strides = array<i32>} : memref<40x512xf32, #tpu.memory_space<vmem>>, vector<16xf32>,
      %add3A_632 = arith.addf %add3A_625, %get3A_631 : vector<16xf32>
      %mul3A_633 = arith.constant 16 : i32
      %mul3A_634 = arith.muli %scan3A_371, %mul3A_633 : i32
      %get3A_635 = arith.constant 37 : i32
      %get3A_636 = arith.index_cast %get3A_635 : i32 to index
      %get3A_637 = arith.index_cast %mul3A_634 : i32 to index
      %get3A_638 = tpu.vector_load %arg10[%get3A_636, %get3A_637] {strides = array<i32>} : memref<40x512xf32, #tpu.memory_space<vmem>>, vector<16xf32>,
      %add3A_639 = arith.addf %add3A_632, %get3A_638 : vector<16xf32>
      %mul3A_640 = arith.constant 16 : i32
      %mul3A_641 = arith.muli %scan3A_371, %mul3A_640 : i32
      %get3A_642 = arith.constant 38 : i32
      %get3A_643 = arith.index_cast %get3A_642 : i32 to index
      %get3A_644 = arith.index_cast %mul3A_641 : i32 to index
      %get3A_645 = tpu.vector_load %arg10[%get3A_643, %get3A_644] {strides = array<i32>} : memref<40x512xf32, #tpu.memory_space<vmem>>, vector<16xf32>,
      %add3A_646 = arith.addf %add3A_639, %get3A_645 : vector<16xf32>
      %mul3A_647 = arith.constant 16 : i32
      %mul3A_648 = arith.muli %scan3A_371, %mul3A_647 : i32
      %get3A_649 = arith.constant 39 : i32
      %get3A_650 = arith.index_cast %get3A_649 : i32 to index
      %get3A_651 = arith.index_cast %mul3A_648 : i32 to index
      %get3A_652 = tpu.vector_load %arg10[%get3A_650, %get3A_651] {strides = array<i32>} : memref<40x512xf32, #tpu.memory_space<vmem>>, vector<16xf32>,
      %add3A_653 = arith.addf %add3A_646, %get3A_652 : vector<16xf32>
      %mul3A_654 = arith.constant 16 : i32
      %mul3A_655 = arith.muli %scan3A_371, %mul3A_654 : i32
      %get3A_656 = arith.index_cast %mul3A_655 : i32 to index
      %get3A_657 = tpu.vector_load %arg13[%get3A_656] {strides = array<i32>} : memref<512xf32, #tpu.memory_space<vmem>>, vector<16xf32>,
      %add3A_658 = arith.addf %get3A_657, %add3A_653 : vector<16xf32>
      %swap3A_659 = arith.index_cast %mul3A_655 : i32 to index
      %swap3A_660 = tpu.vector_load %arg13[%swap3A_659] {strides = array<i32>} : memref<512xf32, #tpu.memory_space<vmem>>, vector<16xf32>,
      tpu.vector_store %arg13[%swap3A_659], %add3A_658 {strides = array<i32>} : memref<512xf32, #tpu.memory_space<vmem>>, vector<16xf32>,
      %scan3A_661 = arith.constant 0 : i32
      scf.yield %scan3A_661 : i32
    }
    %scan3A_78 = arith.constant 32 : i32
    %scan3A_79 = arith.constant 0 : i32
    %scan3A_80 = arith.constant 0 : i32
    %scan3A_81 = arith.constant 40 : i32
    %scan3A_82 = arith.addi %scan3A_80, %scan3A_81 : i32
    %scan3A_83 = arith.constant 1 : i32
    %scan3A_84 = scf.for %scan3A_371 = %scan3A_80 to %scan3A_82 step %scan3A_83 iter_args(%scan3A_372 = %scan3A_79) -> (i32)  : i32 {
      %dma_wait3A_373 = arith.constant 0 : i32
      %dma_wait3A_374 = arith.constant 0 : i32
      %dma_wait3A_375 = tpu.memref_slice %arg9[%dma_wait3A_373, %dma_wait3A_374] : memref<40x512xf32, #tpu.memory_space<vmem>> -> memref<1x512xf32, #tpu.memory_space<vmem>>
      %dma_wait3A_376 = tpu.memref_squeeze %dma_wait3A_375 : memref<1x512xf32, #tpu.memory_space<vmem>> -> memref<512xf32, #tpu.memory_space<vmem>>
      %dma_wait3A_377 = arith.constant 0 : i32
      %dma_wait3A_378 = tpu.memref_slice %arg4[%dma_wait3A_377] : memref<1000001xf32, #tpu.memory_space<hbm>> -> memref<512xf32, #tpu.memory_space<hbm>>
      %dma_wait3A_379 = arith.constant 0 : i32
      %dma_wait3A_380 = tpu.memref_slice %arg9[%dma_wait3A_373, %dma_wait3A_379] : memref<40x512xf32, #tpu.memory_space<vmem>> -> memref<1x512xf32, #tpu.memory_space<vmem>>
      %dma_wait3A_381 = tpu.memref_squeeze %dma_wait3A_380 : memref<1x512xf32, #tpu.memory_space<vmem>> -> memref<512xf32, #tpu.memory_space<vmem>>
      %dma_wait3A_382 = arith.constant 0 : i32
      %dma_wait3A_383 = tpu.memref_slice %arg4[%dma_wait3A_382] : memref<1000001xf32, #tpu.memory_space<hbm>> -> memref<512xf32, #tpu.memory_space<hbm>>
      tpu.wait_dma2 semaphore(%arg16 : memref<!tpu.dma_semaphore, #tpu.memory_space<semaphore_mem>>) src(%dma_wait3A_383 : memref<512xf32, #tpu.memory_space<hbm>>) dst(%dma_wait3A_381 : memref<512xf32, #tpu.memory_space<vmem>>)
      %scan3A_384 = arith.constant 0 : i32
      scf.yield %scan3A_384 : i32
    }
    %scan3A_85 = arith.constant 40 : i32
    %dma_wait3A_86 = arith.constant 120 : i32
    %dma_wait3A_87 = tpu.memref_slice %arg2[%dma_wait3A_86, %mul3A_2] : memref<200x16384xi32, #tpu.memory_space<hbm>> -> memref<40x512xi32, #tpu.memory_space<hbm>>
    %dma_wait3A_88 = arith.constant 120 : i32
    %dma_wait3A_89 = tpu.memref_slice %arg2[%dma_wait3A_88, %mul3A_2] : memref<200x16384xi32, #tpu.memory_space<hbm>> -> memref<40x512xi32, #tpu.memory_space<hbm>>
    tpu.wait_dma2 semaphore(%arg15 : memref<!tpu.dma_semaphore, #tpu.memory_space<semaphore_mem>>) src(%dma_wait3A_89 : memref<40x512xi32, #tpu.memory_space<hbm>>) dst(%arg8 : memref<40x512xi32, #tpu.memory_space<vmem>>)
    %scan3A_90 = arith.constant 0 : i32
    %scan3A_91 = arith.constant 0 : i32
    %scan3A_92 = arith.constant 40 : i32
    %scan3A_93 = arith.addi %scan3A_91, %scan3A_92 : i32
    %scan3A_94 = arith.constant 1 : i32
    %scan3A_95 = scf.for %scan3A_371 = %scan3A_91 to %scan3A_93 step %scan3A_94 iter_args(%scan3A_372 = %scan3A_90) -> (i32)  : i32 {
      %dma_start3A_373 = arith.constant 0 : i32
      %dma_start3A_374 = tpu.memref_slice %arg10[%scan3A_371, %dma_start3A_373] : memref<40x512xf32, #tpu.memory_space<vmem>> -> memref<1x512xf32, #tpu.memory_space<vmem>>
      %dma_start3A_375 = tpu.memref_squeeze %dma_start3A_374 : memref<1x512xf32, #tpu.memory_space<vmem>> -> memref<512xf32, #tpu.memory_space<vmem>>
      %dma_start3A_376 = arith.constant 0 : i32
      %dma_start3A_377 = tpu.memref_slice %arg8[%scan3A_371, %dma_start3A_376] : memref<40x512xi32, #tpu.memory_space<vmem>> -> memref<1x512xi32, #tpu.memory_space<vmem>>
      %dma_start3A_378 = tpu.memref_squeeze %dma_start3A_377 : memref<1x512xi32, #tpu.memory_space<vmem>> -> memref<512xi32, #tpu.memory_space<vmem>>
      %dma_start3A_379 = arith.constant 0 : i32
      %dma_start3A_380 = tpu.memref_slice %arg4[%dma_start3A_379] : memref<1000001xf32, #tpu.memory_space<hbm>> -> memref<1000001xf32, #tpu.memory_space<hbm>>
      tpu.enqueue_indirect_dma source(%dma_start3A_380 : memref<1000001xf32, #tpu.memory_space<hbm>>) target(%dma_start3A_375 : memref<512xf32, #tpu.memory_space<vmem>>) offsets(%dma_start3A_378 : memref<512xi32, #tpu.memory_space<vmem>>) semaphore(%arg17 : memref<!tpu.dma_semaphore, #tpu.memory_space<semaphore_mem>>)
      %scan3A_381 = arith.constant 0 : i32
      scf.yield %scan3A_381 : i32
    }
    %scan3A_96 = arith.constant 40 : i32
    %dma_start3A_97 = arith.constant 160 : i32
    %dma_start3A_98 = tpu.memref_slice %arg2[%dma_start3A_97, %mul3A_2] : memref<200x16384xi32, #tpu.memory_space<hbm>> -> memref<40x512xi32, #tpu.memory_space<hbm>>
    %dma_start3A_99 = arith.constant 160 : i32
    %dma_start3A_100 = tpu.memref_slice %arg2[%dma_start3A_99, %mul3A_2] : memref<200x16384xi32, #tpu.memory_space<hbm>> -> memref<40x512xi32, #tpu.memory_space<hbm>>
    tpu.enqueue_dma source(%dma_start3A_100 : memref<40x512xi32, #tpu.memory_space<hbm>>) target(%arg7 : memref<40x512xi32, #tpu.memory_space<vmem>>) target_semaphore(%arg14 : memref<!tpu.dma_semaphore, #tpu.memory_space<semaphore_mem>>)
    %scan3A_101 = arith.constant 0 : i32
    %scan3A_102 = arith.constant 0 : i32
    %scan3A_103 = arith.constant 32 : i32
    %scan3A_104 = arith.addi %scan3A_102, %scan3A_103 : i32
    %scan3A_105 = arith.constant 1 : i32
    %scan3A_106 = scf.for %scan3A_371 = %scan3A_102 to %scan3A_104 step %scan3A_105 iter_args(%scan3A_372 = %scan3A_101) -> (i32)  : i32 {
      %broadcast_in_dim3A = arith.constant 0.000000e+00 : f32
      %broadcast_in_dim3A_373 = vector.broadcast %broadcast_in_dim3A : f32 to vector<16xf32>
      %mul3A_374 = arith.constant 16 : i32
      %mul3A_375 = arith.muli %scan3A_371, %mul3A_374 : i32
      %get3A_376 = arith.constant 0 : i32
      %get3A_377 = arith.index_cast %get3A_376 : i32 to index
      %get3A_378 = arith.index_cast %mul3A_375 : i32 to index
      %get3A_379 = tpu.vector_load %arg9[%get3A_377, %get3A_378] {strides = array<i32>} : memref<40x512xf32, #tpu.memory_space<vmem>>, vector<16xf32>,
      %add3A_380 = arith.addf %broadcast_in_dim3A_373, %get3A_379 : vector<16xf32>
      %mul3A_381 = arith.constant 16 : i32
      %mul3A_382 = arith.muli %scan3A_371, %mul3A_381 : i32
      %get3A_383 = arith.constant 1 : i32
      %get3A_384 = arith.index_cast %get3A_383 : i32 to index
      %get3A_385 = arith.index_cast %mul3A_382 : i32 to index
      %get3A_386 = tpu.vector_load %arg9[%get3A_384, %get3A_385] {strides = array<i32>} : memref<40x512xf32, #tpu.memory_space<vmem>>, vector<16xf32>,
      %add3A_387 = arith.addf %add3A_380, %get3A_386 : vector<16xf32>
      %mul3A_388 = arith.constant 16 : i32
      %mul3A_389 = arith.muli %scan3A_371, %mul3A_388 : i32
      %get3A_390 = arith.constant 2 : i32
      %get3A_391 = arith.index_cast %get3A_390 : i32 to index
      %get3A_392 = arith.index_cast %mul3A_389 : i32 to index
      %get3A_393 = tpu.vector_load %arg9[%get3A_391, %get3A_392] {strides = array<i32>} : memref<40x512xf32, #tpu.memory_space<vmem>>, vector<16xf32>,
      %add3A_394 = arith.addf %add3A_387, %get3A_393 : vector<16xf32>
      %mul3A_395 = arith.constant 16 : i32
      %mul3A_396 = arith.muli %scan3A_371, %mul3A_395 : i32
      %get3A_397 = arith.constant 3 : i32
      %get3A_398 = arith.index_cast %get3A_397 : i32 to index
      %get3A_399 = arith.index_cast %mul3A_396 : i32 to index
      %get3A_400 = tpu.vector_load %arg9[%get3A_398, %get3A_399] {strides = array<i32>} : memref<40x512xf32, #tpu.memory_space<vmem>>, vector<16xf32>,
      %add3A_401 = arith.addf %add3A_394, %get3A_400 : vector<16xf32>
      %mul3A_402 = arith.constant 16 : i32
      %mul3A_403 = arith.muli %scan3A_371, %mul3A_402 : i32
      %get3A_404 = arith.constant 4 : i32
      %get3A_405 = arith.index_cast %get3A_404 : i32 to index
      %get3A_406 = arith.index_cast %mul3A_403 : i32 to index
      %get3A_407 = tpu.vector_load %arg9[%get3A_405, %get3A_406] {strides = array<i32>} : memref<40x512xf32, #tpu.memory_space<vmem>>, vector<16xf32>,
      %add3A_408 = arith.addf %add3A_401, %get3A_407 : vector<16xf32>
      %mul3A_409 = arith.constant 16 : i32
      %mul3A_410 = arith.muli %scan3A_371, %mul3A_409 : i32
      %get3A_411 = arith.constant 5 : i32
      %get3A_412 = arith.index_cast %get3A_411 : i32 to index
      %get3A_413 = arith.index_cast %mul3A_410 : i32 to index
      %get3A_414 = tpu.vector_load %arg9[%get3A_412, %get3A_413] {strides = array<i32>} : memref<40x512xf32, #tpu.memory_space<vmem>>, vector<16xf32>,
      %add3A_415 = arith.addf %add3A_408, %get3A_414 : vector<16xf32>
      %mul3A_416 = arith.constant 16 : i32
      %mul3A_417 = arith.muli %scan3A_371, %mul3A_416 : i32
      %get3A_418 = arith.constant 6 : i32
      %get3A_419 = arith.index_cast %get3A_418 : i32 to index
      %get3A_420 = arith.index_cast %mul3A_417 : i32 to index
      %get3A_421 = tpu.vector_load %arg9[%get3A_419, %get3A_420] {strides = array<i32>} : memref<40x512xf32, #tpu.memory_space<vmem>>, vector<16xf32>,
      %add3A_422 = arith.addf %add3A_415, %get3A_421 : vector<16xf32>
      %mul3A_423 = arith.constant 16 : i32
      %mul3A_424 = arith.muli %scan3A_371, %mul3A_423 : i32
      %get3A_425 = arith.constant 7 : i32
      %get3A_426 = arith.index_cast %get3A_425 : i32 to index
      %get3A_427 = arith.index_cast %mul3A_424 : i32 to index
      %get3A_428 = tpu.vector_load %arg9[%get3A_426, %get3A_427] {strides = array<i32>} : memref<40x512xf32, #tpu.memory_space<vmem>>, vector<16xf32>,
      %add3A_429 = arith.addf %add3A_422, %get3A_428 : vector<16xf32>
      %mul3A_430 = arith.constant 16 : i32
      %mul3A_431 = arith.muli %scan3A_371, %mul3A_430 : i32
      %get3A_432 = arith.constant 8 : i32
      %get3A_433 = arith.index_cast %get3A_432 : i32 to index
      %get3A_434 = arith.index_cast %mul3A_431 : i32 to index
      %get3A_435 = tpu.vector_load %arg9[%get3A_433, %get3A_434] {strides = array<i32>} : memref<40x512xf32, #tpu.memory_space<vmem>>, vector<16xf32>,
      %add3A_436 = arith.addf %add3A_429, %get3A_435 : vector<16xf32>
      %mul3A_437 = arith.constant 16 : i32
      %mul3A_438 = arith.muli %scan3A_371, %mul3A_437 : i32
      %get3A_439 = arith.constant 9 : i32
      %get3A_440 = arith.index_cast %get3A_439 : i32 to index
      %get3A_441 = arith.index_cast %mul3A_438 : i32 to index
      %get3A_442 = tpu.vector_load %arg9[%get3A_440, %get3A_441] {strides = array<i32>} : memref<40x512xf32, #tpu.memory_space<vmem>>, vector<16xf32>,
      %add3A_443 = arith.addf %add3A_436, %get3A_442 : vector<16xf32>
      %mul3A_444 = arith.constant 16 : i32
      %mul3A_445 = arith.muli %scan3A_371, %mul3A_444 : i32
      %get3A_446 = arith.constant 10 : i32
      %get3A_447 = arith.index_cast %get3A_446 : i32 to index
      %get3A_448 = arith.index_cast %mul3A_445 : i32 to index
      %get3A_449 = tpu.vector_load %arg9[%get3A_447, %get3A_448] {strides = array<i32>} : memref<40x512xf32, #tpu.memory_space<vmem>>, vector<16xf32>,
      %add3A_450 = arith.addf %add3A_443, %get3A_449 : vector<16xf32>
      %mul3A_451 = arith.constant 16 : i32
      %mul3A_452 = arith.muli %scan3A_371, %mul3A_451 : i32
      %get3A_453 = arith.constant 11 : i32
      %get3A_454 = arith.index_cast %get3A_453 : i32 to index
      %get3A_455 = arith.index_cast %mul3A_452 : i32 to index
      %get3A_456 = tpu.vector_load %arg9[%get3A_454, %get3A_455] {strides = array<i32>} : memref<40x512xf32, #tpu.memory_space<vmem>>, vector<16xf32>,
      %add3A_457 = arith.addf %add3A_450, %get3A_456 : vector<16xf32>
      %mul3A_458 = arith.constant 16 : i32
      %mul3A_459 = arith.muli %scan3A_371, %mul3A_458 : i32
      %get3A_460 = arith.constant 12 : i32
      %get3A_461 = arith.index_cast %get3A_460 : i32 to index
      %get3A_462 = arith.index_cast %mul3A_459 : i32 to index
      %get3A_463 = tpu.vector_load %arg9[%get3A_461, %get3A_462] {strides = array<i32>} : memref<40x512xf32, #tpu.memory_space<vmem>>, vector<16xf32>,
      %add3A_464 = arith.addf %add3A_457, %get3A_463 : vector<16xf32>
      %mul3A_465 = arith.constant 16 : i32
      %mul3A_466 = arith.muli %scan3A_371, %mul3A_465 : i32
      %get3A_467 = arith.constant 13 : i32
      %get3A_468 = arith.index_cast %get3A_467 : i32 to index
      %get3A_469 = arith.index_cast %mul3A_466 : i32 to index
      %get3A_470 = tpu.vector_load %arg9[%get3A_468, %get3A_469] {strides = array<i32>} : memref<40x512xf32, #tpu.memory_space<vmem>>, vector<16xf32>,
      %add3A_471 = arith.addf %add3A_464, %get3A_470 : vector<16xf32>
      %mul3A_472 = arith.constant 16 : i32
      %mul3A_473 = arith.muli %scan3A_371, %mul3A_472 : i32
      %get3A_474 = arith.constant 14 : i32
      %get3A_475 = arith.index_cast %get3A_474 : i32 to index
      %get3A_476 = arith.index_cast %mul3A_473 : i32 to index
      %get3A_477 = tpu.vector_load %arg9[%get3A_475, %get3A_476] {strides = array<i32>} : memref<40x512xf32, #tpu.memory_space<vmem>>, vector<16xf32>,
      %add3A_478 = arith.addf %add3A_471, %get3A_477 : vector<16xf32>
      %mul3A_479 = arith.constant 16 : i32
      %mul3A_480 = arith.muli %scan3A_371, %mul3A_479 : i32
      %get3A_481 = arith.constant 15 : i32
      %get3A_482 = arith.index_cast %get3A_481 : i32 to index
      %get3A_483 = arith.index_cast %mul3A_480 : i32 to index
      %get3A_484 = tpu.vector_load %arg9[%get3A_482, %get3A_483] {strides = array<i32>} : memref<40x512xf32, #tpu.memory_space<vmem>>, vector<16xf32>,
      %add3A_485 = arith.addf %add3A_478, %get3A_484 : vector<16xf32>
      %mul3A_486 = arith.constant 16 : i32
      %mul3A_487 = arith.muli %scan3A_371, %mul3A_486 : i32
      %get3A_488 = arith.constant 16 : i32
      %get3A_489 = arith.index_cast %get3A_488 : i32 to index
      %get3A_490 = arith.index_cast %mul3A_487 : i32 to index
      %get3A_491 = tpu.vector_load %arg9[%get3A_489, %get3A_490] {strides = array<i32>} : memref<40x512xf32, #tpu.memory_space<vmem>>, vector<16xf32>,
      %add3A_492 = arith.addf %add3A_485, %get3A_491 : vector<16xf32>
      %mul3A_493 = arith.constant 16 : i32
      %mul3A_494 = arith.muli %scan3A_371, %mul3A_493 : i32
      %get3A_495 = arith.constant 17 : i32
      %get3A_496 = arith.index_cast %get3A_495 : i32 to index
      %get3A_497 = arith.index_cast %mul3A_494 : i32 to index
      %get3A_498 = tpu.vector_load %arg9[%get3A_496, %get3A_497] {strides = array<i32>} : memref<40x512xf32, #tpu.memory_space<vmem>>, vector<16xf32>,
      %add3A_499 = arith.addf %add3A_492, %get3A_498 : vector<16xf32>
      %mul3A_500 = arith.constant 16 : i32
      %mul3A_501 = arith.muli %scan3A_371, %mul3A_500 : i32
      %get3A_502 = arith.constant 18 : i32
      %get3A_503 = arith.index_cast %get3A_502 : i32 to index
      %get3A_504 = arith.index_cast %mul3A_501 : i32 to index
      %get3A_505 = tpu.vector_load %arg9[%get3A_503, %get3A_504] {strides = array<i32>} : memref<40x512xf32, #tpu.memory_space<vmem>>, vector<16xf32>,
      %add3A_506 = arith.addf %add3A_499, %get3A_505 : vector<16xf32>
      %mul3A_507 = arith.constant 16 : i32
      %mul3A_508 = arith.muli %scan3A_371, %mul3A_507 : i32
      %get3A_509 = arith.constant 19 : i32
      %get3A_510 = arith.index_cast %get3A_509 : i32 to index
      %get3A_511 = arith.index_cast %mul3A_508 : i32 to index
      %get3A_512 = tpu.vector_load %arg9[%get3A_510, %get3A_511] {strides = array<i32>} : memref<40x512xf32, #tpu.memory_space<vmem>>, vector<16xf32>,
      %add3A_513 = arith.addf %add3A_506, %get3A_512 : vector<16xf32>
      %mul3A_514 = arith.constant 16 : i32
      %mul3A_515 = arith.muli %scan3A_371, %mul3A_514 : i32
      %get3A_516 = arith.constant 20 : i32
      %get3A_517 = arith.index_cast %get3A_516 : i32 to index
      %get3A_518 = arith.index_cast %mul3A_515 : i32 to index
      %get3A_519 = tpu.vector_load %arg9[%get3A_517, %get3A_518] {strides = array<i32>} : memref<40x512xf32, #tpu.memory_space<vmem>>, vector<16xf32>,
      %add3A_520 = arith.addf %add3A_513, %get3A_519 : vector<16xf32>
      %mul3A_521 = arith.constant 16 : i32
      %mul3A_522 = arith.muli %scan3A_371, %mul3A_521 : i32
      %get3A_523 = arith.constant 21 : i32
      %get3A_524 = arith.index_cast %get3A_523 : i32 to index
      %get3A_525 = arith.index_cast %mul3A_522 : i32 to index
      %get3A_526 = tpu.vector_load %arg9[%get3A_524, %get3A_525] {strides = array<i32>} : memref<40x512xf32, #tpu.memory_space<vmem>>, vector<16xf32>,
      %add3A_527 = arith.addf %add3A_520, %get3A_526 : vector<16xf32>
      %mul3A_528 = arith.constant 16 : i32
      %mul3A_529 = arith.muli %scan3A_371, %mul3A_528 : i32
      %get3A_530 = arith.constant 22 : i32
      %get3A_531 = arith.index_cast %get3A_530 : i32 to index
      %get3A_532 = arith.index_cast %mul3A_529 : i32 to index
      %get3A_533 = tpu.vector_load %arg9[%get3A_531, %get3A_532] {strides = array<i32>} : memref<40x512xf32, #tpu.memory_space<vmem>>, vector<16xf32>,
      %add3A_534 = arith.addf %add3A_527, %get3A_533 : vector<16xf32>
      %mul3A_535 = arith.constant 16 : i32
      %mul3A_536 = arith.muli %scan3A_371, %mul3A_535 : i32
      %get3A_537 = arith.constant 23 : i32
      %get3A_538 = arith.index_cast %get3A_537 : i32 to index
      %get3A_539 = arith.index_cast %mul3A_536 : i32 to index
      %get3A_540 = tpu.vector_load %arg9[%get3A_538, %get3A_539] {strides = array<i32>} : memref<40x512xf32, #tpu.memory_space<vmem>>, vector<16xf32>,
      %add3A_541 = arith.addf %add3A_534, %get3A_540 : vector<16xf32>
      %mul3A_542 = arith.constant 16 : i32
      %mul3A_543 = arith.muli %scan3A_371, %mul3A_542 : i32
      %get3A_544 = arith.constant 24 : i32
      %get3A_545 = arith.index_cast %get3A_544 : i32 to index
      %get3A_546 = arith.index_cast %mul3A_543 : i32 to index
      %get3A_547 = tpu.vector_load %arg9[%get3A_545, %get3A_546] {strides = array<i32>} : memref<40x512xf32, #tpu.memory_space<vmem>>, vector<16xf32>,
      %add3A_548 = arith.addf %add3A_541, %get3A_547 : vector<16xf32>
      %mul3A_549 = arith.constant 16 : i32
      %mul3A_550 = arith.muli %scan3A_371, %mul3A_549 : i32
      %get3A_551 = arith.constant 25 : i32
      %get3A_552 = arith.index_cast %get3A_551 : i32 to index
      %get3A_553 = arith.index_cast %mul3A_550 : i32 to index
      %get3A_554 = tpu.vector_load %arg9[%get3A_552, %get3A_553] {strides = array<i32>} : memref<40x512xf32, #tpu.memory_space<vmem>>, vector<16xf32>,
      %add3A_555 = arith.addf %add3A_548, %get3A_554 : vector<16xf32>
      %mul3A_556 = arith.constant 16 : i32
      %mul3A_557 = arith.muli %scan3A_371, %mul3A_556 : i32
      %get3A_558 = arith.constant 26 : i32
      %get3A_559 = arith.index_cast %get3A_558 : i32 to index
      %get3A_560 = arith.index_cast %mul3A_557 : i32 to index
      %get3A_561 = tpu.vector_load %arg9[%get3A_559, %get3A_560] {strides = array<i32>} : memref<40x512xf32, #tpu.memory_space<vmem>>, vector<16xf32>,
      %add3A_562 = arith.addf %add3A_555, %get3A_561 : vector<16xf32>
      %mul3A_563 = arith.constant 16 : i32
      %mul3A_564 = arith.muli %scan3A_371, %mul3A_563 : i32
      %get3A_565 = arith.constant 27 : i32
      %get3A_566 = arith.index_cast %get3A_565 : i32 to index
      %get3A_567 = arith.index_cast %mul3A_564 : i32 to index
      %get3A_568 = tpu.vector_load %arg9[%get3A_566, %get3A_567] {strides = array<i32>} : memref<40x512xf32, #tpu.memory_space<vmem>>, vector<16xf32>,
      %add3A_569 = arith.addf %add3A_562, %get3A_568 : vector<16xf32>
      %mul3A_570 = arith.constant 16 : i32
      %mul3A_571 = arith.muli %scan3A_371, %mul3A_570 : i32
      %get3A_572 = arith.constant 28 : i32
      %get3A_573 = arith.index_cast %get3A_572 : i32 to index
      %get3A_574 = arith.index_cast %mul3A_571 : i32 to index
      %get3A_575 = tpu.vector_load %arg9[%get3A_573, %get3A_574] {strides = array<i32>} : memref<40x512xf32, #tpu.memory_space<vmem>>, vector<16xf32>,
      %add3A_576 = arith.addf %add3A_569, %get3A_575 : vector<16xf32>
      %mul3A_577 = arith.constant 16 : i32
      %mul3A_578 = arith.muli %scan3A_371, %mul3A_577 : i32
      %get3A_579 = arith.constant 29 : i32
      %get3A_580 = arith.index_cast %get3A_579 : i32 to index
      %get3A_581 = arith.index_cast %mul3A_578 : i32 to index
      %get3A_582 = tpu.vector_load %arg9[%get3A_580, %get3A_581] {strides = array<i32>} : memref<40x512xf32, #tpu.memory_space<vmem>>, vector<16xf32>,
      %add3A_583 = arith.addf %add3A_576, %get3A_582 : vector<16xf32>
      %mul3A_584 = arith.constant 16 : i32
      %mul3A_585 = arith.muli %scan3A_371, %mul3A_584 : i32
      %get3A_586 = arith.constant 30 : i32
      %get3A_587 = arith.index_cast %get3A_586 : i32 to index
      %get3A_588 = arith.index_cast %mul3A_585 : i32 to index
      %get3A_589 = tpu.vector_load %arg9[%get3A_587, %get3A_588] {strides = array<i32>} : memref<40x512xf32, #tpu.memory_space<vmem>>, vector<16xf32>,
      %add3A_590 = arith.addf %add3A_583, %get3A_589 : vector<16xf32>
      %mul3A_591 = arith.constant 16 : i32
      %mul3A_592 = arith.muli %scan3A_371, %mul3A_591 : i32
      %get3A_593 = arith.constant 31 : i32
      %get3A_594 = arith.index_cast %get3A_593 : i32 to index
      %get3A_595 = arith.index_cast %mul3A_592 : i32 to index
      %get3A_596 = tpu.vector_load %arg9[%get3A_594, %get3A_595] {strides = array<i32>} : memref<40x512xf32, #tpu.memory_space<vmem>>, vector<16xf32>,
      %add3A_597 = arith.addf %add3A_590, %get3A_596 : vector<16xf32>
      %mul3A_598 = arith.constant 16 : i32
      %mul3A_599 = arith.muli %scan3A_371, %mul3A_598 : i32
      %get3A_600 = arith.constant 32 : i32
      %get3A_601 = arith.index_cast %get3A_600 : i32 to index
      %get3A_602 = arith.index_cast %mul3A_599 : i32 to index
      %get3A_603 = tpu.vector_load %arg9[%get3A_601, %get3A_602] {strides = array<i32>} : memref<40x512xf32, #tpu.memory_space<vmem>>, vector<16xf32>,
      %add3A_604 = arith.addf %add3A_597, %get3A_603 : vector<16xf32>
      %mul3A_605 = arith.constant 16 : i32
      %mul3A_606 = arith.muli %scan3A_371, %mul3A_605 : i32
      %get3A_607 = arith.constant 33 : i32
      %get3A_608 = arith.index_cast %get3A_607 : i32 to index
      %get3A_609 = arith.index_cast %mul3A_606 : i32 to index
      %get3A_610 = tpu.vector_load %arg9[%get3A_608, %get3A_609] {strides = array<i32>} : memref<40x512xf32, #tpu.memory_space<vmem>>, vector<16xf32>,
      %add3A_611 = arith.addf %add3A_604, %get3A_610 : vector<16xf32>
      %mul3A_612 = arith.constant 16 : i32
      %mul3A_613 = arith.muli %scan3A_371, %mul3A_612 : i32
      %get3A_614 = arith.constant 34 : i32
      %get3A_615 = arith.index_cast %get3A_614 : i32 to index
      %get3A_616 = arith.index_cast %mul3A_613 : i32 to index
      %get3A_617 = tpu.vector_load %arg9[%get3A_615, %get3A_616] {strides = array<i32>} : memref<40x512xf32, #tpu.memory_space<vmem>>, vector<16xf32>,
      %add3A_618 = arith.addf %add3A_611, %get3A_617 : vector<16xf32>
      %mul3A_619 = arith.constant 16 : i32
      %mul3A_620 = arith.muli %scan3A_371, %mul3A_619 : i32
      %get3A_621 = arith.constant 35 : i32
      %get3A_622 = arith.index_cast %get3A_621 : i32 to index
      %get3A_623 = arith.index_cast %mul3A_620 : i32 to index
      %get3A_624 = tpu.vector_load %arg9[%get3A_622, %get3A_623] {strides = array<i32>} : memref<40x512xf32, #tpu.memory_space<vmem>>, vector<16xf32>,
      %add3A_625 = arith.addf %add3A_618, %get3A_624 : vector<16xf32>
      %mul3A_626 = arith.constant 16 : i32
      %mul3A_627 = arith.muli %scan3A_371, %mul3A_626 : i32
      %get3A_628 = arith.constant 36 : i32
      %get3A_629 = arith.index_cast %get3A_628 : i32 to index
      %get3A_630 = arith.index_cast %mul3A_627 : i32 to index
      %get3A_631 = tpu.vector_load %arg9[%get3A_629, %get3A_630] {strides = array<i32>} : memref<40x512xf32, #tpu.memory_space<vmem>>, vector<16xf32>,
      %add3A_632 = arith.addf %add3A_625, %get3A_631 : vector<16xf32>
      %mul3A_633 = arith.constant 16 : i32
      %mul3A_634 = arith.muli %scan3A_371, %mul3A_633 : i32
      %get3A_635 = arith.constant 37 : i32
      %get3A_636 = arith.index_cast %get3A_635 : i32 to index
      %get3A_637 = arith.index_cast %mul3A_634 : i32 to index
      %get3A_638 = tpu.vector_load %arg9[%get3A_636, %get3A_637] {strides = array<i32>} : memref<40x512xf32, #tpu.memory_space<vmem>>, vector<16xf32>,
      %add3A_639 = arith.addf %add3A_632, %get3A_638 : vector<16xf32>
      %mul3A_640 = arith.constant 16 : i32
      %mul3A_641 = arith.muli %scan3A_371, %mul3A_640 : i32
      %get3A_642 = arith.constant 38 : i32
      %get3A_643 = arith.index_cast %get3A_642 : i32 to index
      %get3A_644 = arith.index_cast %mul3A_641 : i32 to index
      %get3A_645 = tpu.vector_load %arg9[%get3A_643, %get3A_644] {strides = array<i32>} : memref<40x512xf32, #tpu.memory_space<vmem>>, vector<16xf32>,
      %add3A_646 = arith.addf %add3A_639, %get3A_645 : vector<16xf32>
      %mul3A_647 = arith.constant 16 : i32
      %mul3A_648 = arith.muli %scan3A_371, %mul3A_647 : i32
      %get3A_649 = arith.constant 39 : i32
      %get3A_650 = arith.index_cast %get3A_649 : i32 to index
      %get3A_651 = arith.index_cast %mul3A_648 : i32 to index
      %get3A_652 = tpu.vector_load %arg9[%get3A_650, %get3A_651] {strides = array<i32>} : memref<40x512xf32, #tpu.memory_space<vmem>>, vector<16xf32>,
      %add3A_653 = arith.addf %add3A_646, %get3A_652 : vector<16xf32>
      %mul3A_654 = arith.constant 16 : i32
      %mul3A_655 = arith.muli %scan3A_371, %mul3A_654 : i32
      %get3A_656 = arith.index_cast %mul3A_655 : i32 to index
      %get3A_657 = tpu.vector_load %arg13[%get3A_656] {strides = array<i32>} : memref<512xf32, #tpu.memory_space<vmem>>, vector<16xf32>,
      %add3A_658 = arith.addf %get3A_657, %add3A_653 : vector<16xf32>
      %swap3A_659 = arith.index_cast %mul3A_655 : i32 to index
      %swap3A_660 = tpu.vector_load %arg13[%swap3A_659] {strides = array<i32>} : memref<512xf32, #tpu.memory_space<vmem>>, vector<16xf32>,
      tpu.vector_store %arg13[%swap3A_659], %add3A_658 {strides = array<i32>} : memref<512xf32, #tpu.memory_space<vmem>>, vector<16xf32>,
      %scan3A_661 = arith.constant 0 : i32
      scf.yield %scan3A_661 : i32
    }
    %scan3A_107 = arith.constant 32 : i32
    %scan3A_108 = arith.constant 0 : i32
    %scan3A_109 = arith.constant 0 : i32
    %scan3A_110 = arith.constant 40 : i32
    %scan3A_111 = arith.addi %scan3A_109, %scan3A_110 : i32
    %scan3A_112 = arith.constant 1 : i32
    %scan3A_113 = scf.for %scan3A_371 = %scan3A_109 to %scan3A_111 step %scan3A_112 iter_args(%scan3A_372 = %scan3A_108) -> (i32)  : i32 {
      %dma_wait3A_373 = arith.constant 0 : i32
      %dma_wait3A_374 = arith.constant 0 : i32
      %dma_wait3A_375 = tpu.memref_slice %arg10[%dma_wait3A_373, %dma_wait3A_374] : memref<40x512xf32, #tpu.memory_space<vmem>> -> memref<1x512xf32, #tpu.memory_space<vmem>>
      %dma_wait3A_376 = tpu.memref_squeeze %dma_wait3A_375 : memref<1x512xf32, #tpu.memory_space<vmem>> -> memref<512xf32, #tpu.memory_space<vmem>>
      %dma_wait3A_377 = arith.constant 0 : i32
      %dma_wait3A_378 = tpu.memref_slice %arg4[%dma_wait3A_377] : memref<1000001xf32, #tpu.memory_space<hbm>> -> memref<512xf32, #tpu.memory_space<hbm>>
      %dma_wait3A_379 = arith.constant 0 : i32
      %dma_wait3A_380 = tpu.memref_slice %arg10[%dma_wait3A_373, %dma_wait3A_379] : memref<40x512xf32, #tpu.memory_space<vmem>> -> memref<1x512xf32, #tpu.memory_space<vmem>>
      %dma_wait3A_381 = tpu.memref_squeeze %dma_wait3A_380 : memref<1x512xf32, #tpu.memory_space<vmem>> -> memref<512xf32, #tpu.memory_space<vmem>>
      %dma_wait3A_382 = arith.constant 0 : i32
      %dma_wait3A_383 = tpu.memref_slice %arg4[%dma_wait3A_382] : memref<1000001xf32, #tpu.memory_space<hbm>> -> memref<512xf32, #tpu.memory_space<hbm>>
      tpu.wait_dma2 semaphore(%arg17 : memref<!tpu.dma_semaphore, #tpu.memory_space<semaphore_mem>>) src(%dma_wait3A_383 : memref<512xf32, #tpu.memory_space<hbm>>) dst(%dma_wait3A_381 : memref<512xf32, #tpu.memory_space<vmem>>)
      %scan3A_384 = arith.constant 0 : i32
      scf.yield %scan3A_384 : i32
    }
    %scan3A_114 = arith.constant 40 : i32
    %dma_wait3A_115 = arith.constant 160 : i32
    %dma_wait3A_116 = tpu.memref_slice %arg2[%dma_wait3A_115, %mul3A_2] : memref<200x16384xi32, #tpu.memory_space<hbm>> -> memref<40x512xi32, #tpu.memory_space<hbm>>
    %dma_wait3A_117 = arith.constant 160 : i32
    %dma_wait3A_118 = tpu.memref_slice %arg2[%dma_wait3A_117, %mul3A_2] : memref<200x16384xi32, #tpu.memory_space<hbm>> -> memref<40x512xi32, #tpu.memory_space<hbm>>
    tpu.wait_dma2 semaphore(%arg14 : memref<!tpu.dma_semaphore, #tpu.memory_space<semaphore_mem>>) src(%dma_wait3A_118 : memref<40x512xi32, #tpu.memory_space<hbm>>) dst(%arg7 : memref<40x512xi32, #tpu.memory_space<vmem>>)
    %scan3A_119 = arith.constant 0 : i32
    %scan3A_120 = arith.constant 0 : i32
    %scan3A_121 = arith.constant 40 : i32
    %scan3A_122 = arith.addi %scan3A_120, %scan3A_121 : i32
    %scan3A_123 = arith.constant 1 : i32
    %scan3A_124 = scf.for %scan3A_371 = %scan3A_120 to %scan3A_122 step %scan3A_123 iter_args(%scan3A_372 = %scan3A_119) -> (i32)  : i32 {
      %dma_start3A_373 = arith.constant 0 : i32
      %dma_start3A_374 = tpu.memref_slice %arg9[%scan3A_371, %dma_start3A_373] : memref<40x512xf32, #tpu.memory_space<vmem>> -> memref<1x512xf32, #tpu.memory_space<vmem>>
      %dma_start3A_375 = tpu.memref_squeeze %dma_start3A_374 : memref<1x512xf32, #tpu.memory_space<vmem>> -> memref<512xf32, #tpu.memory_space<vmem>>
      %dma_start3A_376 = arith.constant 0 : i32
      %dma_start3A_377 = tpu.memref_slice %arg7[%scan3A_371, %dma_start3A_376] : memref<40x512xi32, #tpu.memory_space<vmem>> -> memref<1x512xi32, #tpu.memory_space<vmem>>
      %dma_start3A_378 = tpu.memref_squeeze %dma_start3A_377 : memref<1x512xi32, #tpu.memory_space<vmem>> -> memref<512xi32, #tpu.memory_space<vmem>>
      %dma_start3A_379 = arith.constant 0 : i32
      %dma_start3A_380 = tpu.memref_slice %arg4[%dma_start3A_379] : memref<1000001xf32, #tpu.memory_space<hbm>> -> memref<1000001xf32, #tpu.memory_space<hbm>>
      tpu.enqueue_indirect_dma source(%dma_start3A_380 : memref<1000001xf32, #tpu.memory_space<hbm>>) target(%dma_start3A_375 : memref<512xf32, #tpu.memory_space<vmem>>) offsets(%dma_start3A_378 : memref<512xi32, #tpu.memory_space<vmem>>) semaphore(%arg16 : memref<!tpu.dma_semaphore, #tpu.memory_space<semaphore_mem>>)
      %scan3A_381 = arith.constant 0 : i32
      scf.yield %scan3A_381 : i32
    }
    %scan3A_125 = arith.constant 40 : i32
    %scan3A_126 = arith.constant 0 : i32
    %scan3A_127 = arith.constant 0 : i32
    %scan3A_128 = arith.constant 32 : i32
    %scan3A_129 = arith.addi %scan3A_127, %scan3A_128 : i32
    %scan3A_130 = arith.constant 1 : i32
    %scan3A_131 = scf.for %scan3A_371 = %scan3A_127 to %scan3A_129 step %scan3A_130 iter_args(%scan3A_372 = %scan3A_126) -> (i32)  : i32 {
      %broadcast_in_dim3A = arith.constant 0.000000e+00 : f32
      %broadcast_in_dim3A_373 = vector.broadcast %broadcast_in_dim3A : f32 to vector<16xf32>
      %mul3A_374 = arith.constant 16 : i32
      %mul3A_375 = arith.muli %scan3A_371, %mul3A_374 : i32
      %get3A_376 = arith.constant 0 : i32
      %get3A_377 = arith.index_cast %get3A_376 : i32 to index
      %get3A_378 = arith.index_cast %mul3A_375 : i32 to index
      %get3A_379 = tpu.vector_load %arg10[%get3A_377, %get3A_378] {strides = array<i32>} : memref<40x512xf32, #tpu.memory_space<vmem>>, vector<16xf32>,
      %add3A_380 = arith.addf %broadcast_in_dim3A_373, %get3A_379 : vector<16xf32>
      %mul3A_381 = arith.constant 16 : i32
      %mul3A_382 = arith.muli %scan3A_371, %mul3A_381 : i32
      %get3A_383 = arith.constant 1 : i32
      %get3A_384 = arith.index_cast %get3A_383 : i32 to index
      %get3A_385 = arith.index_cast %mul3A_382 : i32 to index
      %get3A_386 = tpu.vector_load %arg10[%get3A_384, %get3A_385] {strides = array<i32>} : memref<40x512xf32, #tpu.memory_space<vmem>>, vector<16xf32>,
      %add3A_387 = arith.addf %add3A_380, %get3A_386 : vector<16xf32>
      %mul3A_388 = arith.constant 16 : i32
      %mul3A_389 = arith.muli %scan3A_371, %mul3A_388 : i32
      %get3A_390 = arith.constant 2 : i32
      %get3A_391 = arith.index_cast %get3A_390 : i32 to index
      %get3A_392 = arith.index_cast %mul3A_389 : i32 to index
      %get3A_393 = tpu.vector_load %arg10[%get3A_391, %get3A_392] {strides = array<i32>} : memref<40x512xf32, #tpu.memory_space<vmem>>, vector<16xf32>,
      %add3A_394 = arith.addf %add3A_387, %get3A_393 : vector<16xf32>
      %mul3A_395 = arith.constant 16 : i32
      %mul3A_396 = arith.muli %scan3A_371, %mul3A_395 : i32
      %get3A_397 = arith.constant 3 : i32
      %get3A_398 = arith.index_cast %get3A_397 : i32 to index
      %get3A_399 = arith.index_cast %mul3A_396 : i32 to index
      %get3A_400 = tpu.vector_load %arg10[%get3A_398, %get3A_399] {strides = array<i32>} : memref<40x512xf32, #tpu.memory_space<vmem>>, vector<16xf32>,
      %add3A_401 = arith.addf %add3A_394, %get3A_400 : vector<16xf32>
      %mul3A_402 = arith.constant 16 : i32
      %mul3A_403 = arith.muli %scan3A_371, %mul3A_402 : i32
      %get3A_404 = arith.constant 4 : i32
      %get3A_405 = arith.index_cast %get3A_404 : i32 to index
      %get3A_406 = arith.index_cast %mul3A_403 : i32 to index
      %get3A_407 = tpu.vector_load %arg10[%get3A_405, %get3A_406] {strides = array<i32>} : memref<40x512xf32, #tpu.memory_space<vmem>>, vector<16xf32>,
      %add3A_408 = arith.addf %add3A_401, %get3A_407 : vector<16xf32>
      %mul3A_409 = arith.constant 16 : i32
      %mul3A_410 = arith.muli %scan3A_371, %mul3A_409 : i32
      %get3A_411 = arith.constant 5 : i32
      %get3A_412 = arith.index_cast %get3A_411 : i32 to index
      %get3A_413 = arith.index_cast %mul3A_410 : i32 to index
      %get3A_414 = tpu.vector_load %arg10[%get3A_412, %get3A_413] {strides = array<i32>} : memref<40x512xf32, #tpu.memory_space<vmem>>, vector<16xf32>,
      %add3A_415 = arith.addf %add3A_408, %get3A_414 : vector<16xf32>
      %mul3A_416 = arith.constant 16 : i32
      %mul3A_417 = arith.muli %scan3A_371, %mul3A_416 : i32
      %get3A_418 = arith.constant 6 : i32
      %get3A_419 = arith.index_cast %get3A_418 : i32 to index
      %get3A_420 = arith.index_cast %mul3A_417 : i32 to index
      %get3A_421 = tpu.vector_load %arg10[%get3A_419, %get3A_420] {strides = array<i32>} : memref<40x512xf32, #tpu.memory_space<vmem>>, vector<16xf32>,
      %add3A_422 = arith.addf %add3A_415, %get3A_421 : vector<16xf32>
      %mul3A_423 = arith.constant 16 : i32
      %mul3A_424 = arith.muli %scan3A_371, %mul3A_423 : i32
      %get3A_425 = arith.constant 7 : i32
      %get3A_426 = arith.index_cast %get3A_425 : i32 to index
      %get3A_427 = arith.index_cast %mul3A_424 : i32 to index
      %get3A_428 = tpu.vector_load %arg10[%get3A_426, %get3A_427] {strides = array<i32>} : memref<40x512xf32, #tpu.memory_space<vmem>>, vector<16xf32>,
      %add3A_429 = arith.addf %add3A_422, %get3A_428 : vector<16xf32>
      %mul3A_430 = arith.constant 16 : i32
      %mul3A_431 = arith.muli %scan3A_371, %mul3A_430 : i32
      %get3A_432 = arith.constant 8 : i32
      %get3A_433 = arith.index_cast %get3A_432 : i32 to index
      %get3A_434 = arith.index_cast %mul3A_431 : i32 to index
      %get3A_435 = tpu.vector_load %arg10[%get3A_433, %get3A_434] {strides = array<i32>} : memref<40x512xf32, #tpu.memory_space<vmem>>, vector<16xf32>,
      %add3A_436 = arith.addf %add3A_429, %get3A_435 : vector<16xf32>
      %mul3A_437 = arith.constant 16 : i32
      %mul3A_438 = arith.muli %scan3A_371, %mul3A_437 : i32
      %get3A_439 = arith.constant 9 : i32
      %get3A_440 = arith.index_cast %get3A_439 : i32 to index
      %get3A_441 = arith.index_cast %mul3A_438 : i32 to index
      %get3A_442 = tpu.vector_load %arg10[%get3A_440, %get3A_441] {strides = array<i32>} : memref<40x512xf32, #tpu.memory_space<vmem>>, vector<16xf32>,
      %add3A_443 = arith.addf %add3A_436, %get3A_442 : vector<16xf32>
      %mul3A_444 = arith.constant 16 : i32
      %mul3A_445 = arith.muli %scan3A_371, %mul3A_444 : i32
      %get3A_446 = arith.constant 10 : i32
      %get3A_447 = arith.index_cast %get3A_446 : i32 to index
      %get3A_448 = arith.index_cast %mul3A_445 : i32 to index
      %get3A_449 = tpu.vector_load %arg10[%get3A_447, %get3A_448] {strides = array<i32>} : memref<40x512xf32, #tpu.memory_space<vmem>>, vector<16xf32>,
      %add3A_450 = arith.addf %add3A_443, %get3A_449 : vector<16xf32>
      %mul3A_451 = arith.constant 16 : i32
      %mul3A_452 = arith.muli %scan3A_371, %mul3A_451 : i32
      %get3A_453 = arith.constant 11 : i32
      %get3A_454 = arith.index_cast %get3A_453 : i32 to index
      %get3A_455 = arith.index_cast %mul3A_452 : i32 to index
      %get3A_456 = tpu.vector_load %arg10[%get3A_454, %get3A_455] {strides = array<i32>} : memref<40x512xf32, #tpu.memory_space<vmem>>, vector<16xf32>,
      %add3A_457 = arith.addf %add3A_450, %get3A_456 : vector<16xf32>
      %mul3A_458 = arith.constant 16 : i32
      %mul3A_459 = arith.muli %scan3A_371, %mul3A_458 : i32
      %get3A_460 = arith.constant 12 : i32
      %get3A_461 = arith.index_cast %get3A_460 : i32 to index
      %get3A_462 = arith.index_cast %mul3A_459 : i32 to index
      %get3A_463 = tpu.vector_load %arg10[%get3A_461, %get3A_462] {strides = array<i32>} : memref<40x512xf32, #tpu.memory_space<vmem>>, vector<16xf32>,
      %add3A_464 = arith.addf %add3A_457, %get3A_463 : vector<16xf32>
      %mul3A_465 = arith.constant 16 : i32
      %mul3A_466 = arith.muli %scan3A_371, %mul3A_465 : i32
      %get3A_467 = arith.constant 13 : i32
      %get3A_468 = arith.index_cast %get3A_467 : i32 to index
      %get3A_469 = arith.index_cast %mul3A_466 : i32 to index
      %get3A_470 = tpu.vector_load %arg10[%get3A_468, %get3A_469] {strides = array<i32>} : memref<40x512xf32, #tpu.memory_space<vmem>>, vector<16xf32>,
      %add3A_471 = arith.addf %add3A_464, %get3A_470 : vector<16xf32>
      %mul3A_472 = arith.constant 16 : i32
      %mul3A_473 = arith.muli %scan3A_371, %mul3A_472 : i32
      %get3A_474 = arith.constant 14 : i32
      %get3A_475 = arith.index_cast %get3A_474 : i32 to index
      %get3A_476 = arith.index_cast %mul3A_473 : i32 to index
      %get3A_477 = tpu.vector_load %arg10[%get3A_475, %get3A_476] {strides = array<i32>} : memref<40x512xf32, #tpu.memory_space<vmem>>, vector<16xf32>,
      %add3A_478 = arith.addf %add3A_471, %get3A_477 : vector<16xf32>
      %mul3A_479 = arith.constant 16 : i32
      %mul3A_480 = arith.muli %scan3A_371, %mul3A_479 : i32
      %get3A_481 = arith.constant 15 : i32
      %get3A_482 = arith.index_cast %get3A_481 : i32 to index
      %get3A_483 = arith.index_cast %mul3A_480 : i32 to index
      %get3A_484 = tpu.vector_load %arg10[%get3A_482, %get3A_483] {strides = array<i32>} : memref<40x512xf32, #tpu.memory_space<vmem>>, vector<16xf32>,
      %add3A_485 = arith.addf %add3A_478, %get3A_484 : vector<16xf32>
      %mul3A_486 = arith.constant 16 : i32
      %mul3A_487 = arith.muli %scan3A_371, %mul3A_486 : i32
      %get3A_488 = arith.constant 16 : i32
      %get3A_489 = arith.index_cast %get3A_488 : i32 to index
      %get3A_490 = arith.index_cast %mul3A_487 : i32 to index
      %get3A_491 = tpu.vector_load %arg10[%get3A_489, %get3A_490] {strides = array<i32>} : memref<40x512xf32, #tpu.memory_space<vmem>>, vector<16xf32>,
      %add3A_492 = arith.addf %add3A_485, %get3A_491 : vector<16xf32>
      %mul3A_493 = arith.constant 16 : i32
      %mul3A_494 = arith.muli %scan3A_371, %mul3A_493 : i32
      %get3A_495 = arith.constant 17 : i32
      %get3A_496 = arith.index_cast %get3A_495 : i32 to index
      %get3A_497 = arith.index_cast %mul3A_494 : i32 to index
      %get3A_498 = tpu.vector_load %arg10[%get3A_496, %get3A_497] {strides = array<i32>} : memref<40x512xf32, #tpu.memory_space<vmem>>, vector<16xf32>,
      %add3A_499 = arith.addf %add3A_492, %get3A_498 : vector<16xf32>
      %mul3A_500 = arith.constant 16 : i32
      %mul3A_501 = arith.muli %scan3A_371, %mul3A_500 : i32
      %get3A_502 = arith.constant 18 : i32
      %get3A_503 = arith.index_cast %get3A_502 : i32 to index
      %get3A_504 = arith.index_cast %mul3A_501 : i32 to index
      %get3A_505 = tpu.vector_load %arg10[%get3A_503, %get3A_504] {strides = array<i32>} : memref<40x512xf32, #tpu.memory_space<vmem>>, vector<16xf32>,
      %add3A_506 = arith.addf %add3A_499, %get3A_505 : vector<16xf32>
      %mul3A_507 = arith.constant 16 : i32
      %mul3A_508 = arith.muli %scan3A_371, %mul3A_507 : i32
      %get3A_509 = arith.constant 19 : i32
      %get3A_510 = arith.index_cast %get3A_509 : i32 to index
      %get3A_511 = arith.index_cast %mul3A_508 : i32 to index
      %get3A_512 = tpu.vector_load %arg10[%get3A_510, %get3A_511] {strides = array<i32>} : memref<40x512xf32, #tpu.memory_space<vmem>>, vector<16xf32>,
      %add3A_513 = arith.addf %add3A_506, %get3A_512 : vector<16xf32>
      %mul3A_514 = arith.constant 16 : i32
      %mul3A_515 = arith.muli %scan3A_371, %mul3A_514 : i32
      %get3A_516 = arith.constant 20 : i32
      %get3A_517 = arith.index_cast %get3A_516 : i32 to index
      %get3A_518 = arith.index_cast %mul3A_515 : i32 to index
      %get3A_519 = tpu.vector_load %arg10[%get3A_517, %get3A_518] {strides = array<i32>} : memref<40x512xf32, #tpu.memory_space<vmem>>, vector<16xf32>,
      %add3A_520 = arith.addf %add3A_513, %get3A_519 : vector<16xf32>
      %mul3A_521 = arith.constant 16 : i32
      %mul3A_522 = arith.muli %scan3A_371, %mul3A_521 : i32
      %get3A_523 = arith.constant 21 : i32
      %get3A_524 = arith.index_cast %get3A_523 : i32 to index
      %get3A_525 = arith.index_cast %mul3A_522 : i32 to index
      %get3A_526 = tpu.vector_load %arg10[%get3A_524, %get3A_525] {strides = array<i32>} : memref<40x512xf32, #tpu.memory_space<vmem>>, vector<16xf32>,
      %add3A_527 = arith.addf %add3A_520, %get3A_526 : vector<16xf32>
      %mul3A_528 = arith.constant 16 : i32
      %mul3A_529 = arith.muli %scan3A_371, %mul3A_528 : i32
      %get3A_530 = arith.constant 22 : i32
      %get3A_531 = arith.index_cast %get3A_530 : i32 to index
      %get3A_532 = arith.index_cast %mul3A_529 : i32 to index
      %get3A_533 = tpu.vector_load %arg10[%get3A_531, %get3A_532] {strides = array<i32>} : memref<40x512xf32, #tpu.memory_space<vmem>>, vector<16xf32>,
      %add3A_534 = arith.addf %add3A_527, %get3A_533 : vector<16xf32>
      %mul3A_535 = arith.constant 16 : i32
      %mul3A_536 = arith.muli %scan3A_371, %mul3A_535 : i32
      %get3A_537 = arith.constant 23 : i32
      %get3A_538 = arith.index_cast %get3A_537 : i32 to index
      %get3A_539 = arith.index_cast %mul3A_536 : i32 to index
      %get3A_540 = tpu.vector_load %arg10[%get3A_538, %get3A_539] {strides = array<i32>} : memref<40x512xf32, #tpu.memory_space<vmem>>, vector<16xf32>,
      %add3A_541 = arith.addf %add3A_534, %get3A_540 : vector<16xf32>
      %mul3A_542 = arith.constant 16 : i32
      %mul3A_543 = arith.muli %scan3A_371, %mul3A_542 : i32
      %get3A_544 = arith.constant 24 : i32
      %get3A_545 = arith.index_cast %get3A_544 : i32 to index
      %get3A_546 = arith.index_cast %mul3A_543 : i32 to index
      %get3A_547 = tpu.vector_load %arg10[%get3A_545, %get3A_546] {strides = array<i32>} : memref<40x512xf32, #tpu.memory_space<vmem>>, vector<16xf32>,
      %add3A_548 = arith.addf %add3A_541, %get3A_547 : vector<16xf32>
      %mul3A_549 = arith.constant 16 : i32
      %mul3A_550 = arith.muli %scan3A_371, %mul3A_549 : i32
      %get3A_551 = arith.constant 25 : i32
      %get3A_552 = arith.index_cast %get3A_551 : i32 to index
      %get3A_553 = arith.index_cast %mul3A_550 : i32 to index
      %get3A_554 = tpu.vector_load %arg10[%get3A_552, %get3A_553] {strides = array<i32>} : memref<40x512xf32, #tpu.memory_space<vmem>>, vector<16xf32>,
      %add3A_555 = arith.addf %add3A_548, %get3A_554 : vector<16xf32>
      %mul3A_556 = arith.constant 16 : i32
      %mul3A_557 = arith.muli %scan3A_371, %mul3A_556 : i32
      %get3A_558 = arith.constant 26 : i32
      %get3A_559 = arith.index_cast %get3A_558 : i32 to index
      %get3A_560 = arith.index_cast %mul3A_557 : i32 to index
      %get3A_561 = tpu.vector_load %arg10[%get3A_559, %get3A_560] {strides = array<i32>} : memref<40x512xf32, #tpu.memory_space<vmem>>, vector<16xf32>,
      %add3A_562 = arith.addf %add3A_555, %get3A_561 : vector<16xf32>
      %mul3A_563 = arith.constant 16 : i32
      %mul3A_564 = arith.muli %scan3A_371, %mul3A_563 : i32
      %get3A_565 = arith.constant 27 : i32
      %get3A_566 = arith.index_cast %get3A_565 : i32 to index
      %get3A_567 = arith.index_cast %mul3A_564 : i32 to index
      %get3A_568 = tpu.vector_load %arg10[%get3A_566, %get3A_567] {strides = array<i32>} : memref<40x512xf32, #tpu.memory_space<vmem>>, vector<16xf32>,
      %add3A_569 = arith.addf %add3A_562, %get3A_568 : vector<16xf32>
      %mul3A_570 = arith.constant 16 : i32
      %mul3A_571 = arith.muli %scan3A_371, %mul3A_570 : i32
      %get3A_572 = arith.constant 28 : i32
      %get3A_573 = arith.index_cast %get3A_572 : i32 to index
      %get3A_574 = arith.index_cast %mul3A_571 : i32 to index
      %get3A_575 = tpu.vector_load %arg10[%get3A_573, %get3A_574] {strides = array<i32>} : memref<40x512xf32, #tpu.memory_space<vmem>>, vector<16xf32>,
      %add3A_576 = arith.addf %add3A_569, %get3A_575 : vector<16xf32>
      %mul3A_577 = arith.constant 16 : i32
      %mul3A_578 = arith.muli %scan3A_371, %mul3A_577 : i32
      %get3A_579 = arith.constant 29 : i32
      %get3A_580 = arith.index_cast %get3A_579 : i32 to index
      %get3A_581 = arith.index_cast %mul3A_578 : i32 to index
      %get3A_582 = tpu.vector_load %arg10[%get3A_580, %get3A_581] {strides = array<i32>} : memref<40x512xf32, #tpu.memory_space<vmem>>, vector<16xf32>,
      %add3A_583 = arith.addf %add3A_576, %get3A_582 : vector<16xf32>
      %mul3A_584 = arith.constant 16 : i32
      %mul3A_585 = arith.muli %scan3A_371, %mul3A_584 : i32
      %get3A_586 = arith.constant 30 : i32
      %get3A_587 = arith.index_cast %get3A_586 : i32 to index
      %get3A_588 = arith.index_cast %mul3A_585 : i32 to index
      %get3A_589 = tpu.vector_load %arg10[%get3A_587, %get3A_588] {strides = array<i32>} : memref<40x512xf32, #tpu.memory_space<vmem>>, vector<16xf32>,
      %add3A_590 = arith.addf %add3A_583, %get3A_589 : vector<16xf32>
      %mul3A_591 = arith.constant 16 : i32
      %mul3A_592 = arith.muli %scan3A_371, %mul3A_591 : i32
      %get3A_593 = arith.constant 31 : i32
      %get3A_594 = arith.index_cast %get3A_593 : i32 to index
      %get3A_595 = arith.index_cast %mul3A_592 : i32 to index
      %get3A_596 = tpu.vector_load %arg10[%get3A_594, %get3A_595] {strides = array<i32>} : memref<40x512xf32, #tpu.memory_space<vmem>>, vector<16xf32>,
      %add3A_597 = arith.addf %add3A_590, %get3A_596 : vector<16xf32>
      %mul3A_598 = arith.constant 16 : i32
      %mul3A_599 = arith.muli %scan3A_371, %mul3A_598 : i32
      %get3A_600 = arith.constant 32 : i32
      %get3A_601 = arith.index_cast %get3A_600 : i32 to index
      %get3A_602 = arith.index_cast %mul3A_599 : i32 to index
      %get3A_603 = tpu.vector_load %arg10[%get3A_601, %get3A_602] {strides = array<i32>} : memref<40x512xf32, #tpu.memory_space<vmem>>, vector<16xf32>,
      %add3A_604 = arith.addf %add3A_597, %get3A_603 : vector<16xf32>
      %mul3A_605 = arith.constant 16 : i32
      %mul3A_606 = arith.muli %scan3A_371, %mul3A_605 : i32
      %get3A_607 = arith.constant 33 : i32
      %get3A_608 = arith.index_cast %get3A_607 : i32 to index
      %get3A_609 = arith.index_cast %mul3A_606 : i32 to index
      %get3A_610 = tpu.vector_load %arg10[%get3A_608, %get3A_609] {strides = array<i32>} : memref<40x512xf32, #tpu.memory_space<vmem>>, vector<16xf32>,
      %add3A_611 = arith.addf %add3A_604, %get3A_610 : vector<16xf32>
      %mul3A_612 = arith.constant 16 : i32
      %mul3A_613 = arith.muli %scan3A_371, %mul3A_612 : i32
      %get3A_614 = arith.constant 34 : i32
      %get3A_615 = arith.index_cast %get3A_614 : i32 to index
      %get3A_616 = arith.index_cast %mul3A_613 : i32 to index
      %get3A_617 = tpu.vector_load %arg10[%get3A_615, %get3A_616] {strides = array<i32>} : memref<40x512xf32, #tpu.memory_space<vmem>>, vector<16xf32>,
      %add3A_618 = arith.addf %add3A_611, %get3A_617 : vector<16xf32>
      %mul3A_619 = arith.constant 16 : i32
      %mul3A_620 = arith.muli %scan3A_371, %mul3A_619 : i32
      %get3A_621 = arith.constant 35 : i32
      %get3A_622 = arith.index_cast %get3A_621 : i32 to index
      %get3A_623 = arith.index_cast %mul3A_620 : i32 to index
      %get3A_624 = tpu.vector_load %arg10[%get3A_622, %get3A_623] {strides = array<i32>} : memref<40x512xf32, #tpu.memory_space<vmem>>, vector<16xf32>,
      %add3A_625 = arith.addf %add3A_618, %get3A_624 : vector<16xf32>
      %mul3A_626 = arith.constant 16 : i32
      %mul3A_627 = arith.muli %scan3A_371, %mul3A_626 : i32
      %get3A_628 = arith.constant 36 : i32
      %get3A_629 = arith.index_cast %get3A_628 : i32 to index
      %get3A_630 = arith.index_cast %mul3A_627 : i32 to index
      %get3A_631 = tpu.vector_load %arg10[%get3A_629, %get3A_630] {strides = array<i32>} : memref<40x512xf32, #tpu.memory_space<vmem>>, vector<16xf32>,
      %add3A_632 = arith.addf %add3A_625, %get3A_631 : vector<16xf32>
      %mul3A_633 = arith.constant 16 : i32
      %mul3A_634 = arith.muli %scan3A_371, %mul3A_633 : i32
      %get3A_635 = arith.constant 37 : i32
      %get3A_636 = arith.index_cast %get3A_635 : i32 to index
      %get3A_637 = arith.index_cast %mul3A_634 : i32 to index
      %get3A_638 = tpu.vector_load %arg10[%get3A_636, %get3A_637] {strides = array<i32>} : memref<40x512xf32, #tpu.memory_space<vmem>>, vector<16xf32>,
      %add3A_639 = arith.addf %add3A_632, %get3A_638 : vector<16xf32>
      %mul3A_640 = arith.constant 16 : i32
      %mul3A_641 = arith.muli %scan3A_371, %mul3A_640 : i32
      %get3A_642 = arith.constant 38 : i32
      %get3A_643 = arith.index_cast %get3A_642 : i32 to index
      %get3A_644 = arith.index_cast %mul3A_641 : i32 to index
      %get3A_645 = tpu.vector_load %arg10[%get3A_643, %get3A_644] {strides = array<i32>} : memref<40x512xf32, #tpu.memory_space<vmem>>, vector<16xf32>,
      %add3A_646 = arith.addf %add3A_639, %get3A_645 : vector<16xf32>
      %mul3A_647 = arith.constant 16 : i32
      %mul3A_648 = arith.muli %scan3A_371, %mul3A_647 : i32
      %get3A_649 = arith.constant 39 : i32
      %get3A_650 = arith.index_cast %get3A_649 : i32 to index
      %get3A_651 = arith.index_cast %mul3A_648 : i32 to index
      %get3A_652 = tpu.vector_load %arg10[%get3A_650, %get3A_651] {strides = array<i32>} : memref<40x512xf32, #tpu.memory_space<vmem>>, vector<16xf32>,
      %add3A_653 = arith.addf %add3A_646, %get3A_652 : vector<16xf32>
      %mul3A_654 = arith.constant 16 : i32
      %mul3A_655 = arith.muli %scan3A_371, %mul3A_654 : i32
      %get3A_656 = arith.index_cast %mul3A_655 : i32 to index
      %get3A_657 = tpu.vector_load %arg13[%get3A_656] {strides = array<i32>} : memref<512xf32, #tpu.memory_space<vmem>>, vector<16xf32>,
      %add3A_658 = arith.addf %get3A_657, %add3A_653 : vector<16xf32>
      %swap3A_659 = arith.index_cast %mul3A_655 : i32 to index
      %swap3A_660 = tpu.vector_load %arg13[%swap3A_659] {strides = array<i32>} : memref<512xf32, #tpu.memory_space<vmem>>, vector<16xf32>,
      tpu.vector_store %arg13[%swap3A_659], %add3A_658 {strides = array<i32>} : memref<512xf32, #tpu.memory_space<vmem>>, vector<16xf32>,
      %scan3A_661 = arith.constant 0 : i32
      scf.yield %scan3A_661 : i32
    }
    %scan3A_132 = arith.constant 32 : i32
    %scan3A_133 = arith.constant 0 : i32
    %scan3A_134 = arith.constant 0 : i32
    %scan3A_135 = arith.constant 40 : i32
    %scan3A_136 = arith.addi %scan3A_134, %scan3A_135 : i32
    %scan3A_137 = arith.constant 1 : i32
    %scan3A_138 = scf.for %scan3A_371 = %scan3A_134 to %scan3A_136 step %scan3A_137 iter_args(%scan3A_372 = %scan3A_133) -> (i32)  : i32 {
      %dma_wait3A_373 = arith.constant 0 : i32
      %dma_wait3A_374 = arith.constant 0 : i32
      %dma_wait3A_375 = tpu.memref_slice %arg9[%dma_wait3A_373, %dma_wait3A_374] : memref<40x512xf32, #tpu.memory_space<vmem>> -> memref<1x512xf32, #tpu.memory_space<vmem>>
      %dma_wait3A_376 = tpu.memref_squeeze %dma_wait3A_375 : memref<1x512xf32, #tpu.memory_space<vmem>> -> memref<512xf32, #tpu.memory_space<vmem>>
      %dma_wait3A_377 = arith.constant 0 : i32
      %dma_wait3A_378 = tpu.memref_slice %arg4[%dma_wait3A_377] : memref<1000001xf32, #tpu.memory_space<hbm>> -> memref<512xf32, #tpu.memory_space<hbm>>
      %dma_wait3A_379 = arith.constant 0 : i32
      %dma_wait3A_380 = tpu.memref_slice %arg9[%dma_wait3A_373, %dma_wait3A_379] : memref<40x512xf32, #tpu.memory_space<vmem>> -> memref<1x512xf32, #tpu.memory_space<vmem>>
      %dma_wait3A_381 = tpu.memref_squeeze %dma_wait3A_380 : memref<1x512xf32, #tpu.memory_space<vmem>> -> memref<512xf32, #tpu.memory_space<vmem>>
      %dma_wait3A_382 = arith.constant 0 : i32
      %dma_wait3A_383 = tpu.memref_slice %arg4[%dma_wait3A_382] : memref<1000001xf32, #tpu.memory_space<hbm>> -> memref<512xf32, #tpu.memory_space<hbm>>
      tpu.wait_dma2 semaphore(%arg16 : memref<!tpu.dma_semaphore, #tpu.memory_space<semaphore_mem>>) src(%dma_wait3A_383 : memref<512xf32, #tpu.memory_space<hbm>>) dst(%dma_wait3A_381 : memref<512xf32, #tpu.memory_space<vmem>>)
      %scan3A_384 = arith.constant 0 : i32
      scf.yield %scan3A_384 : i32
    }
    %scan3A_139 = arith.constant 40 : i32
    %scan3A_140 = arith.constant 0 : i32
    %scan3A_141 = arith.constant 0 : i32
    %scan3A_142 = arith.constant 32 : i32
    %scan3A_143 = arith.addi %scan3A_141, %scan3A_142 : i32
    %scan3A_144 = arith.constant 1 : i32
    %scan3A_145 = scf.for %scan3A_371 = %scan3A_141 to %scan3A_143 step %scan3A_144 iter_args(%scan3A_372 = %scan3A_140) -> (i32)  : i32 {
      %broadcast_in_dim3A = arith.constant 0.000000e+00 : f32
      %broadcast_in_dim3A_373 = vector.broadcast %broadcast_in_dim3A : f32 to vector<16xf32>
      %mul3A_374 = arith.constant 16 : i32
      %mul3A_375 = arith.muli %scan3A_371, %mul3A_374 : i32
      %get3A_376 = arith.constant 0 : i32
      %get3A_377 = arith.index_cast %get3A_376 : i32 to index
      %get3A_378 = arith.index_cast %mul3A_375 : i32 to index
      %get3A_379 = tpu.vector_load %arg9[%get3A_377, %get3A_378] {strides = array<i32>} : memref<40x512xf32, #tpu.memory_space<vmem>>, vector<16xf32>,
      %add3A_380 = arith.addf %broadcast_in_dim3A_373, %get3A_379 : vector<16xf32>
      %mul3A_381 = arith.constant 16 : i32
      %mul3A_382 = arith.muli %scan3A_371, %mul3A_381 : i32
      %get3A_383 = arith.constant 1 : i32
      %get3A_384 = arith.index_cast %get3A_383 : i32 to index
      %get3A_385 = arith.index_cast %mul3A_382 : i32 to index
      %get3A_386 = tpu.vector_load %arg9[%get3A_384, %get3A_385] {strides = array<i32>} : memref<40x512xf32, #tpu.memory_space<vmem>>, vector<16xf32>,
      %add3A_387 = arith.addf %add3A_380, %get3A_386 : vector<16xf32>
      %mul3A_388 = arith.constant 16 : i32
      %mul3A_389 = arith.muli %scan3A_371, %mul3A_388 : i32
      %get3A_390 = arith.constant 2 : i32
      %get3A_391 = arith.index_cast %get3A_390 : i32 to index
      %get3A_392 = arith.index_cast %mul3A_389 : i32 to index
      %get3A_393 = tpu.vector_load %arg9[%get3A_391, %get3A_392] {strides = array<i32>} : memref<40x512xf32, #tpu.memory_space<vmem>>, vector<16xf32>,
      %add3A_394 = arith.addf %add3A_387, %get3A_393 : vector<16xf32>
      %mul3A_395 = arith.constant 16 : i32
      %mul3A_396 = arith.muli %scan3A_371, %mul3A_395 : i32
      %get3A_397 = arith.constant 3 : i32
      %get3A_398 = arith.index_cast %get3A_397 : i32 to index
      %get3A_399 = arith.index_cast %mul3A_396 : i32 to index
      %get3A_400 = tpu.vector_load %arg9[%get3A_398, %get3A_399] {strides = array<i32>} : memref<40x512xf32, #tpu.memory_space<vmem>>, vector<16xf32>,
      %add3A_401 = arith.addf %add3A_394, %get3A_400 : vector<16xf32>
      %mul3A_402 = arith.constant 16 : i32
      %mul3A_403 = arith.muli %scan3A_371, %mul3A_402 : i32
      %get3A_404 = arith.constant 4 : i32
      %get3A_405 = arith.index_cast %get3A_404 : i32 to index
      %get3A_406 = arith.index_cast %mul3A_403 : i32 to index
      %get3A_407 = tpu.vector_load %arg9[%get3A_405, %get3A_406] {strides = array<i32>} : memref<40x512xf32, #tpu.memory_space<vmem>>, vector<16xf32>,
      %add3A_408 = arith.addf %add3A_401, %get3A_407 : vector<16xf32>
      %mul3A_409 = arith.constant 16 : i32
      %mul3A_410 = arith.muli %scan3A_371, %mul3A_409 : i32
      %get3A_411 = arith.constant 5 : i32
      %get3A_412 = arith.index_cast %get3A_411 : i32 to index
      %get3A_413 = arith.index_cast %mul3A_410 : i32 to index
      %get3A_414 = tpu.vector_load %arg9[%get3A_412, %get3A_413] {strides = array<i32>} : memref<40x512xf32, #tpu.memory_space<vmem>>, vector<16xf32>,
      %add3A_415 = arith.addf %add3A_408, %get3A_414 : vector<16xf32>
      %mul3A_416 = arith.constant 16 : i32
      %mul3A_417 = arith.muli %scan3A_371, %mul3A_416 : i32
      %get3A_418 = arith.constant 6 : i32
      %get3A_419 = arith.index_cast %get3A_418 : i32 to index
      %get3A_420 = arith.index_cast %mul3A_417 : i32 to index
      %get3A_421 = tpu.vector_load %arg9[%get3A_419, %get3A_420] {strides = array<i32>} : memref<40x512xf32, #tpu.memory_space<vmem>>, vector<16xf32>,
      %add3A_422 = arith.addf %add3A_415, %get3A_421 : vector<16xf32>
      %mul3A_423 = arith.constant 16 : i32
      %mul3A_424 = arith.muli %scan3A_371, %mul3A_423 : i32
      %get3A_425 = arith.constant 7 : i32
      %get3A_426 = arith.index_cast %get3A_425 : i32 to index
      %get3A_427 = arith.index_cast %mul3A_424 : i32 to index
      %get3A_428 = tpu.vector_load %arg9[%get3A_426, %get3A_427] {strides = array<i32>} : memref<40x512xf32, #tpu.memory_space<vmem>>, vector<16xf32>,
      %add3A_429 = arith.addf %add3A_422, %get3A_428 : vector<16xf32>
      %mul3A_430 = arith.constant 16 : i32
      %mul3A_431 = arith.muli %scan3A_371, %mul3A_430 : i32
      %get3A_432 = arith.constant 8 : i32
      %get3A_433 = arith.index_cast %get3A_432 : i32 to index
      %get3A_434 = arith.index_cast %mul3A_431 : i32 to index
      %get3A_435 = tpu.vector_load %arg9[%get3A_433, %get3A_434] {strides = array<i32>} : memref<40x512xf32, #tpu.memory_space<vmem>>, vector<16xf32>,
      %add3A_436 = arith.addf %add3A_429, %get3A_435 : vector<16xf32>
      %mul3A_437 = arith.constant 16 : i32
      %mul3A_438 = arith.muli %scan3A_371, %mul3A_437 : i32
      %get3A_439 = arith.constant 9 : i32
      %get3A_440 = arith.index_cast %get3A_439 : i32 to index
      %get3A_441 = arith.index_cast %mul3A_438 : i32 to index
      %get3A_442 = tpu.vector_load %arg9[%get3A_440, %get3A_441] {strides = array<i32>} : memref<40x512xf32, #tpu.memory_space<vmem>>, vector<16xf32>,
      %add3A_443 = arith.addf %add3A_436, %get3A_442 : vector<16xf32>
      %mul3A_444 = arith.constant 16 : i32
      %mul3A_445 = arith.muli %scan3A_371, %mul3A_444 : i32
      %get3A_446 = arith.constant 10 : i32
      %get3A_447 = arith.index_cast %get3A_446 : i32 to index
      %get3A_448 = arith.index_cast %mul3A_445 : i32 to index
      %get3A_449 = tpu.vector_load %arg9[%get3A_447, %get3A_448] {strides = array<i32>} : memref<40x512xf32, #tpu.memory_space<vmem>>, vector<16xf32>,
      %add3A_450 = arith.addf %add3A_443, %get3A_449 : vector<16xf32>
      %mul3A_451 = arith.constant 16 : i32
      %mul3A_452 = arith.muli %scan3A_371, %mul3A_451 : i32
      %get3A_453 = arith.constant 11 : i32
      %get3A_454 = arith.index_cast %get3A_453 : i32 to index
      %get3A_455 = arith.index_cast %mul3A_452 : i32 to index
      %get3A_456 = tpu.vector_load %arg9[%get3A_454, %get3A_455] {strides = array<i32>} : memref<40x512xf32, #tpu.memory_space<vmem>>, vector<16xf32>,
      %add3A_457 = arith.addf %add3A_450, %get3A_456 : vector<16xf32>
      %mul3A_458 = arith.constant 16 : i32
      %mul3A_459 = arith.muli %scan3A_371, %mul3A_458 : i32
      %get3A_460 = arith.constant 12 : i32
      %get3A_461 = arith.index_cast %get3A_460 : i32 to index
      %get3A_462 = arith.index_cast %mul3A_459 : i32 to index
      %get3A_463 = tpu.vector_load %arg9[%get3A_461, %get3A_462] {strides = array<i32>} : memref<40x512xf32, #tpu.memory_space<vmem>>, vector<16xf32>,
      %add3A_464 = arith.addf %add3A_457, %get3A_463 : vector<16xf32>
      %mul3A_465 = arith.constant 16 : i32
      %mul3A_466 = arith.muli %scan3A_371, %mul3A_465 : i32
      %get3A_467 = arith.constant 13 : i32
      %get3A_468 = arith.index_cast %get3A_467 : i32 to index
      %get3A_469 = arith.index_cast %mul3A_466 : i32 to index
      %get3A_470 = tpu.vector_load %arg9[%get3A_468, %get3A_469] {strides = array<i32>} : memref<40x512xf32, #tpu.memory_space<vmem>>, vector<16xf32>,
      %add3A_471 = arith.addf %add3A_464, %get3A_470 : vector<16xf32>
      %mul3A_472 = arith.constant 16 : i32
      %mul3A_473 = arith.muli %scan3A_371, %mul3A_472 : i32
      %get3A_474 = arith.constant 14 : i32
      %get3A_475 = arith.index_cast %get3A_474 : i32 to index
      %get3A_476 = arith.index_cast %mul3A_473 : i32 to index
      %get3A_477 = tpu.vector_load %arg9[%get3A_475, %get3A_476] {strides = array<i32>} : memref<40x512xf32, #tpu.memory_space<vmem>>, vector<16xf32>,
      %add3A_478 = arith.addf %add3A_471, %get3A_477 : vector<16xf32>
      %mul3A_479 = arith.constant 16 : i32
      %mul3A_480 = arith.muli %scan3A_371, %mul3A_479 : i32
      %get3A_481 = arith.constant 15 : i32
      %get3A_482 = arith.index_cast %get3A_481 : i32 to index
      %get3A_483 = arith.index_cast %mul3A_480 : i32 to index
      %get3A_484 = tpu.vector_load %arg9[%get3A_482, %get3A_483] {strides = array<i32>} : memref<40x512xf32, #tpu.memory_space<vmem>>, vector<16xf32>,
      %add3A_485 = arith.addf %add3A_478, %get3A_484 : vector<16xf32>
      %mul3A_486 = arith.constant 16 : i32
      %mul3A_487 = arith.muli %scan3A_371, %mul3A_486 : i32
      %get3A_488 = arith.constant 16 : i32
      %get3A_489 = arith.index_cast %get3A_488 : i32 to index
      %get3A_490 = arith.index_cast %mul3A_487 : i32 to index
      %get3A_491 = tpu.vector_load %arg9[%get3A_489, %get3A_490] {strides = array<i32>} : memref<40x512xf32, #tpu.memory_space<vmem>>, vector<16xf32>,
      %add3A_492 = arith.addf %add3A_485, %get3A_491 : vector<16xf32>
      %mul3A_493 = arith.constant 16 : i32
      %mul3A_494 = arith.muli %scan3A_371, %mul3A_493 : i32
      %get3A_495 = arith.constant 17 : i32
      %get3A_496 = arith.index_cast %get3A_495 : i32 to index
      %get3A_497 = arith.index_cast %mul3A_494 : i32 to index
      %get3A_498 = tpu.vector_load %arg9[%get3A_496, %get3A_497] {strides = array<i32>} : memref<40x512xf32, #tpu.memory_space<vmem>>, vector<16xf32>,
      %add3A_499 = arith.addf %add3A_492, %get3A_498 : vector<16xf32>
      %mul3A_500 = arith.constant 16 : i32
      %mul3A_501 = arith.muli %scan3A_371, %mul3A_500 : i32
      %get3A_502 = arith.constant 18 : i32
      %get3A_503 = arith.index_cast %get3A_502 : i32 to index
      %get3A_504 = arith.index_cast %mul3A_501 : i32 to index
      %get3A_505 = tpu.vector_load %arg9[%get3A_503, %get3A_504] {strides = array<i32>} : memref<40x512xf32, #tpu.memory_space<vmem>>, vector<16xf32>,
      %add3A_506 = arith.addf %add3A_499, %get3A_505 : vector<16xf32>
      %mul3A_507 = arith.constant 16 : i32
      %mul3A_508 = arith.muli %scan3A_371, %mul3A_507 : i32
      %get3A_509 = arith.constant 19 : i32
      %get3A_510 = arith.index_cast %get3A_509 : i32 to index
      %get3A_511 = arith.index_cast %mul3A_508 : i32 to index
      %get3A_512 = tpu.vector_load %arg9[%get3A_510, %get3A_511] {strides = array<i32>} : memref<40x512xf32, #tpu.memory_space<vmem>>, vector<16xf32>,
      %add3A_513 = arith.addf %add3A_506, %get3A_512 : vector<16xf32>
      %mul3A_514 = arith.constant 16 : i32
      %mul3A_515 = arith.muli %scan3A_371, %mul3A_514 : i32
      %get3A_516 = arith.constant 20 : i32
      %get3A_517 = arith.index_cast %get3A_516 : i32 to index
      %get3A_518 = arith.index_cast %mul3A_515 : i32 to index
      %get3A_519 = tpu.vector_load %arg9[%get3A_517, %get3A_518] {strides = array<i32>} : memref<40x512xf32, #tpu.memory_space<vmem>>, vector<16xf32>,
      %add3A_520 = arith.addf %add3A_513, %get3A_519 : vector<16xf32>
      %mul3A_521 = arith.constant 16 : i32
      %mul3A_522 = arith.muli %scan3A_371, %mul3A_521 : i32
      %get3A_523 = arith.constant 21 : i32
      %get3A_524 = arith.index_cast %get3A_523 : i32 to index
      %get3A_525 = arith.index_cast %mul3A_522 : i32 to index
      %get3A_526 = tpu.vector_load %arg9[%get3A_524, %get3A_525] {strides = array<i32>} : memref<40x512xf32, #tpu.memory_space<vmem>>, vector<16xf32>,
      %add3A_527 = arith.addf %add3A_520, %get3A_526 : vector<16xf32>
      %mul3A_528 = arith.constant 16 : i32
      %mul3A_529 = arith.muli %scan3A_371, %mul3A_528 : i32
      %get3A_530 = arith.constant 22 : i32
      %get3A_531 = arith.index_cast %get3A_530 : i32 to index
      %get3A_532 = arith.index_cast %mul3A_529 : i32 to index
      %get3A_533 = tpu.vector_load %arg9[%get3A_531, %get3A_532] {strides = array<i32>} : memref<40x512xf32, #tpu.memory_space<vmem>>, vector<16xf32>,
      %add3A_534 = arith.addf %add3A_527, %get3A_533 : vector<16xf32>
      %mul3A_535 = arith.constant 16 : i32
      %mul3A_536 = arith.muli %scan3A_371, %mul3A_535 : i32
      %get3A_537 = arith.constant 23 : i32
      %get3A_538 = arith.index_cast %get3A_537 : i32 to index
      %get3A_539 = arith.index_cast %mul3A_536 : i32 to index
      %get3A_540 = tpu.vector_load %arg9[%get3A_538, %get3A_539] {strides = array<i32>} : memref<40x512xf32, #tpu.memory_space<vmem>>, vector<16xf32>,
      %add3A_541 = arith.addf %add3A_534, %get3A_540 : vector<16xf32>
      %mul3A_542 = arith.constant 16 : i32
      %mul3A_543 = arith.muli %scan3A_371, %mul3A_542 : i32
      %get3A_544 = arith.constant 24 : i32
      %get3A_545 = arith.index_cast %get3A_544 : i32 to index
      %get3A_546 = arith.index_cast %mul3A_543 : i32 to index
      %get3A_547 = tpu.vector_load %arg9[%get3A_545, %get3A_546] {strides = array<i32>} : memref<40x512xf32, #tpu.memory_space<vmem>>, vector<16xf32>,
      %add3A_548 = arith.addf %add3A_541, %get3A_547 : vector<16xf32>
      %mul3A_549 = arith.constant 16 : i32
      %mul3A_550 = arith.muli %scan3A_371, %mul3A_549 : i32
      %get3A_551 = arith.constant 25 : i32
      %get3A_552 = arith.index_cast %get3A_551 : i32 to index
      %get3A_553 = arith.index_cast %mul3A_550 : i32 to index
      %get3A_554 = tpu.vector_load %arg9[%get3A_552, %get3A_553] {strides = array<i32>} : memref<40x512xf32, #tpu.memory_space<vmem>>, vector<16xf32>,
      %add3A_555 = arith.addf %add3A_548, %get3A_554 : vector<16xf32>
      %mul3A_556 = arith.constant 16 : i32
      %mul3A_557 = arith.muli %scan3A_371, %mul3A_556 : i32
      %get3A_558 = arith.constant 26 : i32
      %get3A_559 = arith.index_cast %get3A_558 : i32 to index
      %get3A_560 = arith.index_cast %mul3A_557 : i32 to index
      %get3A_561 = tpu.vector_load %arg9[%get3A_559, %get3A_560] {strides = array<i32>} : memref<40x512xf32, #tpu.memory_space<vmem>>, vector<16xf32>,
      %add3A_562 = arith.addf %add3A_555, %get3A_561 : vector<16xf32>
      %mul3A_563 = arith.constant 16 : i32
      %mul3A_564 = arith.muli %scan3A_371, %mul3A_563 : i32
      %get3A_565 = arith.constant 27 : i32
      %get3A_566 = arith.index_cast %get3A_565 : i32 to index
      %get3A_567 = arith.index_cast %mul3A_564 : i32 to index
      %get3A_568 = tpu.vector_load %arg9[%get3A_566, %get3A_567] {strides = array<i32>} : memref<40x512xf32, #tpu.memory_space<vmem>>, vector<16xf32>,
      %add3A_569 = arith.addf %add3A_562, %get3A_568 : vector<16xf32>
      %mul3A_570 = arith.constant 16 : i32
      %mul3A_571 = arith.muli %scan3A_371, %mul3A_570 : i32
      %get3A_572 = arith.constant 28 : i32
      %get3A_573 = arith.index_cast %get3A_572 : i32 to index
      %get3A_574 = arith.index_cast %mul3A_571 : i32 to index
      %get3A_575 = tpu.vector_load %arg9[%get3A_573, %get3A_574] {strides = array<i32>} : memref<40x512xf32, #tpu.memory_space<vmem>>, vector<16xf32>,
      %add3A_576 = arith.addf %add3A_569, %get3A_575 : vector<16xf32>
      %mul3A_577 = arith.constant 16 : i32
      %mul3A_578 = arith.muli %scan3A_371, %mul3A_577 : i32
      %get3A_579 = arith.constant 29 : i32
      %get3A_580 = arith.index_cast %get3A_579 : i32 to index
      %get3A_581 = arith.index_cast %mul3A_578 : i32 to index
      %get3A_582 = tpu.vector_load %arg9[%get3A_580, %get3A_581] {strides = array<i32>} : memref<40x512xf32, #tpu.memory_space<vmem>>, vector<16xf32>,
      %add3A_583 = arith.addf %add3A_576, %get3A_582 : vector<16xf32>
      %mul3A_584 = arith.constant 16 : i32
      %mul3A_585 = arith.muli %scan3A_371, %mul3A_584 : i32
      %get3A_586 = arith.constant 30 : i32
      %get3A_587 = arith.index_cast %get3A_586 : i32 to index
      %get3A_588 = arith.index_cast %mul3A_585 : i32 to index
      %get3A_589 = tpu.vector_load %arg9[%get3A_587, %get3A_588] {strides = array<i32>} : memref<40x512xf32, #tpu.memory_space<vmem>>, vector<16xf32>,
      %add3A_590 = arith.addf %add3A_583, %get3A_589 : vector<16xf32>
      %mul3A_591 = arith.constant 16 : i32
      %mul3A_592 = arith.muli %scan3A_371, %mul3A_591 : i32
      %get3A_593 = arith.constant 31 : i32
      %get3A_594 = arith.index_cast %get3A_593 : i32 to index
      %get3A_595 = arith.index_cast %mul3A_592 : i32 to index
      %get3A_596 = tpu.vector_load %arg9[%get3A_594, %get3A_595] {strides = array<i32>} : memref<40x512xf32, #tpu.memory_space<vmem>>, vector<16xf32>,
      %add3A_597 = arith.addf %add3A_590, %get3A_596 : vector<16xf32>
      %mul3A_598 = arith.constant 16 : i32
      %mul3A_599 = arith.muli %scan3A_371, %mul3A_598 : i32
      %get3A_600 = arith.constant 32 : i32
      %get3A_601 = arith.index_cast %get3A_600 : i32 to index
      %get3A_602 = arith.index_cast %mul3A_599 : i32 to index
      %get3A_603 = tpu.vector_load %arg9[%get3A_601, %get3A_602] {strides = array<i32>} : memref<40x512xf32, #tpu.memory_space<vmem>>, vector<16xf32>,
      %add3A_604 = arith.addf %add3A_597, %get3A_603 : vector<16xf32>
      %mul3A_605 = arith.constant 16 : i32
      %mul3A_606 = arith.muli %scan3A_371, %mul3A_605 : i32
      %get3A_607 = arith.constant 33 : i32
      %get3A_608 = arith.index_cast %get3A_607 : i32 to index
      %get3A_609 = arith.index_cast %mul3A_606 : i32 to index
      %get3A_610 = tpu.vector_load %arg9[%get3A_608, %get3A_609] {strides = array<i32>} : memref<40x512xf32, #tpu.memory_space<vmem>>, vector<16xf32>,
      %add3A_611 = arith.addf %add3A_604, %get3A_610 : vector<16xf32>
      %mul3A_612 = arith.constant 16 : i32
      %mul3A_613 = arith.muli %scan3A_371, %mul3A_612 : i32
      %get3A_614 = arith.constant 34 : i32
      %get3A_615 = arith.index_cast %get3A_614 : i32 to index
      %get3A_616 = arith.index_cast %mul3A_613 : i32 to index
      %get3A_617 = tpu.vector_load %arg9[%get3A_615, %get3A_616] {strides = array<i32>} : memref<40x512xf32, #tpu.memory_space<vmem>>, vector<16xf32>,
      %add3A_618 = arith.addf %add3A_611, %get3A_617 : vector<16xf32>
      %mul3A_619 = arith.constant 16 : i32
      %mul3A_620 = arith.muli %scan3A_371, %mul3A_619 : i32
      %get3A_621 = arith.constant 35 : i32
      %get3A_622 = arith.index_cast %get3A_621 : i32 to index
      %get3A_623 = arith.index_cast %mul3A_620 : i32 to index
      %get3A_624 = tpu.vector_load %arg9[%get3A_622, %get3A_623] {strides = array<i32>} : memref<40x512xf32, #tpu.memory_space<vmem>>, vector<16xf32>,
      %add3A_625 = arith.addf %add3A_618, %get3A_624 : vector<16xf32>
      %mul3A_626 = arith.constant 16 : i32
      %mul3A_627 = arith.muli %scan3A_371, %mul3A_626 : i32
      %get3A_628 = arith.constant 36 : i32
      %get3A_629 = arith.index_cast %get3A_628 : i32 to index
      %get3A_630 = arith.index_cast %mul3A_627 : i32 to index
      %get3A_631 = tpu.vector_load %arg9[%get3A_629, %get3A_630] {strides = array<i32>} : memref<40x512xf32, #tpu.memory_space<vmem>>, vector<16xf32>,
      %add3A_632 = arith.addf %add3A_625, %get3A_631 : vector<16xf32>
      %mul3A_633 = arith.constant 16 : i32
      %mul3A_634 = arith.muli %scan3A_371, %mul3A_633 : i32
      %get3A_635 = arith.constant 37 : i32
      %get3A_636 = arith.index_cast %get3A_635 : i32 to index
      %get3A_637 = arith.index_cast %mul3A_634 : i32 to index
      %get3A_638 = tpu.vector_load %arg9[%get3A_636, %get3A_637] {strides = array<i32>} : memref<40x512xf32, #tpu.memory_space<vmem>>, vector<16xf32>,
      %add3A_639 = arith.addf %add3A_632, %get3A_638 : vector<16xf32>
      %mul3A_640 = arith.constant 16 : i32
      %mul3A_641 = arith.muli %scan3A_371, %mul3A_640 : i32
      %get3A_642 = arith.constant 38 : i32
      %get3A_643 = arith.index_cast %get3A_642 : i32 to index
      %get3A_644 = arith.index_cast %mul3A_641 : i32 to index
      %get3A_645 = tpu.vector_load %arg9[%get3A_643, %get3A_644] {strides = array<i32>} : memref<40x512xf32, #tpu.memory_space<vmem>>, vector<16xf32>,
      %add3A_646 = arith.addf %add3A_639, %get3A_645 : vector<16xf32>
      %mul3A_647 = arith.constant 16 : i32
      %mul3A_648 = arith.muli %scan3A_371, %mul3A_647 : i32
      %get3A_649 = arith.constant 39 : i32
      %get3A_650 = arith.index_cast %get3A_649 : i32 to index
      %get3A_651 = arith.index_cast %mul3A_648 : i32 to index
      %get3A_652 = tpu.vector_load %arg9[%get3A_650, %get3A_651] {strides = array<i32>} : memref<40x512xf32, #tpu.memory_space<vmem>>, vector<16xf32>,
      %add3A_653 = arith.addf %add3A_646, %get3A_652 : vector<16xf32>
      %mul3A_654 = arith.constant 16 : i32
      %mul3A_655 = arith.muli %scan3A_371, %mul3A_654 : i32
      %get3A_656 = arith.index_cast %mul3A_655 : i32 to index
      %get3A_657 = tpu.vector_load %arg13[%get3A_656] {strides = array<i32>} : memref<512xf32, #tpu.memory_space<vmem>>, vector<16xf32>,
      %add3A_658 = arith.addf %get3A_657, %add3A_653 : vector<16xf32>
      %swap3A_659 = arith.index_cast %mul3A_655 : i32 to index
      %swap3A_660 = tpu.vector_load %arg13[%swap3A_659] {strides = array<i32>} : memref<512xf32, #tpu.memory_space<vmem>>, vector<16xf32>,
      tpu.vector_store %arg13[%swap3A_659], %add3A_658 {strides = array<i32>} : memref<512xf32, #tpu.memory_space<vmem>>, vector<16xf32>,
      %scan3A_661 = arith.constant 0 : i32
      scf.yield %scan3A_661 : i32
    }
    %scan3A_146 = arith.constant 32 : i32
    %dma_wait3A_147 = arith.constant 0 : i32
    %dma_wait3A_148 = tpu.memref_slice %arg5[%dma_wait3A_147] : memref<500xf32, #tpu.memory_space<hbm>> -> memref<500xf32, #tpu.memory_space<hbm>>
    tpu.wait_indirect_dma semaphore(%arg18 : memref<!tpu.dma_semaphore, #tpu.memory_space<semaphore_mem>>) src(%dma_wait3A_148 : memref<500xf32, #tpu.memory_space<hbm>>) dst(%arg12 : memref<512xf32, #tpu.memory_space<vmem>>)
    %get3A = arith.constant 0 : index
    %get3A_149 = tpu.vector_load %arg13[%get3A] {strides = array<i32>} : memref<512xf32, #tpu.memory_space<vmem>>, vector<16xf32>,
    %get3A_150 = arith.constant 0 : index
    %get3A_151 = tpu.vector_load %arg12[%get3A_150] {strides = array<i32>} : memref<512xf32, #tpu.memory_space<vmem>>, vector<16xf32>,
    %add3A_152 = arith.addf %get3A_149, %get3A_151 : vector<16xf32>
    %swap3A = arith.constant 0 : index
    %swap3A_153 = tpu.vector_load %arg13[%swap3A] {strides = array<i32>} : memref<512xf32, #tpu.memory_space<vmem>>, vector<16xf32>,
    tpu.vector_store %arg13[%swap3A], %add3A_152 {strides = array<i32>} : memref<512xf32, #tpu.memory_space<vmem>>, vector<16xf32>,
    %get3A_154 = arith.constant 16 : index
    %get3A_155 = tpu.vector_load %arg13[%get3A_154] {strides = array<i32>} : memref<512xf32, #tpu.memory_space<vmem>>, vector<16xf32>,
    %get3A_156 = arith.constant 16 : index
    %get3A_157 = tpu.vector_load %arg12[%get3A_156] {strides = array<i32>} : memref<512xf32, #tpu.memory_space<vmem>>, vector<16xf32>,
    %add3A_158 = arith.addf %get3A_155, %get3A_157 : vector<16xf32>
    %swap3A_159 = arith.constant 16 : index
    %swap3A_160 = tpu.vector_load %arg13[%swap3A_159] {strides = array<i32>} : memref<512xf32, #tpu.memory_space<vmem>>, vector<16xf32>,
    tpu.vector_store %arg13[%swap3A_159], %add3A_158 {strides = array<i32>} : memref<512xf32, #tpu.memory_space<vmem>>, vector<16xf32>,
    %get3A_161 = arith.constant 32 : index
    %get3A_162 = tpu.vector_load %arg13[%get3A_161] {strides = array<i32>} : memref<512xf32, #tpu.memory_space<vmem>>, vector<16xf32>,
    %get3A_163 = arith.constant 32 : index
    %get3A_164 = tpu.vector_load %arg12[%get3A_163] {strides = array<i32>} : memref<512xf32, #tpu.memory_space<vmem>>, vector<16xf32>,
    %add3A_165 = arith.addf %get3A_162, %get3A_164 : vector<16xf32>
    %swap3A_166 = arith.constant 32 : index
    %swap3A_167 = tpu.vector_load %arg13[%swap3A_166] {strides = array<i32>} : memref<512xf32, #tpu.memory_space<vmem>>, vector<16xf32>,
    tpu.vector_store %arg13[%swap3A_166], %add3A_165 {strides = array<i32>} : memref<512xf32, #tpu.memory_space<vmem>>, vector<16xf32>,
    %get3A_168 = arith.constant 48 : index
    %get3A_169 = tpu.vector_load %arg13[%get3A_168] {strides = array<i32>} : memref<512xf32, #tpu.memory_space<vmem>>, vector<16xf32>,
    %get3A_170 = arith.constant 48 : index
    %get3A_171 = tpu.vector_load %arg12[%get3A_170] {strides = array<i32>} : memref<512xf32, #tpu.memory_space<vmem>>, vector<16xf32>,
    %add3A_172 = arith.addf %get3A_169, %get3A_171 : vector<16xf32>
    %swap3A_173 = arith.constant 48 : index
    %swap3A_174 = tpu.vector_load %arg13[%swap3A_173] {strides = array<i32>} : memref<512xf32, #tpu.memory_space<vmem>>, vector<16xf32>,
    tpu.vector_store %arg13[%swap3A_173], %add3A_172 {strides = array<i32>} : memref<512xf32, #tpu.memory_space<vmem>>, vector<16xf32>,
    %get3A_175 = arith.constant 64 : index
    %get3A_176 = tpu.vector_load %arg13[%get3A_175] {strides = array<i32>} : memref<512xf32, #tpu.memory_space<vmem>>, vector<16xf32>,
    %get3A_177 = arith.constant 64 : index
    %get3A_178 = tpu.vector_load %arg12[%get3A_177] {strides = array<i32>} : memref<512xf32, #tpu.memory_space<vmem>>, vector<16xf32>,
    %add3A_179 = arith.addf %get3A_176, %get3A_178 : vector<16xf32>
    %swap3A_180 = arith.constant 64 : index
    %swap3A_181 = tpu.vector_load %arg13[%swap3A_180] {strides = array<i32>} : memref<512xf32, #tpu.memory_space<vmem>>, vector<16xf32>,
    tpu.vector_store %arg13[%swap3A_180], %add3A_179 {strides = array<i32>} : memref<512xf32, #tpu.memory_space<vmem>>, vector<16xf32>,
    %get3A_182 = arith.constant 80 : index
    %get3A_183 = tpu.vector_load %arg13[%get3A_182] {strides = array<i32>} : memref<512xf32, #tpu.memory_space<vmem>>, vector<16xf32>,
    %get3A_184 = arith.constant 80 : index
    %get3A_185 = tpu.vector_load %arg12[%get3A_184] {strides = array<i32>} : memref<512xf32, #tpu.memory_space<vmem>>, vector<16xf32>,
    %add3A_186 = arith.addf %get3A_183, %get3A_185 : vector<16xf32>
    %swap3A_187 = arith.constant 80 : index
    %swap3A_188 = tpu.vector_load %arg13[%swap3A_187] {strides = array<i32>} : memref<512xf32, #tpu.memory_space<vmem>>, vector<16xf32>,
    tpu.vector_store %arg13[%swap3A_187], %add3A_186 {strides = array<i32>} : memref<512xf32, #tpu.memory_space<vmem>>, vector<16xf32>,
    %get3A_189 = arith.constant 96 : index
    %get3A_190 = tpu.vector_load %arg13[%get3A_189] {strides = array<i32>} : memref<512xf32, #tpu.memory_space<vmem>>, vector<16xf32>,
    %get3A_191 = arith.constant 96 : index
    %get3A_192 = tpu.vector_load %arg12[%get3A_191] {strides = array<i32>} : memref<512xf32, #tpu.memory_space<vmem>>, vector<16xf32>,
    %add3A_193 = arith.addf %get3A_190, %get3A_192 : vector<16xf32>
    %swap3A_194 = arith.constant 96 : index
    %swap3A_195 = tpu.vector_load %arg13[%swap3A_194] {strides = array<i32>} : memref<512xf32, #tpu.memory_space<vmem>>, vector<16xf32>,
    tpu.vector_store %arg13[%swap3A_194], %add3A_193 {strides = array<i32>} : memref<512xf32, #tpu.memory_space<vmem>>, vector<16xf32>,
    %get3A_196 = arith.constant 112 : index
    %get3A_197 = tpu.vector_load %arg13[%get3A_196] {strides = array<i32>} : memref<512xf32, #tpu.memory_space<vmem>>, vector<16xf32>,
    %get3A_198 = arith.constant 112 : index
    %get3A_199 = tpu.vector_load %arg12[%get3A_198] {strides = array<i32>} : memref<512xf32, #tpu.memory_space<vmem>>, vector<16xf32>,
    %add3A_200 = arith.addf %get3A_197, %get3A_199 : vector<16xf32>
    %swap3A_201 = arith.constant 112 : index
    %swap3A_202 = tpu.vector_load %arg13[%swap3A_201] {strides = array<i32>} : memref<512xf32, #tpu.memory_space<vmem>>, vector<16xf32>,
    tpu.vector_store %arg13[%swap3A_201], %add3A_200 {strides = array<i32>} : memref<512xf32, #tpu.memory_space<vmem>>, vector<16xf32>,
    %get3A_203 = arith.constant 128 : index
    %get3A_204 = tpu.vector_load %arg13[%get3A_203] {strides = array<i32>} : memref<512xf32, #tpu.memory_space<vmem>>, vector<16xf32>,
    %get3A_205 = arith.constant 128 : index
    %get3A_206 = tpu.vector_load %arg12[%get3A_205] {strides = array<i32>} : memref<512xf32, #tpu.memory_space<vmem>>, vector<16xf32>,
    %add3A_207 = arith.addf %get3A_204, %get3A_206 : vector<16xf32>
    %swap3A_208 = arith.constant 128 : index
    %swap3A_209 = tpu.vector_load %arg13[%swap3A_208] {strides = array<i32>} : memref<512xf32, #tpu.memory_space<vmem>>, vector<16xf32>,
    tpu.vector_store %arg13[%swap3A_208], %add3A_207 {strides = array<i32>} : memref<512xf32, #tpu.memory_space<vmem>>, vector<16xf32>,
    %get3A_210 = arith.constant 144 : index
    %get3A_211 = tpu.vector_load %arg13[%get3A_210] {strides = array<i32>} : memref<512xf32, #tpu.memory_space<vmem>>, vector<16xf32>,
    %get3A_212 = arith.constant 144 : index
    %get3A_213 = tpu.vector_load %arg12[%get3A_212] {strides = array<i32>} : memref<512xf32, #tpu.memory_space<vmem>>, vector<16xf32>,
    %add3A_214 = arith.addf %get3A_211, %get3A_213 : vector<16xf32>
    %swap3A_215 = arith.constant 144 : index
    %swap3A_216 = tpu.vector_load %arg13[%swap3A_215] {strides = array<i32>} : memref<512xf32, #tpu.memory_space<vmem>>, vector<16xf32>,
    tpu.vector_store %arg13[%swap3A_215], %add3A_214 {strides = array<i32>} : memref<512xf32, #tpu.memory_space<vmem>>, vector<16xf32>,
    %get3A_217 = arith.constant 160 : index
    %get3A_218 = tpu.vector_load %arg13[%get3A_217] {strides = array<i32>} : memref<512xf32, #tpu.memory_space<vmem>>, vector<16xf32>,
    %get3A_219 = arith.constant 160 : index
    %get3A_220 = tpu.vector_load %arg12[%get3A_219] {strides = array<i32>} : memref<512xf32, #tpu.memory_space<vmem>>, vector<16xf32>,
    %add3A_221 = arith.addf %get3A_218, %get3A_220 : vector<16xf32>
    %swap3A_222 = arith.constant 160 : index
    %swap3A_223 = tpu.vector_load %arg13[%swap3A_222] {strides = array<i32>} : memref<512xf32, #tpu.memory_space<vmem>>, vector<16xf32>,
    tpu.vector_store %arg13[%swap3A_222], %add3A_221 {strides = array<i32>} : memref<512xf32, #tpu.memory_space<vmem>>, vector<16xf32>,
    %get3A_224 = arith.constant 176 : index
    %get3A_225 = tpu.vector_load %arg13[%get3A_224] {strides = array<i32>} : memref<512xf32, #tpu.memory_space<vmem>>, vector<16xf32>,
    %get3A_226 = arith.constant 176 : index
    %get3A_227 = tpu.vector_load %arg12[%get3A_226] {strides = array<i32>} : memref<512xf32, #tpu.memory_space<vmem>>, vector<16xf32>,
    %add3A_228 = arith.addf %get3A_225, %get3A_227 : vector<16xf32>
    %swap3A_229 = arith.constant 176 : index
    %swap3A_230 = tpu.vector_load %arg13[%swap3A_229] {strides = array<i32>} : memref<512xf32, #tpu.memory_space<vmem>>, vector<16xf32>,
    tpu.vector_store %arg13[%swap3A_229], %add3A_228 {strides = array<i32>} : memref<512xf32, #tpu.memory_space<vmem>>, vector<16xf32>,
    %get3A_231 = arith.constant 192 : index
    %get3A_232 = tpu.vector_load %arg13[%get3A_231] {strides = array<i32>} : memref<512xf32, #tpu.memory_space<vmem>>, vector<16xf32>,
    %get3A_233 = arith.constant 192 : index
    %get3A_234 = tpu.vector_load %arg12[%get3A_233] {strides = array<i32>} : memref<512xf32, #tpu.memory_space<vmem>>, vector<16xf32>,
    %add3A_235 = arith.addf %get3A_232, %get3A_234 : vector<16xf32>
    %swap3A_236 = arith.constant 192 : index
    %swap3A_237 = tpu.vector_load %arg13[%swap3A_236] {strides = array<i32>} : memref<512xf32, #tpu.memory_space<vmem>>, vector<16xf32>,
    tpu.vector_store %arg13[%swap3A_236], %add3A_235 {strides = array<i32>} : memref<512xf32, #tpu.memory_space<vmem>>, vector<16xf32>,
    %get3A_238 = arith.constant 208 : index
    %get3A_239 = tpu.vector_load %arg13[%get3A_238] {strides = array<i32>} : memref<512xf32, #tpu.memory_space<vmem>>, vector<16xf32>,
    %get3A_240 = arith.constant 208 : index
    %get3A_241 = tpu.vector_load %arg12[%get3A_240] {strides = array<i32>} : memref<512xf32, #tpu.memory_space<vmem>>, vector<16xf32>,
    %add3A_242 = arith.addf %get3A_239, %get3A_241 : vector<16xf32>
    %swap3A_243 = arith.constant 208 : index
    %swap3A_244 = tpu.vector_load %arg13[%swap3A_243] {strides = array<i32>} : memref<512xf32, #tpu.memory_space<vmem>>, vector<16xf32>,
    tpu.vector_store %arg13[%swap3A_243], %add3A_242 {strides = array<i32>} : memref<512xf32, #tpu.memory_space<vmem>>, vector<16xf32>,
    %get3A_245 = arith.constant 224 : index
    %get3A_246 = tpu.vector_load %arg13[%get3A_245] {strides = array<i32>} : memref<512xf32, #tpu.memory_space<vmem>>, vector<16xf32>,
    %get3A_247 = arith.constant 224 : index
    %get3A_248 = tpu.vector_load %arg12[%get3A_247] {strides = array<i32>} : memref<512xf32, #tpu.memory_space<vmem>>, vector<16xf32>,
    %add3A_249 = arith.addf %get3A_246, %get3A_248 : vector<16xf32>
    %swap3A_250 = arith.constant 224 : index
    %swap3A_251 = tpu.vector_load %arg13[%swap3A_250] {strides = array<i32>} : memref<512xf32, #tpu.memory_space<vmem>>, vector<16xf32>,
    tpu.vector_store %arg13[%swap3A_250], %add3A_249 {strides = array<i32>} : memref<512xf32, #tpu.memory_space<vmem>>, vector<16xf32>,
    %get3A_252 = arith.constant 240 : index
    %get3A_253 = tpu.vector_load %arg13[%get3A_252] {strides = array<i32>} : memref<512xf32, #tpu.memory_space<vmem>>, vector<16xf32>,
    %get3A_254 = arith.constant 240 : index
    %get3A_255 = tpu.vector_load %arg12[%get3A_254] {strides = array<i32>} : memref<512xf32, #tpu.memory_space<vmem>>, vector<16xf32>,
    %add3A_256 = arith.addf %get3A_253, %get3A_255 : vector<16xf32>
    %swap3A_257 = arith.constant 240 : index
    %swap3A_258 = tpu.vector_load %arg13[%swap3A_257] {strides = array<i32>} : memref<512xf32, #tpu.memory_space<vmem>>, vector<16xf32>,
    tpu.vector_store %arg13[%swap3A_257], %add3A_256 {strides = array<i32>} : memref<512xf32, #tpu.memory_space<vmem>>, vector<16xf32>,
    %get3A_259 = arith.constant 256 : index
    %get3A_260 = tpu.vector_load %arg13[%get3A_259] {strides = array<i32>} : memref<512xf32, #tpu.memory_space<vmem>>, vector<16xf32>,
    %get3A_261 = arith.constant 256 : index
    %get3A_262 = tpu.vector_load %arg12[%get3A_261] {strides = array<i32>} : memref<512xf32, #tpu.memory_space<vmem>>, vector<16xf32>,
    %add3A_263 = arith.addf %get3A_260, %get3A_262 : vector<16xf32>
    %swap3A_264 = arith.constant 256 : index
    %swap3A_265 = tpu.vector_load %arg13[%swap3A_264] {strides = array<i32>} : memref<512xf32, #tpu.memory_space<vmem>>, vector<16xf32>,
    tpu.vector_store %arg13[%swap3A_264], %add3A_263 {strides = array<i32>} : memref<512xf32, #tpu.memory_space<vmem>>, vector<16xf32>,
    %get3A_266 = arith.constant 272 : index
    %get3A_267 = tpu.vector_load %arg13[%get3A_266] {strides = array<i32>} : memref<512xf32, #tpu.memory_space<vmem>>, vector<16xf32>,
    %get3A_268 = arith.constant 272 : index
    %get3A_269 = tpu.vector_load %arg12[%get3A_268] {strides = array<i32>} : memref<512xf32, #tpu.memory_space<vmem>>, vector<16xf32>,
    %add3A_270 = arith.addf %get3A_267, %get3A_269 : vector<16xf32>
    %swap3A_271 = arith.constant 272 : index
    %swap3A_272 = tpu.vector_load %arg13[%swap3A_271] {strides = array<i32>} : memref<512xf32, #tpu.memory_space<vmem>>, vector<16xf32>,
    tpu.vector_store %arg13[%swap3A_271], %add3A_270 {strides = array<i32>} : memref<512xf32, #tpu.memory_space<vmem>>, vector<16xf32>,
    %get3A_273 = arith.constant 288 : index
    %get3A_274 = tpu.vector_load %arg13[%get3A_273] {strides = array<i32>} : memref<512xf32, #tpu.memory_space<vmem>>, vector<16xf32>,
    %get3A_275 = arith.constant 288 : index
    %get3A_276 = tpu.vector_load %arg12[%get3A_275] {strides = array<i32>} : memref<512xf32, #tpu.memory_space<vmem>>, vector<16xf32>,
    %add3A_277 = arith.addf %get3A_274, %get3A_276 : vector<16xf32>
    %swap3A_278 = arith.constant 288 : index
    %swap3A_279 = tpu.vector_load %arg13[%swap3A_278] {strides = array<i32>} : memref<512xf32, #tpu.memory_space<vmem>>, vector<16xf32>,
    tpu.vector_store %arg13[%swap3A_278], %add3A_277 {strides = array<i32>} : memref<512xf32, #tpu.memory_space<vmem>>, vector<16xf32>,
    %get3A_280 = arith.constant 304 : index
    %get3A_281 = tpu.vector_load %arg13[%get3A_280] {strides = array<i32>} : memref<512xf32, #tpu.memory_space<vmem>>, vector<16xf32>,
    %get3A_282 = arith.constant 304 : index
    %get3A_283 = tpu.vector_load %arg12[%get3A_282] {strides = array<i32>} : memref<512xf32, #tpu.memory_space<vmem>>, vector<16xf32>,
    %add3A_284 = arith.addf %get3A_281, %get3A_283 : vector<16xf32>
    %swap3A_285 = arith.constant 304 : index
    %swap3A_286 = tpu.vector_load %arg13[%swap3A_285] {strides = array<i32>} : memref<512xf32, #tpu.memory_space<vmem>>, vector<16xf32>,
    tpu.vector_store %arg13[%swap3A_285], %add3A_284 {strides = array<i32>} : memref<512xf32, #tpu.memory_space<vmem>>, vector<16xf32>,
    %get3A_287 = arith.constant 320 : index
    %get3A_288 = tpu.vector_load %arg13[%get3A_287] {strides = array<i32>} : memref<512xf32, #tpu.memory_space<vmem>>, vector<16xf32>,
    %get3A_289 = arith.constant 320 : index
    %get3A_290 = tpu.vector_load %arg12[%get3A_289] {strides = array<i32>} : memref<512xf32, #tpu.memory_space<vmem>>, vector<16xf32>,
    %add3A_291 = arith.addf %get3A_288, %get3A_290 : vector<16xf32>
    %swap3A_292 = arith.constant 320 : index
    %swap3A_293 = tpu.vector_load %arg13[%swap3A_292] {strides = array<i32>} : memref<512xf32, #tpu.memory_space<vmem>>, vector<16xf32>,
    tpu.vector_store %arg13[%swap3A_292], %add3A_291 {strides = array<i32>} : memref<512xf32, #tpu.memory_space<vmem>>, vector<16xf32>,
    %get3A_294 = arith.constant 336 : index
    %get3A_295 = tpu.vector_load %arg13[%get3A_294] {strides = array<i32>} : memref<512xf32, #tpu.memory_space<vmem>>, vector<16xf32>,
    %get3A_296 = arith.constant 336 : index
    %get3A_297 = tpu.vector_load %arg12[%get3A_296] {strides = array<i32>} : memref<512xf32, #tpu.memory_space<vmem>>, vector<16xf32>,
    %add3A_298 = arith.addf %get3A_295, %get3A_297 : vector<16xf32>
    %swap3A_299 = arith.constant 336 : index
    %swap3A_300 = tpu.vector_load %arg13[%swap3A_299] {strides = array<i32>} : memref<512xf32, #tpu.memory_space<vmem>>, vector<16xf32>,
    tpu.vector_store %arg13[%swap3A_299], %add3A_298 {strides = array<i32>} : memref<512xf32, #tpu.memory_space<vmem>>, vector<16xf32>,
    %get3A_301 = arith.constant 352 : index
    %get3A_302 = tpu.vector_load %arg13[%get3A_301] {strides = array<i32>} : memref<512xf32, #tpu.memory_space<vmem>>, vector<16xf32>,
    %get3A_303 = arith.constant 352 : index
    %get3A_304 = tpu.vector_load %arg12[%get3A_303] {strides = array<i32>} : memref<512xf32, #tpu.memory_space<vmem>>, vector<16xf32>,
    %add3A_305 = arith.addf %get3A_302, %get3A_304 : vector<16xf32>
    %swap3A_306 = arith.constant 352 : index
    %swap3A_307 = tpu.vector_load %arg13[%swap3A_306] {strides = array<i32>} : memref<512xf32, #tpu.memory_space<vmem>>, vector<16xf32>,
    tpu.vector_store %arg13[%swap3A_306], %add3A_305 {strides = array<i32>} : memref<512xf32, #tpu.memory_space<vmem>>, vector<16xf32>,
    %get3A_308 = arith.constant 368 : index
    %get3A_309 = tpu.vector_load %arg13[%get3A_308] {strides = array<i32>} : memref<512xf32, #tpu.memory_space<vmem>>, vector<16xf32>,
    %get3A_310 = arith.constant 368 : index
    %get3A_311 = tpu.vector_load %arg12[%get3A_310] {strides = array<i32>} : memref<512xf32, #tpu.memory_space<vmem>>, vector<16xf32>,
    %add3A_312 = arith.addf %get3A_309, %get3A_311 : vector<16xf32>
    %swap3A_313 = arith.constant 368 : index
    %swap3A_314 = tpu.vector_load %arg13[%swap3A_313] {strides = array<i32>} : memref<512xf32, #tpu.memory_space<vmem>>, vector<16xf32>,
    tpu.vector_store %arg13[%swap3A_313], %add3A_312 {strides = array<i32>} : memref<512xf32, #tpu.memory_space<vmem>>, vector<16xf32>,
    %get3A_315 = arith.constant 384 : index
    %get3A_316 = tpu.vector_load %arg13[%get3A_315] {strides = array<i32>} : memref<512xf32, #tpu.memory_space<vmem>>, vector<16xf32>,
    %get3A_317 = arith.constant 384 : index
    %get3A_318 = tpu.vector_load %arg12[%get3A_317] {strides = array<i32>} : memref<512xf32, #tpu.memory_space<vmem>>, vector<16xf32>,
    %add3A_319 = arith.addf %get3A_316, %get3A_318 : vector<16xf32>
    %swap3A_320 = arith.constant 384 : index
    %swap3A_321 = tpu.vector_load %arg13[%swap3A_320] {strides = array<i32>} : memref<512xf32, #tpu.memory_space<vmem>>, vector<16xf32>,
    tpu.vector_store %arg13[%swap3A_320], %add3A_319 {strides = array<i32>} : memref<512xf32, #tpu.memory_space<vmem>>, vector<16xf32>,
    %get3A_322 = arith.constant 400 : index
    %get3A_323 = tpu.vector_load %arg13[%get3A_322] {strides = array<i32>} : memref<512xf32, #tpu.memory_space<vmem>>, vector<16xf32>,
    %get3A_324 = arith.constant 400 : index
    %get3A_325 = tpu.vector_load %arg12[%get3A_324] {strides = array<i32>} : memref<512xf32, #tpu.memory_space<vmem>>, vector<16xf32>,
    %add3A_326 = arith.addf %get3A_323, %get3A_325 : vector<16xf32>
    %swap3A_327 = arith.constant 400 : index
    %swap3A_328 = tpu.vector_load %arg13[%swap3A_327] {strides = array<i32>} : memref<512xf32, #tpu.memory_space<vmem>>, vector<16xf32>,
    tpu.vector_store %arg13[%swap3A_327], %add3A_326 {strides = array<i32>} : memref<512xf32, #tpu.memory_space<vmem>>, vector<16xf32>,
    %get3A_329 = arith.constant 416 : index
    %get3A_330 = tpu.vector_load %arg13[%get3A_329] {strides = array<i32>} : memref<512xf32, #tpu.memory_space<vmem>>, vector<16xf32>,
    %get3A_331 = arith.constant 416 : index
    %get3A_332 = tpu.vector_load %arg12[%get3A_331] {strides = array<i32>} : memref<512xf32, #tpu.memory_space<vmem>>, vector<16xf32>,
    %add3A_333 = arith.addf %get3A_330, %get3A_332 : vector<16xf32>
    %swap3A_334 = arith.constant 416 : index
    %swap3A_335 = tpu.vector_load %arg13[%swap3A_334] {strides = array<i32>} : memref<512xf32, #tpu.memory_space<vmem>>, vector<16xf32>,
    tpu.vector_store %arg13[%swap3A_334], %add3A_333 {strides = array<i32>} : memref<512xf32, #tpu.memory_space<vmem>>, vector<16xf32>,
    %get3A_336 = arith.constant 432 : index
    %get3A_337 = tpu.vector_load %arg13[%get3A_336] {strides = array<i32>} : memref<512xf32, #tpu.memory_space<vmem>>, vector<16xf32>,
    %get3A_338 = arith.constant 432 : index
    %get3A_339 = tpu.vector_load %arg12[%get3A_338] {strides = array<i32>} : memref<512xf32, #tpu.memory_space<vmem>>, vector<16xf32>,
    %add3A_340 = arith.addf %get3A_337, %get3A_339 : vector<16xf32>
    %swap3A_341 = arith.constant 432 : index
    %swap3A_342 = tpu.vector_load %arg13[%swap3A_341] {strides = array<i32>} : memref<512xf32, #tpu.memory_space<vmem>>, vector<16xf32>,
    tpu.vector_store %arg13[%swap3A_341], %add3A_340 {strides = array<i32>} : memref<512xf32, #tpu.memory_space<vmem>>, vector<16xf32>,
    %get3A_343 = arith.constant 448 : index
    %get3A_344 = tpu.vector_load %arg13[%get3A_343] {strides = array<i32>} : memref<512xf32, #tpu.memory_space<vmem>>, vector<16xf32>,
    %get3A_345 = arith.constant 448 : index
    %get3A_346 = tpu.vector_load %arg12[%get3A_345] {strides = array<i32>} : memref<512xf32, #tpu.memory_space<vmem>>, vector<16xf32>,
    %add3A_347 = arith.addf %get3A_344, %get3A_346 : vector<16xf32>
    %swap3A_348 = arith.constant 448 : index
    %swap3A_349 = tpu.vector_load %arg13[%swap3A_348] {strides = array<i32>} : memref<512xf32, #tpu.memory_space<vmem>>, vector<16xf32>,
    tpu.vector_store %arg13[%swap3A_348], %add3A_347 {strides = array<i32>} : memref<512xf32, #tpu.memory_space<vmem>>, vector<16xf32>,
    %get3A_350 = arith.constant 464 : index
    %get3A_351 = tpu.vector_load %arg13[%get3A_350] {strides = array<i32>} : memref<512xf32, #tpu.memory_space<vmem>>, vector<16xf32>,
    %get3A_352 = arith.constant 464 : index
    %get3A_353 = tpu.vector_load %arg12[%get3A_352] {strides = array<i32>} : memref<512xf32, #tpu.memory_space<vmem>>, vector<16xf32>,
    %add3A_354 = arith.addf %get3A_351, %get3A_353 : vector<16xf32>
    %swap3A_355 = arith.constant 464 : index
    %swap3A_356 = tpu.vector_load %arg13[%swap3A_355] {strides = array<i32>} : memref<512xf32, #tpu.memory_space<vmem>>, vector<16xf32>,
    tpu.vector_store %arg13[%swap3A_355], %add3A_354 {strides = array<i32>} : memref<512xf32, #tpu.memory_space<vmem>>, vector<16xf32>,
    %get3A_357 = arith.constant 480 : index
    %get3A_358 = tpu.vector_load %arg13[%get3A_357] {strides = array<i32>} : memref<512xf32, #tpu.memory_space<vmem>>, vector<16xf32>,
    %get3A_359 = arith.constant 480 : index
    %get3A_360 = tpu.vector_load %arg12[%get3A_359] {strides = array<i32>} : memref<512xf32, #tpu.memory_space<vmem>>, vector<16xf32>,
    %add3A_361 = arith.addf %get3A_358, %get3A_360 : vector<16xf32>
    %swap3A_362 = arith.constant 480 : index
    %swap3A_363 = tpu.vector_load %arg13[%swap3A_362] {strides = array<i32>} : memref<512xf32, #tpu.memory_space<vmem>>, vector<16xf32>,
    tpu.vector_store %arg13[%swap3A_362], %add3A_361 {strides = array<i32>} : memref<512xf32, #tpu.memory_space<vmem>>, vector<16xf32>,
    %get3A_364 = arith.constant 496 : index
    %get3A_365 = tpu.vector_load %arg13[%get3A_364] {strides = array<i32>} : memref<512xf32, #tpu.memory_space<vmem>>, vector<16xf32>,
    %get3A_366 = arith.constant 496 : index
    %get3A_367 = tpu.vector_load %arg12[%get3A_366] {strides = array<i32>} : memref<512xf32, #tpu.memory_space<vmem>>, vector<16xf32>,
    %add3A_368 = arith.addf %get3A_365, %get3A_367 : vector<16xf32>
    %swap3A_369 = arith.constant 496 : index
    %swap3A_370 = tpu.vector_load %arg13[%swap3A_369] {strides = array<i32>} : memref<512xf32, #tpu.memory_space<vmem>>, vector<16xf32>,
    tpu.vector_store %arg13[%swap3A_369], %add3A_368 {strides = array<i32>} : memref<512xf32, #tpu.memory_space<vmem>>, vector<16xf32>,
    "tpu.region"() ({
      %run_scoped3A = tpu.sem_alloc : memref<!tpu.dma_semaphore, #tpu.memory_space<semaphore_mem>>
      %dma_start3A_371 = tpu.memref_slice %arg6[%mul3A_2] : memref<16384xf32, #tpu.memory_space<hbm>> -> memref<512xf32, #tpu.memory_space<hbm>>
      %dma_start3A_372 = tpu.memref_slice %arg6[%mul3A_2] : memref<16384xf32, #tpu.memory_space<hbm>> -> memref<512xf32, #tpu.memory_space<hbm>>
      tpu.enqueue_dma source(%arg13 : memref<512xf32, #tpu.memory_space<vmem>>) target(%dma_start3A_372 : memref<512xf32, #tpu.memory_space<hbm>>) target_semaphore(%run_scoped3A : memref<!tpu.dma_semaphore, #tpu.memory_space<semaphore_mem>>)
      %dma_wait3A_373 = tpu.memref_slice %arg6[%mul3A_2] : memref<16384xf32, #tpu.memory_space<hbm>> -> memref<512xf32, #tpu.memory_space<hbm>>
      %dma_wait3A_374 = tpu.memref_slice %arg6[%mul3A_2] : memref<16384xf32, #tpu.memory_space<hbm>> -> memref<512xf32, #tpu.memory_space<hbm>>
      tpu.wait_dma2 semaphore(%run_scoped3A : memref<!tpu.dma_semaphore, #tpu.memory_space<semaphore_mem>>) src(%arg13 : memref<512xf32, #tpu.memory_space<vmem>>) dst(%dma_wait3A_374 : memref<512xf32, #tpu.memory_space<hbm>>)
      tpu.yield
    }) : () -> ()
    return
  }
}

</mosaic_0001>

<sc_bundles>
// kernel: _run.3.cloned.1.call-start
scs
__scs_entry_jumppad:
0x0: {  	(pc) =	sbr.rel $0x88, $3  }
0x1: {  	(tag) =	ssettag $0x0;
	lr =	simm.s32 $0x1  }
0x2: {  	[smem:$0x3F9D] =	sst lr;
	_ =	strace $0xD0000000  }
0x3: {  	_ = 	snop  }
0x4: {  	_ = 	snop  }
0x5: {  	_ = 	snop  }
0x6: {  	_ = 	snop  }
0x7: {  	_ = 	snop  }
__scs_overlays_trampoline_lowered:
0x8: {  	[smem:$0x3FAC] =	sst s0  }
0x9: {  	[smem:$0x3FAD] =	sst s1  }
0xa: {  	[smem:$0x3FAE] =	sst s2  }
0xb: {  	[smem:$0x3FAF] =	sst s3  }
0xc: {  	[smem:$0x3FB0] =	sst s4  }
0xd: {  	[smem:$0x3FB1] =	sst s5  }
0xe: {  	[smem:$0x3FB2] =	sst s6  }
0xf: {  	[smem:$0x3FB3] =	sst s7  }
0x10: {  	[smem:$0x3FB4] =	sst s8  }
0x11: {  	[smem:$0x3FB5] =	sst s9;
	s0 =	simm.s32 @!p0 $0x0  }
0x12: {  	s1 =	sld [smem:$0x3F9B];
	s0 =	simm.s32 @p0 $0x1  }
0x13: {  	[smem:$0x3FB6] =	sst s0;
	s0 =	simm.s32 @!p1 $0x0  }
0x14: {  	s2 =	sld [smem:$0x3F9A];
	s0 =	simm.s32 @p1 $0x1  }
0x15: {  	[smem:$0x3FB7] =	sst s0;
	s0 =	simm.s32 @!p2 $0x0  }
0x16: {  	s3 =	sld [smem:$0x3FDB];
	s0 =	simm.s32 @p2 $0x1  }
0x17: {  	s4 =	simm.s32 $0x1BF5;
	[smem:$0x3FB9] =	sst s0  }
0x18: {  	s0 =	sld [smem:$0x3F9C];
	_ =	swait.ge [sflag:s4], $0x0  }
0x19: {  	s7 =	sld [smem:$0x3F9D]  }
0x1a: {  	s8 =	sadd.s32 $0xFFFFE003, lr  }
0x1b: {  	s9 =	sadd.s32 $0xFFFFFEF7, lr;
	s5 =	simm.s32 $0xFFFFFFFF;
	p2 =	slt.u32 s8, $0xFFFFF086  }
0x1c: {  	p1 =	slt.u32 s9, $0xF7A;
	s5 =	simm.s32 @!p2 $0x0  }
0x1d: {  	s5 =	simm.s32 @p1 $0x1;
	p0 =	seq.s32 s7, s2  }
0x1e: {  	s7 =	smul.u32 @!p0 $0xF7A, s2;
	p2 =	seq.s32 @!p0 s5, $0x0  }
0x1f: {  	s9 =	smul.u32 $0xF7A, s1;
	s8 =	simm.s32 @!p0 $0x1BF5;
	p2 =	por !p2, p0  }
0x20: {  	[sflag:s8] =	ssyncset.s32 @!p0 $0xFFFFF086;
	s6 =	sadd.s32 @!p0 s3, s7;
	s7 =	simm.s32 @!p0 $0x108  }
0x21: {  	s3 =	sadd.s32 s3, s9;
	s6 =	sadd.s32 @!p0 $0x88, s6;
	s7 =	simm.s32 @p2 $0x1082  }
0x22: {  	[simem:s7], [sflag:s8] =	dma.local @!p0 [hbm:s6], $0xF7A  }
0x23: {  	s9 =	sor.u32 $0xD0000000, s2;
	s6 =	simm.s32 $0x108;
	_ =	swait.ge @!p0 [sflag:s8], $0x0  }
0x24: {  	s3 =	sadd.s32 $0x88, s3;
	s6 =	simm.s32 @!p1 $0x1082;
	[sflag:s4] =	ssyncset.s32 $0xFFFFF086  }
0x25: {  	[simem:s6], [sflag:s4] =	dma.local [hbm:s3], $0xF7A  }
0x26: {  	[smem:$0x3F9D] =	sst s1;
	(tag) =	ssettag s2;
	_ =	strace s9  }
0x27: {  	s1 =	sld [smem:$0x3FAD]  }
0x28: {  	s2 =	sld [smem:$0x3FAE]  }
0x29: {  	s4 =	sld [smem:$0x3FB0]  }
0x2a: {  	p0 =	seq.s32 s5, $0x0;
	s5 =	sld [smem:$0x3FB1]  }
0x2b: {  	s6 =	sld [smem:$0x3FB2]  }
0x2c: {  	s7 =	sld [smem:$0x3FB3]  }
0x2d: {  	s3 =	simm.s32 $0x108;
	s8 =	sld [smem:$0x3FB4]  }
0x2e: {  	s3 =	simm.s32 @!p0 $0x1082;
	s9 =	sld [smem:$0x3FB5]  }
0x2f: {  	lr =	sadd.s32 s0, s3;
	s0 =	sld [smem:$0x3FAC]  }
0x30: {  	s3 =	sld [smem:$0x3FAF]  }
0x31: {  	[smem:$0x3FB8] =	sst s10  }
0x32: {  	s10 =	sld [smem:$0x3FB6];
	_ =	sdelay $0x3  }
0x33: {  	p0 =	seq.s32 s10, $0x1;
	s10 =	sld [smem:$0x3FB8];
	_ =	sdelay $0x3  }
0x34: {  	[smem:$0x3FB8] =	sst s10  }
0x35: {  	s10 =	sld [smem:$0x3FB7];
	_ =	sdelay $0x3  }
0x36: {  	p1 =	seq.s32 s10, $0x1;
	s10 =	sld [smem:$0x3FB8];
	_ =	sdelay $0x3  }
0x37: {  	[smem:$0x3FB8] =	sst s10  }
0x38: {  	s10 =	sld [smem:$0x3FB9]  }
0x39: {  	_ = 	snop;
	(pc) =	sbr.ind lr, $3  }
0x3a: {  	_ = 	snop  }
0x3b: {  	_ = 	snop  }
0x3c: {  	p2 =	seq.s32 s10, $0x1;
	s10 =	sld [smem:$0x3FB8]  }
0x3d: {  	_ =	shalt  }
0x3e: {  	_ =	shalt  }
0x3f: {  	_ =	shalt  }
0x40: {  	_ =	shalt  }
0x41: {  	_ =	shalt  }
0x42: {  	_ =	shalt  }
0x43: {  	_ =	shalt  }
0x44: {  	_ =	shalt  }
0x45: {  	_ =	shalt  }
0x46: {  	_ =	shalt  }
0x47: {  	_ =	shalt  }
0x48: {  	_ =	shalt  }
0x49: {  	_ =	shalt  }
0x4a: {  	_ =	shalt  }
0x4b: {  	_ =	shalt  }
0x4c: {  	_ =	shalt  }
0x4d: {  	_ =	shalt  }
0x4e: {  	_ =	shalt  }
0x4f: {  	_ =	shalt  }
0x50: {  	_ =	shalt  }
0x51: {  	_ =	shalt  }
0x52: {  	_ =	shalt  }
0x53: {  	_ =	shalt  }
0x54: {  	_ =	shalt  }
0x55: {  	_ =	shalt  }
0x56: {  	_ =	shalt  }
0x57: {  	_ =	shalt  }
0x58: {  	_ =	shalt  }
0x59: {  	_ =	shalt  }
0x5a: {  	_ =	shalt  }
0x5b: {  	_ =	shalt  }
0x5c: {  	_ =	shalt  }
0x5d: {  	_ =	shalt  }
0x5e: {  	_ =	shalt  }
0x5f: {  	_ =	shalt  }
0x60: {  	_ =	shalt  }
0x61: {  	_ =	shalt  }
0x62: {  	_ =	shalt  }
0x63: {  	_ =	shalt  }
0x64: {  	_ =	shalt  }
0x65: {  	_ =	shalt  }
0x66: {  	_ =	shalt  }
0x67: {  	_ =	shalt  }
0x68: {  	_ =	shalt  }
0x69: {  	_ =	shalt  }
0x6a: {  	_ =	shalt  }
0x6b: {  	_ =	shalt  }
0x6c: {  	_ =	shalt  }
0x6d: {  	_ =	shalt  }
0x6e: {  	_ =	shalt  }
0x6f: {  	_ =	shalt  }
0x70: {  	_ =	shalt  }
0x71: {  	_ =	shalt  }
0x72: {  	_ =	shalt  }
0x73: {  	_ =	shalt  }
0x74: {  	_ =	shalt  }
0x75: {  	_ =	shalt  }
0x76: {  	_ =	shalt  }
0x77: {  	_ =	shalt  }
0x78: {  	_ =	shalt  }
0x79: {  	_ =	shalt  }
0x7a: {  	_ =	shalt  }
0x7b: {  	_ =	shalt  }
0x7c: {  	_ =	shalt  }
0x7d: {  	_ =	shalt  }
0x7e: {  	_ =	shalt  }
0x7f: {  	_ =	shalt  }
0x80: {  	_ =	shalt  }
0x81: {  	_ =	shalt  }
0x82: {  	_ =	shalt  }
0x83: {  	_ =	shalt  }
0x84: {  	_ =	shalt  }
0x85: {  	_ =	shalt  }
0x86: {  	_ =	shalt  }
0x87: {  	_ =	shalt  }
.Lfunc_end0:
.L_simem_size_0:
called_computation_lowered:
.L_overlay_start_0:
0x88: {  	s2 =	sld [smem:$0x3FD9]  }
0x89: {  	s3 =	sld [smem:$0x3FFE];
	_ =	sdelay $0x1  }
0x8a: {  	s1 =	srdreg.scid  }
0x8b: {  	s0 =	sand.u32 $0x1, s1  }
0x8c: {  	s17 =	sshll.u32 s0, $0xA;
	s2 =	sadd.s32 s3, s2  }
0x8d: {  	s2 =	sadd.s32 s2, s17  }
0x8e: {  	[smem:$0x3FC4] =	sst s2  }
0x8f: {  	_ = 	snop  }
0x90: {  	s2 =	sld [smem:$0x3FC8]  }
0x91: {  	s18 =	sld [smem:$0x3FC7]  }
0x92: {  	s4 =	sld [smem:$0x3FC6]  }
0x93: {  	s5 =	sld [smem:$0x3FD0];
	(tm) =	ssettm $0x1  }
0x94: {  	s6 =	sld [smem:$0x3FFB];
	_ =	sdelay $0x3  }
0x95: {  	_ =	strace s6  }
0x96: {  	s6 =	sld [smem:$0x3FFC];
	_ =	sdelay $0x3  }
0x97: {  	_ =	strace s6  }
0x98: {  	s6 =	sld [smem:$0x3FFD];
	_ =	sdelay $0x3  }
0x99: {  	_ =	strace s6  }
0x9a: {  	_ =	strace $0x8FFFFFFF  }
0x9b: {  	s19 =	sld [smem:$0x3FDB];
	_ =	sdelay $0x1  }
0x9c: {  	s7 =	simm.s32 $_scs_section_size  }
0x9d: {  	s8 =	simm.s32 $_size__tile_overlayer_lowered;
	s9 =	simm.s32 $_tile_overlayer_lowered  }
0x9e: {  	s22 =	simm.s32 $0x1BFF;
	s21 =	sshll.u32 s9, $0x1;
	s6 =	sadd.s32 s7, s19  }
0x9f: {  	s10 =	simm.s32 $0x0;
	s20 =	sshll.u32 s8, $0x1;
	s8 =	sadd.s32 s21, s6  }
0xa0: {  	[timem:s10], [sflag:s22] =	dma.local [hbm:s8], s20  }
0xa1: {  	_ =	swait.ge [sflag:s22], s20  }
0xa2: {  	s7 =	ssub.s32 $0x0, s20;
	[sflag:s22] =	ssyncset.done $0x0  }
0xa3: {  	[sflag:s22] =	ssyncadd.s32 s7;
	_ =	sdelay $0x1  }
0xa4: {  	s23 =	simm.s32 $0x1B8B  }
0xa5: {  	_ =	swait.ge [sflag:s23], $0x1  }
0xa6: {  	[sflag:s23] =	ssyncset.done $0x0  }
0xa7: {  	s25 =	simm.s32 $0x1B8E;
	s24 =	sld [smem:$0x3FFE];
	[sflag:s23] =	ssyncadd.s32 $0xFFFFFFFF  }
0xa8: {  	s26 =	simm.s32 $execute0_lowered;
	[smem:$0x3FD2] =	sst s25  }
0xa9: {  	s8 =	sshll.u32 s26, $0x1;
	_ =	strace $0x80000046;
	[dreg:$0x1] =	wrdreg $0xFFFFFFFF  }
0xaa: {  	s28 =	simm.s32 $_size_execute0_lowered;
	s6 =	sadd.s32 s6, s8;
	[dreg:$0x0] =	wrdreg $0x0  }
0xab: {  	s8 =	sshll.u32 s28, $0x1;
	[dreg:$0x2] =	wrdreg s6  }
0xac: {  	[dreg:$0x3] =	wrdreg s8  }
0xad: {  	[dreg:$0x4] =	wrdreg $0xC0  }
0xae: {  	_ =	task [dreg:s10], $0x5FFFF  }
0xaf: {  	[dreg:$0x1] =	wrdreg $0xFFFFFFFF  }
0xb0: {  	[dreg:$0x0] =	wrdreg $0x60  }
0xb1: {  	[dreg:$0x2] =	wrdreg s24  }
0xb2: {  	[dreg:$0x3] =	wrdreg s2  }
0xb3: {  	[dreg:$0x4] =	wrdreg s18  }
0xb4: {  	[dreg:$0x5] =	wrdreg s4  }
0xb5: {  	[dreg:$0x6] =	wrdreg s5  }
0xb6: {  	[dreg:$0x7] =	wrdreg $0x9  }
0xb7: {  	_ =	task.clear_ibuf [dreg:s10], $0x8FFFF;
	_ =	strace $0x90000046  }
0xb8: {  	s29 =	simm.s32 $0x9;
	_ =	strace $0x80000048  }
0xb9: {  	_ =	swait.ge [sflag:s29], $0x1  }
0xba: {  	[sflag:s29] =	ssyncadd.s32 $0xFFFFFFFF  }
0xbb: {  	_ =	strace $0x90000048  }
0xbc: {  	_ =	sfence  }
0xbd: {  	s30 =	sld [smem:$0x0];
	_ =	sdelay $0x2  }
0xbe: {  	s31 =	sshll.u32 s1, $0xD;
	s1 =	sshrl.u32 s1, $0x2  }
0xbf: {  	s3 =	sand.u32 $0x4000, s31;
	s1 =	sadd.s32 s1, s30  }
0xc0: {  	s0 =	sor.u32 s3, s0;
	s1 =	sshll.u32 s1, $0x11  }
0xc1: {  	s0 =	sor.u32 s1, s0  }
0xc2: {  	s0 =	sadd.s32 $0x8F2B, s0  }
0xc3: {  	[sflag:s0] =	ssyncadd.remote.s32 $0x1  }
0xc4: {  	_ =	sfence.sel $0xFFFF  }
0xc5: {  	[dreg:$0x0] =	wrdreg $0xFFFFFFFF;
	(pc) =	sbr.abs _section_cstart, $3  }
0xc6: {  	[dreg:$0x1] =	wrdreg $0xFFFFFFFF  }
0xc7: {  	_ =	task.clear_ibuf [dreg:s10], $0x2FFFF;
	_ =	strace $0x9FFFFFFF  }
0xc8: {  	(tm) =	ssettm $0x7FFFFFFF  }
0xc9: {  	_ =	shalt  }
tec
execute0_lowered:
.L_overlay_start_1:
0x0: {  	(tag) =	ssettag $0x1  }
0x1: {  	s5 =	rddreg [dreg:$0x0]  }
0x2: {  	s6 =	rddreg [dreg:$0x1]  }
0x3: {  	s1 =	rddreg [dreg:$0x2]  }
0x4: {  	s2 =	rddreg [dreg:$0x3]  }
0x5: {  	s11 =	rddreg [dreg:$0x4]  }
0x6: {  	s0 =	rddreg [dreg:$0x5];
	s7 =	srdreg.scid  }
0x7: {  	s4 =	simm.s32 $0x0;
	s3 =	stileid.u32;
	s14 =	simm.s32 $0x6  }
0x8: {  	s15 =	simm.s32 $0x200;
	s16 =	simm.s32 $0x14200;
	s17 =	simm.s32 $0x4000  }
0x9: {  	s18 =	simm.s32 $0x1;
	s19 =	simm.s32 $0x5000;
	s20 =	simm.s32 $0x3  }
0xa: {  	s21 =	simm.s32 $0x2;
	s22 =	simm.s32 $0x4;
	s23 =	simm.s32 $0x5  }
0xb: {  	s24 =	simm.s32 $0x14400;
	s25 =	simm.s32 $0x0;
	s7 =	sand.u32 $0x1, s7  }
0xc: {  	s8 =	sshll.u32 s3, $0x7;
	s9 =	sshll.u32 s7, $0x6;
	s7 =	ssub.s32 $0x2, s7  }
0xd: {  	[smem:$0x7FF] =	sst s4;
	s12 =	sor.u32 s9, s8;
	s31 =	sshrl.u32 s7, $0x1  }
0xe: {  	_ =	strace $0x80000047;
	s10 =	sadd.s32 s12, s5;
	s13 =	ssub.s32 s7, s31  }
0xf: {  	s5 =	sadd.s32 s6, s12;
	s11 =	sadd.s32 s11, s12;
	s6 =	sadd.s32 $0x400, s10  }
0x10: {  	s7 =	sadd.s32 $0x14400, s10;
	s8 =	sadd.s32 $0x28400, s10;
	s9 =	sadd.s32 $0x3C400, s10  }
0x11: {  	s10 =	sadd.s32 $0x50400, s10;
	s12 =	smax.u32 s13, $0x1;
	s13 =	simm.s32 $0x14000  }
.LBB2_1:
0x12: {  	[tilespmem:s13], [sflag:$0x6] =	stream.linear.gather [hbm4b:s5+s4], $0x200, $0x38;
	[tilespmem:$0x14600] =	vst v63  }
0x13: {  	_ =	swait.ge [sflag:s14], $0x200  }
0x14: {  	[sflag:s14] =	ssyncset.done $0x0  }
0x15: {  	[sflag:s14] =	ssyncadd.s32 $0xFFFFFE00  }
0x16: {  	[tilespmem:s16], [sflag:$0x5] =	stream.indirect.gather [hbm4b:s2+s15], $0x1, s13, s15, $0xb8;
	[tilespmem:$0x14600] =	vst v63  }
0x17: {  	_ = 	snop  }
0x18: {  	[tilespmem:s4], [sflag:$0x1] =	stream.strided.gather [hbm4b:s6+s15], $0x5000, s17, s15, $0x38;
	[tilespmem:$0x14600] =	vst v63  }
0x19: {  	_ =	swait.ge [sflag:s18], $0x5000  }
0x1a: {  	s26 =	simm.s32 $0x800;
	[sflag:s18] =	ssyncset.done $0x0  }
0x1b: {  	s28 =	simm.s32 $0x0;
	s29 =	simm.s32 $0xA000;
	[sflag:s18] =	ssyncadd.s32 $0xFFFFB000  }
.LBB2_2:
0x1c: {  	[tilespmem:s29], [sflag:$0x3] =	stream.indirect.gather [hbm4b:s1+s15], $0x1, s28, s15, $0xb8;
	[tilespmem:$0x14600] =	vst v63  }
0x1d: {  	s28 =	smov.u32 s26;
	p0 =	sne.s32 s26, $0x13800  }
.Ltmp0:
0x1e: {  	s26 =	sadd.s32 $0x800, s26;
	(pc) =	sbr.rel @p0 .LBB2_2-.Ltmp0, $3  }
0x1f: {  	_ =	sdelay $0x1  }
0x20: {  	s28 =	sshra.s32 s28, $0x2  }
0x21: {  	s29 =	sadd.s32 $0xA000, s28  }
0x22: {  	[tilespmem:s29], [sflag:$0x3] =	stream.indirect.gather [hbm4b:s1+s15], $0x1, s28, s15, $0xb8;
	[tilespmem:$0x14600] =	vst v63  }
0x23: {  	_ = 	snop  }
0x24: {  	[tilespmem:s19], [sflag:$0x2] =	stream.strided.gather [hbm4b:s7+s15], $0x5000, s17, s15, $0x38;
	[tilespmem:$0x14600] =	vst v63  }
0x25: {  	_ =	swait.ge [sflag:s20], $0x200  }
0x26: {  	s26 =	simm.s32 $0x27;
	[sflag:s20] =	ssyncset.done $0x0  }
.LBB2_4:
0x27: {  	p0 =	sne.s32 s26, $0x1;
	s26 =	sadd.s32 $0xFFFFFFFF, s26;
	[sflag:s20] =	ssyncadd.s32 $0xFFFFFE00  }
.Ltmp1:
0x28: {  	(pc) =	sbr.rel @p0 .LBB2_4-.Ltmp1, $3  }
0x29: {  	_ =	sdelay $0x1  }
0x2a: {  	_ =	swait.ge [sflag:s20], $0x200  }
0x2b: {  	[sflag:s20] =	ssyncset.done $0x0  }
0x2c: {  	[sflag:s20] =	ssyncadd.s32 $0xFFFFFE00  }
0x2d: {  	_ =	swait.ge [sflag:s21], $0x5000  }
0x2e: {  	s26 =	simm.s32 $0x800;
	[sflag:s21] =	ssyncset.done $0x0  }
0x2f: {  	s28 =	simm.s32 $0xF000;
	s29 =	simm.s32 $0x5000;
	[sflag:s21] =	ssyncadd.s32 $0xFFFFB000  }
.LBB2_6:
0x30: {  	[tilespmem:s28], [sflag:$0x4] =	stream.indirect.gather [hbm4b:s1+s15], $0x1, s29, s15, $0xb8;
	[tilespmem:$0x14600] =	vst v63  }
0x31: {  	s28 =	smov.u32 s26;
	p0 =	sne.s32 s26, $0x13800  }
.Ltmp2:
0x32: {  	s26 =	sadd.s32 $0x800, s26;
	(pc) =	sbr.rel @p0 .LBB2_6-.Ltmp2, $3  }
0x33: {  	_ =	sdelay $0x1  }
0x34: {  	s29 =	sshra.s32 s28, $0x2  }
0x35: {  	s28 =	sadd.s32 $0xF000, s29;
	s29 =	sadd.s32 $0x5000, s29  }
0x36: {  	[tilespmem:s28], [sflag:$0x4] =	stream.indirect.gather [hbm4b:s1+s15], $0x1, s29, s15, $0xb8;
	[tilespmem:$0x14600] =	vst v63  }
0x37: {  	s26 =	simm.s32 $0x0;
	s28 =	simm.s32 $0x0  }
0x38: {  	[tilespmem:s26], [sflag:$0x1] =	stream.strided.gather [hbm4b:s8+s15], $0x5000, s17, s15, $0x38;
	[tilespmem:$0x14600] =	vst v63  }
0x39: {  	v0 =	vld [tilespmem:s28+$0xA000];
	_ =	sdelay $0x1  }
0x3a: {  	v1 =	vld [tilespmem:s28+$0xA200];
	_ =	sdelay $0x1  }
0x3b: {  	v2 =	vld [tilespmem:s28+$0xA400]  }
0x3c: {  	v0 =	vadd.f32 $0.0e+00, v0  }
0x3d: {  	v3 =	vld [tilespmem:s28+$0xA600]  }
0x3e: {  	v0 =	vadd.f32 v1, v0  }
0x3f: {  	v1 =	vld [tilespmem:s28+$0xA800]  }
0x40: {  	v0 =	vadd.f32 v2, v0  }
0x41: {  	v2 =	vld [tilespmem:s28+$0xAA00]  }
0x42: {  	v0 =	vadd.f32 v3, v0  }
0x43: {  	v3 =	vld [tilespmem:s28+$0xAC00]  }
0x44: {  	v0 =	vadd.f32 v1, v0  }
0x45: {  	v1 =	vld [tilespmem:s28+$0xAE00]  }
0x46: {  	v0 =	vadd.f32 v2, v0  }
0x47: {  	v2 =	vld [tilespmem:s28+$0xB000]  }
0x48: {  	v0 =	vadd.f32 v3, v0  }
0x49: {  	v3 =	vld [tilespmem:s28+$0xB200]  }
0x4a: {  	v0 =	vadd.f32 v1, v0  }
0x4b: {  	v1 =	vld [tilespmem:s28+$0xB400]  }
0x4c: {  	v0 =	vadd.f32 v2, v0  }
0x4d: {  	v2 =	vld [tilespmem:s28+$0xB600]  }
0x4e: {  	v0 =	vadd.f32 v3, v0  }
0x4f: {  	v3 =	vld [tilespmem:s28+$0xB800]  }
0x50: {  	v0 =	vadd.f32 v1, v0  }
0x51: {  	v1 =	vld [tilespmem:s28+$0xBA00]  }
0x52: {  	v0 =	vadd.f32 v2, v0  }
0x53: {  	v2 =	vld [tilespmem:s28+$0xBC00]  }
0x54: {  	v0 =	vadd.f32 v3, v0  }
0x55: {  	v3 =	vld [tilespmem:s28+$0xBE00]  }
0x56: {  	v0 =	vadd.f32 v1, v0  }
0x57: {  	v1 =	vld [tilespmem:s28+$0xC000]  }
0x58: {  	v0 =	vadd.f32 v2, v0  }
0x59: {  	v2 =	vld [tilespmem:s28+$0xC200]  }
0x5a: {  	v0 =	vadd.f32 v3, v0  }
0x5b: {  	v3 =	vld [tilespmem:s28+$0xC400]  }
0x5c: {  	v0 =	vadd.f32 v1, v0  }
0x5d: {  	s26 =	simm.s32 $0x10;
	v1 =	vld [tilespmem:s28+$0xC600]  }
0x5e: {  	v4 =	vld [tilespmem:s26+$0xA000];
	v0 =	vadd.f32 v2, v0  }
0x5f: {  	v2 =	vld [tilespmem:s28+$0xC800]  }
0x60: {  	v5 =	vld [tilespmem:s26+$0xA200];
	v0 =	vadd.f32 v3, v0  }
0x61: {  	v3 =	vld [tilespmem:s28+$0xCA00]  }
0x62: {  	v6 =	vld [tilespmem:s26+$0xA400];
	v0 =	vadd.f32 v1, v0  }
0x63: {  	v1 =	vld [tilespmem:s28+$0xCC00]  }
0x64: {  	v7 =	vld [tilespmem:s26+$0xA600];
	v4 =	vadd.f32 $0.0e+00, v4;
	v0 =	vadd.f32 v2, v0  }
0x65: {  	v2 =	vld [tilespmem:s28+$0xCE00]  }
0x66: {  	v4 =	vadd.f32 v5, v4;
	v5 =	vld [tilespmem:s26+$0xA800];
	v0 =	vadd.f32 v3, v0  }
0x67: {  	v3 =	vld [tilespmem:s28+$0xD000]  }
0x68: {  	v4 =	vadd.f32 v6, v4;
	v6 =	vld [tilespmem:s26+$0xAA00];
	v0 =	vadd.f32 v1, v0  }
0x69: {  	v1 =	vld [tilespmem:s28+$0xD200]  }
0x6a: {  	v4 =	vadd.f32 v7, v4;
	v7 =	vld [tilespmem:s26+$0xAC00];
	v0 =	vadd.f32 v2, v0  }
0x6b: {  	v2 =	vld [tilespmem:s28+$0xD400]  }
0x6c: {  	v4 =	vadd.f32 v5, v4;
	v5 =	vld [tilespmem:s26+$0xAE00];
	v0 =	vadd.f32 v3, v0  }
0x6d: {  	v3 =	vld [tilespmem:s28+$0xD600]  }
0x6e: {  	v4 =	vadd.f32 v6, v4;
	v6 =	vld [tilespmem:s26+$0xB000];
	v0 =	vadd.f32 v1, v0  }
0x6f: {  	v1 =	vld [tilespmem:s28+$0xD800]  }
0x70: {  	v4 =	vadd.f32 v7, v4;
	v7 =	vld [tilespmem:s26+$0xB200];
	v0 =	vadd.f32 v2, v0  }
0x71: {  	v2 =	vld [tilespmem:s28+$0xDA00]  }
0x72: {  	v4 =	vadd.f32 v5, v4;
	v5 =	vld [tilespmem:s26+$0xB400];
	v0 =	vadd.f32 v3, v0  }
0x73: {  	v3 =	vld [tilespmem:s28+$0xDC00]  }
0x74: {  	v4 =	vadd.f32 v6, v4;
	v6 =	vld [tilespmem:s26+$0xB600];
	v0 =	vadd.f32 v1, v0  }
0x75: {  	v1 =	vld [tilespmem:s28+$0xDE00]  }
0x76: {  	v4 =	vadd.f32 v7, v4;
	v7 =	vld [tilespmem:s26+$0xB800];
	v0 =	vadd.f32 v2, v0  }
0x77: {  	v2 =	vld [tilespmem:s28+$0xE000]  }
0x78: {  	v4 =	vadd.f32 v5, v4;
	v5 =	vld [tilespmem:s26+$0xBA00];
	v0 =	vadd.f32 v3, v0  }
0x79: {  	v3 =	vld [tilespmem:s28+$0xE200]  }
0x7a: {  	v4 =	vadd.f32 v6, v4;
	v6 =	vld [tilespmem:s26+$0xBC00];
	v0 =	vadd.f32 v1, v0  }
0x7b: {  	v1 =	vld [tilespmem:s28+$0xE400]  }
0x7c: {  	v4 =	vadd.f32 v7, v4;
	v7 =	vld [tilespmem:s26+$0xBE00];
	v0 =	vadd.f32 v2, v0  }
0x7d: {  	v2 =	vld [tilespmem:s28+$0xE600]  }
0x7e: {  	v8 =	vld [tilespmem:s26+$0xC000];
	v4 =	vadd.f32 v5, v4;
	v0 =	vadd.f32 v3, v0  }
0x7f: {  	v5 =	vld [tilespmem:s28+$0xE800]  }
0x80: {  	v9 =	vld [tilespmem:s26+$0xC200];
	v3 =	vadd.f32 v6, v4;
	v0 =	vadd.f32 v1, v0  }
0x81: {  	v6 =	vld [tilespmem:s28+$0xEA00]  }
0x82: {  	v1 =	vadd.f32 v7, v3;
	v3 =	vld [tilespmem:s26+$0xC400];
	v2 =	vadd.f32 v2, v0  }
0x83: {  	v0 =	vld [tilespmem:s28+$0xEC00]  }
0x84: {  	v4 =	vld [tilespmem:s26+$0xC600];
	v7 =	vadd.f32 v8, v1;
	v8 =	vadd.f32 v5, v2  }
0x85: {  	v1 =	vld [tilespmem:s28+$0xEE00]  }
0x86: {  	s29 =	simm.s32 $0x20;
	s30 =	simm.s32 $0xC0;
	v5 =	vadd.f32 v9, v7;
	v2 =	vld [tilespmem:s26+$0xC800];
	v6 =	vadd.f32 v6, v8  }
.LBB2_8:
0x87: {  	p0 =	sne.s32 s30, $0x7C0;
	v7 =	vld [tilespmem:s29+$0xA000]  }
0x88: {  	v3 =	vadd.f32 v3, v5;
	v5 =	vld [tilespmem:s26+$0xCA00];
	v0 =	vadd.f32 v0, v6  }
0x89: {  	v6 =	vld [tilespmem:s29+$0xA200]  }
0x8a: {  	v3 =	vadd.f32 v4, v3;
	v4 =	vld [tilespmem:s26+$0xCC00];
	v0 =	vadd.f32 v1, v0  }
0x8b: {  	v1 =	vld [tilespmem:s29+$0xA400]  }
0x8c: {  	v7 =	vadd.f32 $0.0e+00, v7;
	v2 =	vadd.f32 v2, v3;
	v3 =	vld [tilespmem:s26+$0xCE00];
	[tilespmem:s28+$0x14400] =	vst v0;
	s28 =	smov.u32 s26;
	s26 =	smov.u32 s29  }
0x8d: {  	v0 =	vld [tilespmem:s26+$0xA600]  }
0x8e: {  	v6 =	vadd.f32 v6, v7;
	v2 =	vadd.f32 v5, v2;
	v5 =	vld [tilespmem:s28+$0xD000]  }
0x8f: {  	v7 =	vld [tilespmem:s26+$0xA800]  }
0x90: {  	v1 =	vadd.f32 v1, v6;
	v2 =	vadd.f32 v4, v2;
	v4 =	vld [tilespmem:s28+$0xD200]  }
0x91: {  	v6 =	vld [tilespmem:s26+$0xAA00]  }
0x92: {  	v0 =	vadd.f32 v0, v1;
	v1 =	vadd.f32 v3, v2;
	v2 =	vld [tilespmem:s28+$0xD400]  }
0x93: {  	v3 =	vld [tilespmem:s26+$0xAC00]  }
0x94: {  	v0 =	vadd.f32 v7, v0;
	v1 =	vadd.f32 v5, v1;
	v5 =	vld [tilespmem:s28+$0xD600]  }
0x95: {  	v7 =	vld [tilespmem:s26+$0xAE00]  }
0x96: {  	v0 =	vadd.f32 v6, v0;
	v1 =	vadd.f32 v4, v1;
	v4 =	vld [tilespmem:s28+$0xD800]  }
0x97: {  	v6 =	vld [tilespmem:s26+$0xB000]  }
0x98: {  	v0 =	vadd.f32 v3, v0;
	v1 =	vadd.f32 v2, v1;
	v2 =	vld [tilespmem:s28+$0xDA00]  }
0x99: {  	v3 =	vld [tilespmem:s26+$0xB200]  }
0x9a: {  	v0 =	vadd.f32 v7, v0;
	v1 =	vadd.f32 v5, v1;
	v5 =	vld [tilespmem:s28+$0xDC00]  }
0x9b: {  	v7 =	vld [tilespmem:s26+$0xB400]  }
0x9c: {  	v0 =	vadd.f32 v6, v0;
	v1 =	vadd.f32 v4, v1;
	v4 =	vld [tilespmem:s28+$0xDE00]  }
0x9d: {  	v6 =	vld [tilespmem:s26+$0xB600]  }
0x9e: {  	v0 =	vadd.f32 v3, v0;
	v1 =	vadd.f32 v2, v1;
	v2 =	vld [tilespmem:s28+$0xE000]  }
0x9f: {  	v3 =	vld [tilespmem:s26+$0xB800]  }
0xa0: {  	v0 =	vadd.f32 v7, v0;
	v1 =	vadd.f32 v5, v1;
	v5 =	vld [tilespmem:s28+$0xE200]  }
0xa1: {  	v7 =	vld [tilespmem:s26+$0xBA00]  }
0xa2: {  	v0 =	vadd.f32 v6, v0;
	v1 =	vadd.f32 v4, v1;
	v4 =	vld [tilespmem:s28+$0xE400]  }
0xa3: {  	v6 =	vld [tilespmem:s26+$0xBC00]  }
0xa4: {  	v0 =	vadd.f32 v3, v0;
	v1 =	vadd.f32 v2, v1;
	v2 =	vld [tilespmem:s28+$0xE600]  }
0xa5: {  	v3 =	vld [tilespmem:s26+$0xBE00]  }
0xa6: {  	v0 =	vadd.f32 v7, v0;
	v1 =	vadd.f32 v5, v1;
	v5 =	vld [tilespmem:s28+$0xE800]  }
0xa7: {  	v7 =	vld [tilespmem:s26+$0xC000]  }
0xa8: {  	v0 =	vadd.f32 v6, v0;
	v1 =	vadd.f32 v4, v1;
	v6 =	vld [tilespmem:s28+$0xEA00]  }
0xa9: {  	v8 =	vld [tilespmem:s26+$0xC200]  }
.Ltmp3:
0xaa: {  	v4 =	vadd.f32 v3, v0;
	v1 =	vadd.f32 v2, v1;
	v0 =	vld [tilespmem:s28+$0xEC00];
	(pc) =	sbr.rel @p0 .LBB2_8-.Ltmp3, $4  }
0xab: {  	v3 =	vld [tilespmem:s26+$0xC400]  }
0xac: {  	v2 =	vadd.f32 v7, v4;
	v7 =	vadd.f32 v5, v1;
	v1 =	vld [tilespmem:s28+$0xEE00]  }
0xad: {  	v4 =	vld [tilespmem:s26+$0xC600]  }
0xae: {  	s29 =	sshra.s32 s30, $0x2;
	s30 =	sadd.s32 $0x40, s30;
	v5 =	vadd.f32 v8, v2;
	v2 =	vld [tilespmem:s26+$0xC800];
	v6 =	vadd.f32 v6, v7  }
0xaf: {  	v7 =	vld [tilespmem:s29+$0xA000]  }
0xb0: {  	v8 =	vld [tilespmem:s26+$0xCA00];
	v0 =	vadd.f32 v0, v6  }
0xb1: {  	v62 =	vld [tilespmem:s29+$0xA200]  }
0xb2: {  	v9 =	vld [tilespmem:s26+$0xCC00];
	v3 =	vadd.f32 v3, v5;
	v0 =	vadd.f32 v1, v0  }
0xb3: {  	v63 =	vld [tilespmem:s29+$0xA400]  }
0xb4: {  	v10 =	vld [tilespmem:s26+$0xCE00];
	v3 =	vadd.f32 v4, v3;
	v11 =	vadd.f32 $0.0e+00, v7;
	[tilespmem:s28+$0x14400] =	vst v0  }
0xb5: {  	v0 =	vld [tilespmem:s29+$0xA600]  }
0xb6: {  	v2 =	vadd.f32 v2, v3;
	v12 =	vadd.f32 v62, v11  }
0xb7: {  	v13 =	vld [tilespmem:s29+$0xA800]  }
0xb8: {  	v14 =	vld [tilespmem:s26+$0xD000];
	v2 =	vadd.f32 v8, v2;
	v1 =	vadd.f32 v63, v12  }
0xb9: {  	v15 =	vld [tilespmem:s29+$0xAA00]  }
0xba: {  	v16 =	vld [tilespmem:s26+$0xD200];
	v2 =	vadd.f32 v9, v2;
	v0 =	vadd.f32 v0, v1  }
0xbb: {  	v17 =	vld [tilespmem:s29+$0xAC00]  }
0xbc: {  	v18 =	vld [tilespmem:s26+$0xD400];
	v2 =	vadd.f32 v10, v2;
	v0 =	vadd.f32 v13, v0  }
0xbd: {  	v19 =	vld [tilespmem:s29+$0xAE00]  }
0xbe: {  	v20 =	vld [tilespmem:s26+$0xD600];
	v2 =	vadd.f32 v14, v2;
	v0 =	vadd.f32 v15, v0  }
0xbf: {  	v21 =	vld [tilespmem:s29+$0xB000]  }
0xc0: {  	v22 =	vld [tilespmem:s26+$0xD800];
	v2 =	vadd.f32 v16, v2;
	v0 =	vadd.f32 v17, v0  }
0xc1: {  	v23 =	vld [tilespmem:s29+$0xB200]  }
0xc2: {  	v24 =	vld [tilespmem:s26+$0xDA00];
	v2 =	vadd.f32 v18, v2;
	v0 =	vadd.f32 v19, v0  }
0xc3: {  	v25 =	vld [tilespmem:s29+$0xB400]  }
0xc4: {  	v26 =	vld [tilespmem:s26+$0xDC00];
	v2 =	vadd.f32 v20, v2;
	v0 =	vadd.f32 v21, v0  }
0xc5: {  	v27 =	vld [tilespmem:s29+$0xB600]  }
0xc6: {  	v28 =	vld [tilespmem:s26+$0xDE00];
	v2 =	vadd.f32 v22, v2;
	v0 =	vadd.f32 v23, v0  }
0xc7: {  	v29 =	vld [tilespmem:s29+$0xB800]  }
0xc8: {  	v30 =	vld [tilespmem:s26+$0xE000];
	v2 =	vadd.f32 v24, v2;
	v0 =	vadd.f32 v25, v0  }
0xc9: {  	v31 =	vld [tilespmem:s29+$0xBA00]  }
0xca: {  	v32 =	vld [tilespmem:s26+$0xE200];
	v2 =	vadd.f32 v26, v2;
	v0 =	vadd.f32 v27, v0  }
0xcb: {  	v33 =	vld [tilespmem:s29+$0xBC00]  }
0xcc: {  	v34 =	vld [tilespmem:s26+$0xE400];
	v2 =	vadd.f32 v28, v2;
	v0 =	vadd.f32 v29, v0  }
0xcd: {  	v35 =	vld [tilespmem:s29+$0xBE00]  }
0xce: {  	v36 =	vld [tilespmem:s26+$0xE600];
	v2 =	vadd.f32 v30, v2;
	v0 =	vadd.f32 v31, v0  }
0xcf: {  	v37 =	vld [tilespmem:s29+$0xC000]  }
0xd0: {  	v38 =	vld [tilespmem:s26+$0xE800];
	v2 =	vadd.f32 v32, v2;
	v0 =	vadd.f32 v33, v0  }
0xd1: {  	v39 =	vld [tilespmem:s29+$0xC200]  }
0xd2: {  	v40 =	vld [tilespmem:s26+$0xEA00];
	v2 =	vadd.f32 v34, v2;
	v0 =	vadd.f32 v35, v0  }
0xd3: {  	v41 =	vld [tilespmem:s29+$0xC400]  }
0xd4: {  	v42 =	vld [tilespmem:s26+$0xEC00];
	v2 =	vadd.f32 v36, v2;
	v0 =	vadd.f32 v37, v0  }
0xd5: {  	v43 =	vld [tilespmem:s29+$0xC600]  }
0xd6: {  	v44 =	vld [tilespmem:s26+$0xEE00];
	v2 =	vadd.f32 v38, v2;
	v0 =	vadd.f32 v39, v0  }
0xd7: {  	v45 =	vld [tilespmem:s29+$0xC800]  }
0xd8: {  	v2 =	vadd.f32 v40, v2;
	v0 =	vadd.f32 v41, v0  }
0xd9: {  	v46 =	vld [tilespmem:s29+$0xCA00]  }
0xda: {  	v2 =	vadd.f32 v42, v2;
	v0 =	vadd.f32 v43, v0  }
0xdb: {  	v47 =	vld [tilespmem:s29+$0xCC00]  }
0xdc: {  	v2 =	vadd.f32 v44, v2;
	v0 =	vadd.f32 v45, v0  }
0xdd: {  	v48 =	vld [tilespmem:s29+$0xCE00]  }
0xde: {  	[tilespmem:s26+$0x14400] =	vst v2;
	v0 =	vadd.f32 v46, v0  }
0xdf: {  	v49 =	vld [tilespmem:s29+$0xD000]  }
0xe0: {  	v0 =	vadd.f32 v47, v0  }
0xe1: {  	v2 =	vld [tilespmem:s29+$0xD200]  }
0xe2: {  	v0 =	vadd.f32 v48, v0  }
0xe3: {  	v50 =	vld [tilespmem:s29+$0xD400]  }
0xe4: {  	v0 =	vadd.f32 v49, v0  }
0xe5: {  	v51 =	vld [tilespmem:s29+$0xD600]  }
0xe6: {  	v0 =	vadd.f32 v2, v0  }
0xe7: {  	v52 =	vld [tilespmem:s29+$0xD800]  }
0xe8: {  	v0 =	vadd.f32 v50, v0  }
0xe9: {  	v53 =	vld [tilespmem:s29+$0xDA00]  }
0xea: {  	v0 =	vadd.f32 v51, v0  }
0xeb: {  	v54 =	vld [tilespmem:s29+$0xDC00]  }
0xec: {  	v0 =	vadd.f32 v52, v0  }
0xed: {  	v55 =	vld [tilespmem:s29+$0xDE00]  }
0xee: {  	v0 =	vadd.f32 v53, v0  }
0xef: {  	v56 =	vld [tilespmem:s29+$0xE000]  }
0xf0: {  	v0 =	vadd.f32 v54, v0  }
0xf1: {  	v57 =	vld [tilespmem:s29+$0xE200]  }
0xf2: {  	v0 =	vadd.f32 v55, v0  }
0xf3: {  	v58 =	vld [tilespmem:s29+$0xE400]  }
0xf4: {  	v0 =	vadd.f32 v56, v0  }
0xf5: {  	v59 =	vld [tilespmem:s29+$0xE600]  }
0xf6: {  	v0 =	vadd.f32 v57, v0  }
0xf7: {  	v60 =	vld [tilespmem:s29+$0xE800]  }
0xf8: {  	v0 =	vadd.f32 v58, v0  }
0xf9: {  	v61 =	vld [tilespmem:s29+$0xEA00]  }
0xfa: {  	v0 =	vadd.f32 v59, v0  }
0xfb: {  	v62 =	vld [tilespmem:s29+$0xEC00]  }
0xfc: {  	v0 =	vadd.f32 v60, v0  }
0xfd: {  	v63 =	vld [tilespmem:s29+$0xEE00]  }
0xfe: {  	v0 =	vadd.f32 v61, v0;
	_ =	sdelay $0x1  }
0xff: {  	v0 =	vadd.f32 v62, v0;
	_ =	sdelay $0x1  }
0x100: {  	v0 =	vadd.f32 v63, v0;
	_ =	sdelay $0x1  }
0x101: {  	[tilespmem:s29+$0x14400] =	vst v0  }
0x102: {  	_ =	swait.ge [sflag:s22], $0x200  }
0x103: {  	s26 =	simm.s32 $0x27;
	[sflag:s22] =	ssyncset.done $0x0  }
.LBB2_10:
0x104: {  	p0 =	sne.s32 s26, $0x1;
	s26 =	sadd.s32 $0xFFFFFFFF, s26;
	[sflag:s22] =	ssyncadd.s32 $0xFFFFFE00  }
.Ltmp4:
0x105: {  	(pc) =	sbr.rel @p0 .LBB2_10-.Ltmp4, $3  }
0x106: {  	_ =	sdelay $0x1  }
0x107: {  	_ =	swait.ge [sflag:s22], $0x200  }
0x108: {  	[sflag:s22] =	ssyncset.done $0x0  }
0x109: {  	[sflag:s22] =	ssyncadd.s32 $0xFFFFFE00  }
0x10a: {  	_ =	swait.ge [sflag:s18], $0x5000  }
0x10b: {  	s26 =	simm.s32 $0x800;
	[sflag:s18] =	ssyncset.done $0x0  }
0x10c: {  	s28 =	simm.s32 $0x0;
	s29 =	simm.s32 $0xA000;
	[sflag:s18] =	ssyncadd.s32 $0xFFFFB000  }
.LBB2_12:
0x10d: {  	[tilespmem:s29], [sflag:$0x3] =	stream.indirect.gather [hbm4b:s1+s15], $0x1, s28, s15, $0xb8;
	[tilespmem:$0x14600] =	vst v63  }
0x10e: {  	s28 =	smov.u32 s26;
	p0 =	sne.s32 s26, $0x13800  }
.Ltmp5:
0x10f: {  	s26 =	sadd.s32 $0x800, s26;
	(pc) =	sbr.rel @p0 .LBB2_12-.Ltmp5, $3  }
0x110: {  	_ =	sdelay $0x1  }
0x111: {  	s28 =	sshra.s32 s28, $0x2  }
0x112: {  	s29 =	sadd.s32 $0xA000, s28  }
0x113: {  	[tilespmem:s29], [sflag:$0x3] =	stream.indirect.gather [hbm4b:s1+s15], $0x1, s28, s15, $0xb8;
	[tilespmem:$0x14600] =	vst v63  }
0x114: {  	s28 =	simm.s32 $0x0  }
0x115: {  	[tilespmem:s19], [sflag:$0x2] =	stream.strided.gather [hbm4b:s9+s15], $0x5000, s17, s15, $0x38;
	[tilespmem:$0x14600] =	vst v63  }
0x116: {  	v0 =	vld [tilespmem:s28+$0xF000];
	_ =	sdelay $0x1  }
0x117: {  	v1 =	vld [tilespmem:s28+$0xF200];
	_ =	sdelay $0x1  }
0x118: {  	v2 =	vld [tilespmem:s28+$0xF400]  }
0x119: {  	v0 =	vadd.f32 $0.0e+00, v0  }
0x11a: {  	v3 =	vld [tilespmem:s28+$0xF600]  }
0x11b: {  	v0 =	vadd.f32 v1, v0  }
0x11c: {  	v1 =	vld [tilespmem:s28+$0xF800]  }
0x11d: {  	v0 =	vadd.f32 v2, v0  }
0x11e: {  	v2 =	vld [tilespmem:s28+$0xFA00]  }
0x11f: {  	v0 =	vadd.f32 v3, v0  }
0x120: {  	v3 =	vld [tilespmem:s28+$0xFC00]  }
0x121: {  	v0 =	vadd.f32 v1, v0  }
0x122: {  	v1 =	vld [tilespmem:s28+$0xFE00]  }
0x123: {  	v0 =	vadd.f32 v2, v0  }
0x124: {  	v2 =	vld [tilespmem:s28+$0x10000]  }
0x125: {  	v0 =	vadd.f32 v3, v0  }
0x126: {  	v3 =	vld [tilespmem:s28+$0x10200]  }
0x127: {  	v0 =	vadd.f32 v1, v0  }
0x128: {  	v1 =	vld [tilespmem:s28+$0x10400]  }
0x129: {  	v0 =	vadd.f32 v2, v0  }
0x12a: {  	v2 =	vld [tilespmem:s28+$0x10600]  }
0x12b: {  	v0 =	vadd.f32 v3, v0  }
0x12c: {  	v3 =	vld [tilespmem:s28+$0x10800]  }
0x12d: {  	v0 =	vadd.f32 v1, v0  }
0x12e: {  	v1 =	vld [tilespmem:s28+$0x10A00]  }
0x12f: {  	v0 =	vadd.f32 v2, v0  }
0x130: {  	v2 =	vld [tilespmem:s28+$0x10C00]  }
0x131: {  	v0 =	vadd.f32 v3, v0  }
0x132: {  	v3 =	vld [tilespmem:s28+$0x10E00]  }
0x133: {  	v0 =	vadd.f32 v1, v0  }
0x134: {  	v1 =	vld [tilespmem:s28+$0x11000]  }
0x135: {  	v0 =	vadd.f32 v2, v0  }
0x136: {  	v2 =	vld [tilespmem:s28+$0x11200]  }
0x137: {  	v0 =	vadd.f32 v3, v0  }
0x138: {  	v3 =	vld [tilespmem:s28+$0x11400]  }
0x139: {  	v0 =	vadd.f32 v1, v0  }
0x13a: {  	v1 =	vld [tilespmem:s28+$0x11600]  }
0x13b: {  	v0 =	vadd.f32 v2, v0  }
0x13c: {  	s26 =	simm.s32 $0x10;
	v2 =	vld [tilespmem:s28+$0x11800]  }
0x13d: {  	v4 =	vld [tilespmem:s26+$0xF000];
	v0 =	vadd.f32 v3, v0  }
0x13e: {  	v3 =	vld [tilespmem:s28+$0x11A00]  }
0x13f: {  	v5 =	vld [tilespmem:s26+$0xF200];
	v0 =	vadd.f32 v1, v0  }
0x140: {  	v1 =	vld [tilespmem:s28+$0x11C00]  }
0x141: {  	v6 =	vld [tilespmem:s26+$0xF400];
	v0 =	vadd.f32 v2, v0  }
0x142: {  	v4 =	vadd.f32 $0.0e+00, v4;
	v2 =	vld [tilespmem:s28+$0x11E00]  }
0x143: {  	v7 =	vld [tilespmem:s26+$0xF600];
	v0 =	vadd.f32 v3, v0  }
0x144: {  	v4 =	vadd.f32 v5, v4;
	v3 =	vld [tilespmem:s28+$0x12000]  }
0x145: {  	v5 =	vld [tilespmem:s26+$0xF800];
	v0 =	vadd.f32 v1, v0  }
0x146: {  	v4 =	vadd.f32 v6, v4;
	v1 =	vld [tilespmem:s28+$0x12200]  }
0x147: {  	v6 =	vld [tilespmem:s26+$0xFA00];
	v0 =	vadd.f32 v2, v0  }
0x148: {  	v4 =	vadd.f32 v7, v4;
	v2 =	vld [tilespmem:s28+$0x12400]  }
0x149: {  	v7 =	vld [tilespmem:s26+$0xFC00];
	v0 =	vadd.f32 v3, v0  }
0x14a: {  	v4 =	vadd.f32 v5, v4;
	v3 =	vld [tilespmem:s28+$0x12600]  }
0x14b: {  	v5 =	vld [tilespmem:s26+$0xFE00];
	v0 =	vadd.f32 v1, v0  }
0x14c: {  	v4 =	vadd.f32 v6, v4;
	v1 =	vld [tilespmem:s28+$0x12800]  }
0x14d: {  	v6 =	vld [tilespmem:s26+$0x10000];
	v0 =	vadd.f32 v2, v0  }
0x14e: {  	v4 =	vadd.f32 v7, v4;
	v2 =	vld [tilespmem:s28+$0x12A00]  }
0x14f: {  	v7 =	vld [tilespmem:s26+$0x10200];
	v0 =	vadd.f32 v3, v0  }
0x150: {  	v4 =	vadd.f32 v5, v4;
	v3 =	vld [tilespmem:s28+$0x12C00]  }
0x151: {  	v5 =	vld [tilespmem:s26+$0x10400];
	v0 =	vadd.f32 v1, v0  }
0x152: {  	v4 =	vadd.f32 v6, v4;
	v1 =	vld [tilespmem:s28+$0x12E00]  }
0x153: {  	v6 =	vld [tilespmem:s26+$0x10600];
	v0 =	vadd.f32 v2, v0  }
0x154: {  	v4 =	vadd.f32 v7, v4;
	v2 =	vld [tilespmem:s28+$0x13000]  }
0x155: {  	v7 =	vld [tilespmem:s26+$0x10800];
	v0 =	vadd.f32 v3, v0  }
0x156: {  	v4 =	vadd.f32 v5, v4;
	v3 =	vld [tilespmem:s28+$0x13200]  }
0x157: {  	v5 =	vld [tilespmem:s26+$0x10A00];
	v0 =	vadd.f32 v1, v0  }
0x158: {  	v4 =	vadd.f32 v6, v4;
	v1 =	vld [tilespmem:s28+$0x13400]  }
0x159: {  	v6 =	vld [tilespmem:s26+$0x10C00];
	v0 =	vadd.f32 v2, v0  }
0x15a: {  	v4 =	vadd.f32 v7, v4;
	v2 =	vld [tilespmem:s28+$0x13600]  }
0x15b: {  	v7 =	vld [tilespmem:s26+$0x10E00];
	v0 =	vadd.f32 v3, v0  }
0x15c: {  	v4 =	vadd.f32 v5, v4;
	v3 =	vld [tilespmem:s28+$0x13800]  }
0x15d: {  	v5 =	vld [tilespmem:s26+$0x11000];
	v0 =	vadd.f32 v1, v0  }
0x15e: {  	v8 =	vld [tilespmem:s28+$0x13A00];
	v1 =	vadd.f32 v6, v4  }
0x15f: {  	v4 =	vld [tilespmem:s26+$0x11200];
	v2 =	vadd.f32 v2, v0  }
0x160: {  	v6 =	vld [tilespmem:s28+$0x13C00];
	v1 =	vadd.f32 v7, v1  }
0x161: {  	v0 =	vld [tilespmem:s26+$0x11400];
	v3 =	vadd.f32 v3, v2  }
0x162: {  	v2 =	vld [tilespmem:s28+$0x13E00];
	v5 =	vadd.f32 v5, v1  }
0x163: {  	v1 =	vld [tilespmem:s26+$0x11600];
	v7 =	vadd.f32 v8, v3  }
0x164: {  	v3 =	vld [tilespmem:s28+$0x14400];
	v5 =	vadd.f32 v4, v5  }
0x165: {  	s29 =	simm.s32 $0x20;
	s30 =	simm.s32 $0xC0;
	v4 =	vld [tilespmem:s26+$0x11800];
	v6 =	vadd.f32 v6, v7  }
.LBB2_14:
0x166: {  	p0 =	sne.s32 s30, $0x7C0;
	v7 =	vld [tilespmem:s29+$0xF000];
	v0 =	vadd.f32 v0, v5  }
0x167: {  	v5 =	vld [tilespmem:s26+$0x11A00];
	v2 =	vadd.f32 v2, v6  }
0x168: {  	v6 =	vld [tilespmem:s29+$0xF200];
	v0 =	vadd.f32 v1, v0  }
0x169: {  	v1 =	vld [tilespmem:s26+$0x11C00];
	v2 =	vadd.f32 v2, v3  }
0x16a: {  	v3 =	vld [tilespmem:s29+$0xF400];
	v0 =	vadd.f32 v4, v0  }
0x16b: {  	v4 =	vadd.f32 $0.0e+00, v7;
	v7 =	vld [tilespmem:s26+$0x11E00];
	[tilespmem:s28+$0x14400] =	vst v2;
	s28 =	smov.u32 s26;
	s26 =	smov.u32 s29  }
0x16c: {  	v2 =	vld [tilespmem:s26+$0xF600];
	v0 =	vadd.f32 v5, v0  }
0x16d: {  	v4 =	vadd.f32 v6, v4;
	v5 =	vld [tilespmem:s28+$0x12000]  }
0x16e: {  	v6 =	vld [tilespmem:s26+$0xF800];
	v0 =	vadd.f32 v1, v0  }
0x16f: {  	v1 =	vadd.f32 v3, v4;
	v3 =	vld [tilespmem:s28+$0x12200]  }
0x170: {  	v4 =	vld [tilespmem:s26+$0xFA00];
	v0 =	vadd.f32 v7, v0  }
0x171: {  	v1 =	vadd.f32 v2, v1;
	v2 =	vld [tilespmem:s28+$0x12400]  }
0x172: {  	v7 =	vld [tilespmem:s26+$0xFC00];
	v0 =	vadd.f32 v5, v0  }
0x173: {  	v1 =	vadd.f32 v6, v1;
	v5 =	vld [tilespmem:s28+$0x12600]  }
0x174: {  	v6 =	vld [tilespmem:s26+$0xFE00];
	v0 =	vadd.f32 v3, v0  }
0x175: {  	v1 =	vadd.f32 v4, v1;
	v3 =	vld [tilespmem:s28+$0x12800]  }
0x176: {  	v4 =	vld [tilespmem:s26+$0x10000];
	v0 =	vadd.f32 v2, v0  }
0x177: {  	v1 =	vadd.f32 v7, v1;
	v2 =	vld [tilespmem:s28+$0x12A00]  }
0x178: {  	v7 =	vld [tilespmem:s26+$0x10200];
	v0 =	vadd.f32 v5, v0  }
0x179: {  	v1 =	vadd.f32 v6, v1;
	v5 =	vld [tilespmem:s28+$0x12C00]  }
0x17a: {  	v6 =	vld [tilespmem:s26+$0x10400];
	v0 =	vadd.f32 v3, v0  }
0x17b: {  	v1 =	vadd.f32 v4, v1;
	v3 =	vld [tilespmem:s28+$0x12E00]  }
0x17c: {  	v4 =	vld [tilespmem:s26+$0x10600];
	v0 =	vadd.f32 v2, v0  }
0x17d: {  	v1 =	vadd.f32 v7, v1;
	v2 =	vld [tilespmem:s28+$0x13000]  }
0x17e: {  	v7 =	vld [tilespmem:s26+$0x10800];
	v0 =	vadd.f32 v5, v0  }
0x17f: {  	v1 =	vadd.f32 v6, v1;
	v5 =	vld [tilespmem:s28+$0x13200]  }
0x180: {  	v6 =	vld [tilespmem:s26+$0x10A00];
	v0 =	vadd.f32 v3, v0  }
0x181: {  	v1 =	vadd.f32 v4, v1;
	v3 =	vld [tilespmem:s28+$0x13400]  }
0x182: {  	v4 =	vld [tilespmem:s26+$0x10C00];
	v0 =	vadd.f32 v2, v0  }
0x183: {  	v1 =	vadd.f32 v7, v1;
	v2 =	vld [tilespmem:s28+$0x13600]  }
0x184: {  	v7 =	vld [tilespmem:s26+$0x10E00];
	v0 =	vadd.f32 v5, v0  }
0x185: {  	v1 =	vadd.f32 v6, v1;
	v5 =	vld [tilespmem:s28+$0x13800]  }
0x186: {  	v6 =	vld [tilespmem:s26+$0x11000];
	v0 =	vadd.f32 v3, v0  }
0x187: {  	v1 =	vadd.f32 v4, v1;
	v3 =	vld [tilespmem:s28+$0x13A00]  }
0x188: {  	v4 =	vld [tilespmem:s26+$0x11200];
	v2 =	vadd.f32 v2, v0  }
0x189: {  	v1 =	vadd.f32 v7, v1;
	v7 =	vld [tilespmem:s28+$0x13C00]  }
.Ltmp6:
0x18a: {  	v0 =	vld [tilespmem:s26+$0x11400];
	v5 =	vadd.f32 v5, v2;
	(pc) =	sbr.rel @p0 .LBB2_14-.Ltmp6, $4  }
0x18b: {  	v6 =	vadd.f32 v6, v1;
	v2 =	vld [tilespmem:s28+$0x13E00]  }
0x18c: {  	v1 =	vld [tilespmem:s26+$0x11600];
	v8 =	vadd.f32 v3, v5  }
0x18d: {  	v5 =	vadd.f32 v4, v6;
	v3 =	vld [tilespmem:s28+$0x14400]  }
0x18e: {  	s29 =	sshra.s32 s30, $0x2;
	s30 =	sadd.s32 $0x40, s30;
	v4 =	vld [tilespmem:s26+$0x11800];
	v6 =	vadd.f32 v7, v8  }
0x18f: {  	v7 =	vld [tilespmem:s29+$0xF000]  }
0x190: {  	v8 =	vld [tilespmem:s26+$0x11A00];
	v0 =	vadd.f32 v0, v5;
	v2 =	vadd.f32 v2, v6  }
0x191: {  	v58 =	vld [tilespmem:s29+$0xF200]  }
0x192: {  	v59 =	vld [tilespmem:s26+$0x11C00];
	v0 =	vadd.f32 v1, v0;
	v60 =	vadd.f32 v2, v3  }
0x193: {  	v61 =	vld [tilespmem:s29+$0xF400]  }
0x194: {  	v62 =	vld [tilespmem:s26+$0x11E00];
	v0 =	vadd.f32 v4, v0;
	v63 =	vadd.f32 $0.0e+00, v7;
	[tilespmem:s28+$0x14400] =	vst v60  }
0x195: {  	v1 =	vld [tilespmem:s29+$0xF600]  }
0x196: {  	v0 =	vadd.f32 v8, v0;
	v9 =	vld [tilespmem:s26+$0x12000];
	v4 =	vadd.f32 v58, v63  }
0x197: {  	v10 =	vld [tilespmem:s29+$0xF800]  }
0x198: {  	v11 =	vld [tilespmem:s26+$0x12200];
	v0 =	vadd.f32 v59, v0;
	v2 =	vadd.f32 v61, v4  }
0x199: {  	v12 =	vld [tilespmem:s29+$0xFA00]  }
0x19a: {  	v13 =	vld [tilespmem:s26+$0x12400];
	v0 =	vadd.f32 v62, v0;
	v1 =	vadd.f32 v1, v2  }
0x19b: {  	v14 =	vld [tilespmem:s29+$0xFC00]  }
0x19c: {  	v15 =	vld [tilespmem:s26+$0x12600];
	v0 =	vadd.f32 v9, v0;
	v1 =	vadd.f32 v10, v1  }
0x19d: {  	v16 =	vld [tilespmem:s29+$0xFE00]  }
0x19e: {  	v17 =	vld [tilespmem:s26+$0x12800];
	v0 =	vadd.f32 v11, v0;
	v1 =	vadd.f32 v12, v1  }
0x19f: {  	v18 =	vld [tilespmem:s29+$0x10000]  }
0x1a0: {  	v19 =	vld [tilespmem:s26+$0x12A00];
	v0 =	vadd.f32 v13, v0;
	v1 =	vadd.f32 v14, v1  }
0x1a1: {  	v20 =	vld [tilespmem:s29+$0x10200]  }
0x1a2: {  	v21 =	vld [tilespmem:s26+$0x12C00];
	v0 =	vadd.f32 v15, v0;
	v1 =	vadd.f32 v16, v1  }
0x1a3: {  	v22 =	vld [tilespmem:s29+$0x10400]  }
0x1a4: {  	v23 =	vld [tilespmem:s26+$0x12E00];
	v0 =	vadd.f32 v17, v0;
	v1 =	vadd.f32 v18, v1  }
0x1a5: {  	v24 =	vld [tilespmem:s29+$0x10600]  }
0x1a6: {  	v25 =	vld [tilespmem:s26+$0x13000];
	v0 =	vadd.f32 v19, v0;
	v1 =	vadd.f32 v20, v1  }
0x1a7: {  	v26 =	vld [tilespmem:s29+$0x10800]  }
0x1a8: {  	v27 =	vld [tilespmem:s26+$0x13200];
	v0 =	vadd.f32 v21, v0;
	v1 =	vadd.f32 v22, v1  }
0x1a9: {  	v28 =	vld [tilespmem:s29+$0x10A00]  }
0x1aa: {  	v29 =	vld [tilespmem:s26+$0x13400];
	v0 =	vadd.f32 v23, v0;
	v1 =	vadd.f32 v24, v1  }
0x1ab: {  	v30 =	vld [tilespmem:s29+$0x10C00]  }
0x1ac: {  	v31 =	vld [tilespmem:s26+$0x13600];
	v0 =	vadd.f32 v25, v0;
	v1 =	vadd.f32 v26, v1  }
0x1ad: {  	v32 =	vld [tilespmem:s29+$0x10E00]  }
0x1ae: {  	v33 =	vld [tilespmem:s26+$0x13800];
	v0 =	vadd.f32 v27, v0;
	v1 =	vadd.f32 v28, v1  }
0x1af: {  	v34 =	vld [tilespmem:s29+$0x11000]  }
0x1b0: {  	v35 =	vld [tilespmem:s26+$0x13A00];
	v0 =	vadd.f32 v29, v0;
	v1 =	vadd.f32 v30, v1  }
0x1b1: {  	v36 =	vld [tilespmem:s29+$0x11200]  }
0x1b2: {  	v37 =	vld [tilespmem:s26+$0x13C00];
	v0 =	vadd.f32 v31, v0;
	v1 =	vadd.f32 v32, v1  }
0x1b3: {  	v38 =	vld [tilespmem:s29+$0x11400]  }
0x1b4: {  	v39 =	vld [tilespmem:s26+$0x13E00];
	v0 =	vadd.f32 v33, v0;
	v1 =	vadd.f32 v34, v1  }
0x1b5: {  	v40 =	vld [tilespmem:s29+$0x11600]  }
0x1b6: {  	v41 =	vld [tilespmem:s26+$0x14400];
	v0 =	vadd.f32 v35, v0;
	v1 =	vadd.f32 v36, v1  }
0x1b7: {  	v42 =	vld [tilespmem:s29+$0x11800]  }
0x1b8: {  	v0 =	vadd.f32 v37, v0;
	v1 =	vadd.f32 v38, v1  }
0x1b9: {  	v43 =	vld [tilespmem:s29+$0x11A00]  }
0x1ba: {  	v0 =	vadd.f32 v39, v0;
	v1 =	vadd.f32 v40, v1  }
0x1bb: {  	v44 =	vld [tilespmem:s29+$0x11C00]  }
0x1bc: {  	v0 =	vadd.f32 v0, v41;
	v1 =	vadd.f32 v42, v1  }
0x1bd: {  	v45 =	vld [tilespmem:s29+$0x11E00]  }
0x1be: {  	[tilespmem:s26+$0x14400] =	vst v0;
	v46 =	vadd.f32 v43, v1  }
0x1bf: {  	v47 =	vld [tilespmem:s29+$0x12000]  }
0x1c0: {  	v0 =	vadd.f32 v44, v46  }
0x1c1: {  	v48 =	vld [tilespmem:s29+$0x12200]  }
0x1c2: {  	v0 =	vadd.f32 v45, v0  }
0x1c3: {  	v49 =	vld [tilespmem:s29+$0x12400]  }
0x1c4: {  	v0 =	vadd.f32 v47, v0  }
0x1c5: {  	v50 =	vld [tilespmem:s29+$0x12600]  }
0x1c6: {  	v0 =	vadd.f32 v48, v0  }
0x1c7: {  	v51 =	vld [tilespmem:s29+$0x12800]  }
0x1c8: {  	v0 =	vadd.f32 v49, v0  }
0x1c9: {  	v52 =	vld [tilespmem:s29+$0x12A00]  }
0x1ca: {  	v0 =	vadd.f32 v50, v0  }
0x1cb: {  	v53 =	vld [tilespmem:s29+$0x12C00]  }
0x1cc: {  	v0 =	vadd.f32 v51, v0  }
0x1cd: {  	v54 =	vld [tilespmem:s29+$0x12E00]  }
0x1ce: {  	v0 =	vadd.f32 v52, v0  }
0x1cf: {  	v55 =	vld [tilespmem:s29+$0x13000]  }
0x1d0: {  	v0 =	vadd.f32 v53, v0  }
0x1d1: {  	v56 =	vld [tilespmem:s29+$0x13200]  }
0x1d2: {  	v0 =	vadd.f32 v54, v0  }
0x1d3: {  	v57 =	vld [tilespmem:s29+$0x13400]  }
0x1d4: {  	v0 =	vadd.f32 v55, v0  }
0x1d5: {  	v58 =	vld [tilespmem:s29+$0x13600]  }
0x1d6: {  	v0 =	vadd.f32 v56, v0  }
0x1d7: {  	v59 =	vld [tilespmem:s29+$0x13800]  }
0x1d8: {  	v0 =	vadd.f32 v57, v0  }
0x1d9: {  	v60 =	vld [tilespmem:s29+$0x13A00]  }
0x1da: {  	v0 =	vadd.f32 v58, v0  }
0x1db: {  	v61 =	vld [tilespmem:s29+$0x13C00]  }
0x1dc: {  	v0 =	vadd.f32 v59, v0  }
0x1dd: {  	v62 =	vld [tilespmem:s29+$0x13E00]  }
0x1de: {  	v0 =	vadd.f32 v60, v0  }
0x1df: {  	v63 =	vld [tilespmem:s29+$0x14400]  }
0x1e0: {  	v0 =	vadd.f32 v61, v0;
	_ =	sdelay $0x1  }
0x1e1: {  	v0 =	vadd.f32 v62, v0;
	_ =	sdelay $0x1  }
0x1e2: {  	v0 =	vadd.f32 v0, v63;
	_ =	sdelay $0x1  }
0x1e3: {  	[tilespmem:s29+$0x14400] =	vst v0  }
0x1e4: {  	_ =	swait.ge [sflag:s20], $0x200  }
0x1e5: {  	s26 =	simm.s32 $0x27;
	[sflag:s20] =	ssyncset.done $0x0  }
.LBB2_16:
0x1e6: {  	p0 =	sne.s32 s26, $0x1;
	s26 =	sadd.s32 $0xFFFFFFFF, s26;
	[sflag:s20] =	ssyncadd.s32 $0xFFFFFE00  }
.Ltmp7:
0x1e7: {  	(pc) =	sbr.rel @p0 .LBB2_16-.Ltmp7, $3  }
0x1e8: {  	_ =	sdelay $0x1  }
0x1e9: {  	_ =	swait.ge [sflag:s20], $0x200  }
0x1ea: {  	[sflag:s20] =	ssyncset.done $0x0  }
0x1eb: {  	[sflag:s20] =	ssyncadd.s32 $0xFFFFFE00  }
0x1ec: {  	_ =	swait.ge [sflag:s21], $0x5000  }
0x1ed: {  	s26 =	simm.s32 $0x800;
	[sflag:s21] =	ssyncset.done $0x0  }
0x1ee: {  	s28 =	simm.s32 $0xF000;
	s29 =	simm.s32 $0x5000;
	[sflag:s21] =	ssyncadd.s32 $0xFFFFB000  }
.LBB2_18:
0x1ef: {  	[tilespmem:s28], [sflag:$0x4] =	stream.indirect.gather [hbm4b:s1+s15], $0x1, s29, s15, $0xb8;
	[tilespmem:$0x14600] =	vst v63  }
0x1f0: {  	s28 =	smov.u32 s26;
	p0 =	sne.s32 s26, $0x13800  }
.Ltmp8:
0x1f1: {  	s26 =	sadd.s32 $0x800, s26;
	(pc) =	sbr.rel @p0 .LBB2_18-.Ltmp8, $3  }
0x1f2: {  	_ =	sdelay $0x1  }
0x1f3: {  	s29 =	sshra.s32 s28, $0x2  }
0x1f4: {  	s28 =	sadd.s32 $0xF000, s29;
	s29 =	sadd.s32 $0x5000, s29  }
0x1f5: {  	[tilespmem:s28], [sflag:$0x4] =	stream.indirect.gather [hbm4b:s1+s15], $0x1, s29, s15, $0xb8;
	[tilespmem:$0x14600] =	vst v63  }
0x1f6: {  	s26 =	simm.s32 $0x0;
	s28 =	simm.s32 $0x0  }
0x1f7: {  	[tilespmem:s26], [sflag:$0x1] =	stream.strided.gather [hbm4b:s10+s15], $0x5000, s17, s15, $0x38;
	[tilespmem:$0x14600] =	vst v63  }
0x1f8: {  	v0 =	vld [tilespmem:s28+$0xA000];
	_ =	sdelay $0x1  }
0x1f9: {  	v1 =	vld [tilespmem:s28+$0xA200];
	_ =	sdelay $0x1  }
0x1fa: {  	v2 =	vld [tilespmem:s28+$0xA400]  }
0x1fb: {  	v0 =	vadd.f32 $0.0e+00, v0  }
0x1fc: {  	v3 =	vld [tilespmem:s28+$0xA600]  }
0x1fd: {  	v0 =	vadd.f32 v1, v0  }
0x1fe: {  	v1 =	vld [tilespmem:s28+$0xA800]  }
0x1ff: {  	v0 =	vadd.f32 v2, v0  }
0x200: {  	v2 =	vld [tilespmem:s28+$0xAA00]  }
0x201: {  	v0 =	vadd.f32 v3, v0  }
0x202: {  	v3 =	vld [tilespmem:s28+$0xAC00]  }
0x203: {  	v0 =	vadd.f32 v1, v0  }
0x204: {  	v1 =	vld [tilespmem:s28+$0xAE00]  }
0x205: {  	v0 =	vadd.f32 v2, v0  }
0x206: {  	v2 =	vld [tilespmem:s28+$0xB000]  }
0x207: {  	v0 =	vadd.f32 v3, v0  }
0x208: {  	v3 =	vld [tilespmem:s28+$0xB200]  }
0x209: {  	v0 =	vadd.f32 v1, v0  }
0x20a: {  	v1 =	vld [tilespmem:s28+$0xB400]  }
0x20b: {  	v0 =	vadd.f32 v2, v0  }
0x20c: {  	v2 =	vld [tilespmem:s28+$0xB600]  }
0x20d: {  	v0 =	vadd.f32 v3, v0  }
0x20e: {  	v3 =	vld [tilespmem:s28+$0xB800]  }
0x20f: {  	v0 =	vadd.f32 v1, v0  }
0x210: {  	v1 =	vld [tilespmem:s28+$0xBA00]  }
0x211: {  	v0 =	vadd.f32 v2, v0  }
0x212: {  	v2 =	vld [tilespmem:s28+$0xBC00]  }
0x213: {  	v0 =	vadd.f32 v3, v0  }
0x214: {  	v3 =	vld [tilespmem:s28+$0xBE00]  }
0x215: {  	v0 =	vadd.f32 v1, v0  }
0x216: {  	v1 =	vld [tilespmem:s28+$0xC000]  }
0x217: {  	v0 =	vadd.f32 v2, v0  }
0x218: {  	v2 =	vld [tilespmem:s28+$0xC200]  }
0x219: {  	v0 =	vadd.f32 v3, v0  }
0x21a: {  	v3 =	vld [tilespmem:s28+$0xC400]  }
0x21b: {  	v0 =	vadd.f32 v1, v0  }
0x21c: {  	v1 =	vld [tilespmem:s28+$0xC600]  }
0x21d: {  	v0 =	vadd.f32 v2, v0  }
0x21e: {  	s26 =	simm.s32 $0x10;
	v2 =	vld [tilespmem:s28+$0xC800]  }
0x21f: {  	v4 =	vld [tilespmem:s26+$0xA000];
	v0 =	vadd.f32 v3, v0  }
0x220: {  	v3 =	vld [tilespmem:s28+$0xCA00]  }
0x221: {  	v5 =	vld [tilespmem:s26+$0xA200];
	v0 =	vadd.f32 v1, v0  }
0x222: {  	v1 =	vld [tilespmem:s28+$0xCC00]  }
0x223: {  	v6 =	vld [tilespmem:s26+$0xA400];
	v0 =	vadd.f32 v2, v0  }
0x224: {  	v4 =	vadd.f32 $0.0e+00, v4;
	v2 =	vld [tilespmem:s28+$0xCE00]  }
0x225: {  	v7 =	vld [tilespmem:s26+$0xA600];
	v0 =	vadd.f32 v3, v0  }
0x226: {  	v4 =	vadd.f32 v5, v4;
	v3 =	vld [tilespmem:s28+$0xD000]  }
0x227: {  	v5 =	vld [tilespmem:s26+$0xA800];
	v0 =	vadd.f32 v1, v0  }
0x228: {  	v4 =	vadd.f32 v6, v4;
	v1 =	vld [tilespmem:s28+$0xD200]  }
0x229: {  	v6 =	vld [tilespmem:s26+$0xAA00];
	v0 =	vadd.f32 v2, v0  }
0x22a: {  	v4 =	vadd.f32 v7, v4;
	v2 =	vld [tilespmem:s28+$0xD400]  }
0x22b: {  	v7 =	vld [tilespmem:s26+$0xAC00];
	v0 =	vadd.f32 v3, v0  }
0x22c: {  	v4 =	vadd.f32 v5, v4;
	v3 =	vld [tilespmem:s28+$0xD600]  }
0x22d: {  	v5 =	vld [tilespmem:s26+$0xAE00];
	v0 =	vadd.f32 v1, v0  }
0x22e: {  	v4 =	vadd.f32 v6, v4;
	v1 =	vld [tilespmem:s28+$0xD800]  }
0x22f: {  	v6 =	vld [tilespmem:s26+$0xB000];
	v0 =	vadd.f32 v2, v0  }
0x230: {  	v4 =	vadd.f32 v7, v4;
	v2 =	vld [tilespmem:s28+$0xDA00]  }
0x231: {  	v7 =	vld [tilespmem:s26+$0xB200];
	v0 =	vadd.f32 v3, v0  }
0x232: {  	v4 =	vadd.f32 v5, v4;
	v3 =	vld [tilespmem:s28+$0xDC00]  }
0x233: {  	v5 =	vld [tilespmem:s26+$0xB400];
	v0 =	vadd.f32 v1, v0  }
0x234: {  	v4 =	vadd.f32 v6, v4;
	v1 =	vld [tilespmem:s28+$0xDE00]  }
0x235: {  	v6 =	vld [tilespmem:s26+$0xB600];
	v0 =	vadd.f32 v2, v0  }
0x236: {  	v4 =	vadd.f32 v7, v4;
	v2 =	vld [tilespmem:s28+$0xE000]  }
0x237: {  	v7 =	vld [tilespmem:s26+$0xB800];
	v0 =	vadd.f32 v3, v0  }
0x238: {  	v4 =	vadd.f32 v5, v4;
	v3 =	vld [tilespmem:s28+$0xE200]  }
0x239: {  	v5 =	vld [tilespmem:s26+$0xBA00];
	v0 =	vadd.f32 v1, v0  }
0x23a: {  	v4 =	vadd.f32 v6, v4;
	v1 =	vld [tilespmem:s28+$0xE400]  }
0x23b: {  	v6 =	vld [tilespmem:s26+$0xBC00];
	v0 =	vadd.f32 v2, v0  }
0x23c: {  	v4 =	vadd.f32 v7, v4;
	v2 =	vld [tilespmem:s28+$0xE600]  }
0x23d: {  	v7 =	vld [tilespmem:s26+$0xBE00];
	v0 =	vadd.f32 v3, v0  }
0x23e: {  	v4 =	vadd.f32 v5, v4;
	v3 =	vld [tilespmem:s28+$0xE800]  }
0x23f: {  	v5 =	vld [tilespmem:s26+$0xC000];
	v0 =	vadd.f32 v1, v0  }
0x240: {  	v8 =	vld [tilespmem:s28+$0xEA00];
	v1 =	vadd.f32 v6, v4  }
0x241: {  	v4 =	vld [tilespmem:s26+$0xC200];
	v2 =	vadd.f32 v2, v0  }
0x242: {  	v6 =	vld [tilespmem:s28+$0xEC00];
	v1 =	vadd.f32 v7, v1  }
0x243: {  	v0 =	vld [tilespmem:s26+$0xC400];
	v3 =	vadd.f32 v3, v2  }
0x244: {  	v2 =	vld [tilespmem:s28+$0xEE00];
	v5 =	vadd.f32 v5, v1  }
0x245: {  	v1 =	vld [tilespmem:s26+$0xC600];
	v7 =	vadd.f32 v8, v3  }
0x246: {  	v3 =	vld [tilespmem:s28+$0x14400];
	v5 =	vadd.f32 v4, v5  }
0x247: {  	s29 =	simm.s32 $0x20;
	s30 =	simm.s32 $0xC0;
	v4 =	vld [tilespmem:s26+$0xC800];
	v6 =	vadd.f32 v6, v7  }
.LBB2_20:
0x248: {  	p0 =	sne.s32 s30, $0x7C0;
	v7 =	vld [tilespmem:s29+$0xA000];
	v0 =	vadd.f32 v0, v5  }
0x249: {  	v5 =	vld [tilespmem:s26+$0xCA00];
	v2 =	vadd.f32 v2, v6  }
0x24a: {  	v6 =	vld [tilespmem:s29+$0xA200];
	v0 =	vadd.f32 v1, v0  }
0x24b: {  	v1 =	vld [tilespmem:s26+$0xCC00];
	v2 =	vadd.f32 v2, v3  }
0x24c: {  	v3 =	vld [tilespmem:s29+$0xA400];
	v0 =	vadd.f32 v4, v0  }
0x24d: {  	v4 =	vadd.f32 $0.0e+00, v7;
	v7 =	vld [tilespmem:s26+$0xCE00];
	[tilespmem:s28+$0x14400] =	vst v2;
	s28 =	smov.u32 s26;
	s26 =	smov.u32 s29  }
0x24e: {  	v2 =	vld [tilespmem:s26+$0xA600];
	v0 =	vadd.f32 v5, v0  }
0x24f: {  	v4 =	vadd.f32 v6, v4;
	v5 =	vld [tilespmem:s28+$0xD000]  }
0x250: {  	v6 =	vld [tilespmem:s26+$0xA800];
	v0 =	vadd.f32 v1, v0  }
0x251: {  	v1 =	vadd.f32 v3, v4;
	v3 =	vld [tilespmem:s28+$0xD200]  }
0x252: {  	v4 =	vld [tilespmem:s26+$0xAA00];
	v0 =	vadd.f32 v7, v0  }
0x253: {  	v1 =	vadd.f32 v2, v1;
	v2 =	vld [tilespmem:s28+$0xD400]  }
0x254: {  	v7 =	vld [tilespmem:s26+$0xAC00];
	v0 =	vadd.f32 v5, v0  }
0x255: {  	v1 =	vadd.f32 v6, v1;
	v5 =	vld [tilespmem:s28+$0xD600]  }
0x256: {  	v6 =	vld [tilespmem:s26+$0xAE00];
	v0 =	vadd.f32 v3, v0  }
0x257: {  	v1 =	vadd.f32 v4, v1;
	v3 =	vld [tilespmem:s28+$0xD800]  }
0x258: {  	v4 =	vld [tilespmem:s26+$0xB000];
	v0 =	vadd.f32 v2, v0  }
0x259: {  	v1 =	vadd.f32 v7, v1;
	v2 =	vld [tilespmem:s28+$0xDA00]  }
0x25a: {  	v7 =	vld [tilespmem:s26+$0xB200];
	v0 =	vadd.f32 v5, v0  }
0x25b: {  	v1 =	vadd.f32 v6, v1;
	v5 =	vld [tilespmem:s28+$0xDC00]  }
0x25c: {  	v6 =	vld [tilespmem:s26+$0xB400];
	v0 =	vadd.f32 v3, v0  }
0x25d: {  	v1 =	vadd.f32 v4, v1;
	v3 =	vld [tilespmem:s28+$0xDE00]  }
0x25e: {  	v4 =	vld [tilespmem:s26+$0xB600];
	v0 =	vadd.f32 v2, v0  }
0x25f: {  	v1 =	vadd.f32 v7, v1;
	v2 =	vld [tilespmem:s28+$0xE000]  }
0x260: {  	v7 =	vld [tilespmem:s26+$0xB800];
	v0 =	vadd.f32 v5, v0  }
0x261: {  	v1 =	vadd.f32 v6, v1;
	v5 =	vld [tilespmem:s28+$0xE200]  }
0x262: {  	v6 =	vld [tilespmem:s26+$0xBA00];
	v0 =	vadd.f32 v3, v0  }
0x263: {  	v1 =	vadd.f32 v4, v1;
	v3 =	vld [tilespmem:s28+$0xE400]  }
0x264: {  	v4 =	vld [tilespmem:s26+$0xBC00];
	v0 =	vadd.f32 v2, v0  }
0x265: {  	v1 =	vadd.f32 v7, v1;
	v2 =	vld [tilespmem:s28+$0xE600]  }
0x266: {  	v7 =	vld [tilespmem:s26+$0xBE00];
	v0 =	vadd.f32 v5, v0  }
0x267: {  	v1 =	vadd.f32 v6, v1;
	v5 =	vld [tilespmem:s28+$0xE800]  }
0x268: {  	v6 =	vld [tilespmem:s26+$0xC000];
	v0 =	vadd.f32 v3, v0  }
0x269: {  	v1 =	vadd.f32 v4, v1;
	v3 =	vld [tilespmem:s28+$0xEA00]  }
0x26a: {  	v4 =	vld [tilespmem:s26+$0xC200];
	v2 =	vadd.f32 v2, v0  }
0x26b: {  	v1 =	vadd.f32 v7, v1;
	v7 =	vld [tilespmem:s28+$0xEC00]  }
.Ltmp9:
0x26c: {  	v0 =	vld [tilespmem:s26+$0xC400];
	v5 =	vadd.f32 v5, v2;
	(pc) =	sbr.rel @p0 .LBB2_20-.Ltmp9, $4  }
0x26d: {  	v6 =	vadd.f32 v6, v1;
	v2 =	vld [tilespmem:s28+$0xEE00]  }
0x26e: {  	v1 =	vld [tilespmem:s26+$0xC600];
	v8 =	vadd.f32 v3, v5  }
0x26f: {  	v5 =	vadd.f32 v4, v6;
	v3 =	vld [tilespmem:s28+$0x14400]  }
0x270: {  	s29 =	sshra.s32 s30, $0x2;
	s30 =	sadd.s32 $0x40, s30;
	v4 =	vld [tilespmem:s26+$0xC800];
	v6 =	vadd.f32 v7, v8  }
0x271: {  	v7 =	vld [tilespmem:s29+$0xA000]  }
0x272: {  	v8 =	vld [tilespmem:s26+$0xCA00];
	v0 =	vadd.f32 v0, v5;
	v2 =	vadd.f32 v2, v6  }
0x273: {  	v58 =	vld [tilespmem:s29+$0xA200]  }
0x274: {  	v59 =	vld [tilespmem:s26+$0xCC00];
	v0 =	vadd.f32 v1, v0;
	v60 =	vadd.f32 v2, v3  }
0x275: {  	v61 =	vld [tilespmem:s29+$0xA400]  }
0x276: {  	v62 =	vld [tilespmem:s26+$0xCE00];
	v0 =	vadd.f32 v4, v0;
	v63 =	vadd.f32 $0.0e+00, v7;
	[tilespmem:s28+$0x14400] =	vst v60  }
0x277: {  	v1 =	vld [tilespmem:s29+$0xA600]  }
0x278: {  	v0 =	vadd.f32 v8, v0;
	v9 =	vld [tilespmem:s26+$0xD000];
	v4 =	vadd.f32 v58, v63  }
0x279: {  	v10 =	vld [tilespmem:s29+$0xA800]  }
0x27a: {  	v11 =	vld [tilespmem:s26+$0xD200];
	v0 =	vadd.f32 v59, v0;
	v2 =	vadd.f32 v61, v4  }
0x27b: {  	v12 =	vld [tilespmem:s29+$0xAA00]  }
0x27c: {  	v13 =	vld [tilespmem:s26+$0xD400];
	v0 =	vadd.f32 v62, v0;
	v1 =	vadd.f32 v1, v2  }
0x27d: {  	v14 =	vld [tilespmem:s29+$0xAC00]  }
0x27e: {  	v15 =	vld [tilespmem:s26+$0xD600];
	v0 =	vadd.f32 v9, v0;
	v1 =	vadd.f32 v10, v1  }
0x27f: {  	v16 =	vld [tilespmem:s29+$0xAE00]  }
0x280: {  	v17 =	vld [tilespmem:s26+$0xD800];
	v0 =	vadd.f32 v11, v0;
	v1 =	vadd.f32 v12, v1  }
0x281: {  	v18 =	vld [tilespmem:s29+$0xB000]  }
0x282: {  	v19 =	vld [tilespmem:s26+$0xDA00];
	v0 =	vadd.f32 v13, v0;
	v1 =	vadd.f32 v14, v1  }
0x283: {  	v20 =	vld [tilespmem:s29+$0xB200]  }
0x284: {  	v21 =	vld [tilespmem:s26+$0xDC00];
	v0 =	vadd.f32 v15, v0;
	v1 =	vadd.f32 v16, v1  }
0x285: {  	v22 =	vld [tilespmem:s29+$0xB400]  }
0x286: {  	v23 =	vld [tilespmem:s26+$0xDE00];
	v0 =	vadd.f32 v17, v0;
	v1 =	vadd.f32 v18, v1  }
0x287: {  	v24 =	vld [tilespmem:s29+$0xB600]  }
0x288: {  	v25 =	vld [tilespmem:s26+$0xE000];
	v0 =	vadd.f32 v19, v0;
	v1 =	vadd.f32 v20, v1  }
0x289: {  	v26 =	vld [tilespmem:s29+$0xB800]  }
0x28a: {  	v27 =	vld [tilespmem:s26+$0xE200];
	v0 =	vadd.f32 v21, v0;
	v1 =	vadd.f32 v22, v1  }
0x28b: {  	v28 =	vld [tilespmem:s29+$0xBA00]  }
0x28c: {  	v29 =	vld [tilespmem:s26+$0xE400];
	v0 =	vadd.f32 v23, v0;
	v1 =	vadd.f32 v24, v1  }
0x28d: {  	v30 =	vld [tilespmem:s29+$0xBC00]  }
0x28e: {  	v31 =	vld [tilespmem:s26+$0xE600];
	v0 =	vadd.f32 v25, v0;
	v1 =	vadd.f32 v26, v1  }
0x28f: {  	v32 =	vld [tilespmem:s29+$0xBE00]  }
0x290: {  	v33 =	vld [tilespmem:s26+$0xE800];
	v0 =	vadd.f32 v27, v0;
	v1 =	vadd.f32 v28, v1  }
0x291: {  	v34 =	vld [tilespmem:s29+$0xC000]  }
0x292: {  	v35 =	vld [tilespmem:s26+$0xEA00];
	v0 =	vadd.f32 v29, v0;
	v1 =	vadd.f32 v30, v1  }
0x293: {  	v36 =	vld [tilespmem:s29+$0xC200]  }
0x294: {  	v37 =	vld [tilespmem:s26+$0xEC00];
	v0 =	vadd.f32 v31, v0;
	v1 =	vadd.f32 v32, v1  }
0x295: {  	v38 =	vld [tilespmem:s29+$0xC400]  }
0x296: {  	v39 =	vld [tilespmem:s26+$0xEE00];
	v0 =	vadd.f32 v33, v0;
	v1 =	vadd.f32 v34, v1  }
0x297: {  	v40 =	vld [tilespmem:s29+$0xC600]  }
0x298: {  	v41 =	vld [tilespmem:s26+$0x14400];
	v0 =	vadd.f32 v35, v0;
	v1 =	vadd.f32 v36, v1  }
0x299: {  	v42 =	vld [tilespmem:s29+$0xC800]  }
0x29a: {  	v0 =	vadd.f32 v37, v0;
	v1 =	vadd.f32 v38, v1  }
0x29b: {  	v43 =	vld [tilespmem:s29+$0xCA00]  }
0x29c: {  	v0 =	vadd.f32 v39, v0;
	v1 =	vadd.f32 v40, v1  }
0x29d: {  	v44 =	vld [tilespmem:s29+$0xCC00]  }
0x29e: {  	v0 =	vadd.f32 v0, v41;
	v1 =	vadd.f32 v42, v1  }
0x29f: {  	v45 =	vld [tilespmem:s29+$0xCE00]  }
0x2a0: {  	[tilespmem:s26+$0x14400] =	vst v0;
	v46 =	vadd.f32 v43, v1  }
0x2a1: {  	v47 =	vld [tilespmem:s29+$0xD000]  }
0x2a2: {  	v0 =	vadd.f32 v44, v46  }
0x2a3: {  	v48 =	vld [tilespmem:s29+$0xD200]  }
0x2a4: {  	v0 =	vadd.f32 v45, v0  }
0x2a5: {  	v49 =	vld [tilespmem:s29+$0xD400]  }
0x2a6: {  	v0 =	vadd.f32 v47, v0  }
0x2a7: {  	v50 =	vld [tilespmem:s29+$0xD600]  }
0x2a8: {  	v0 =	vadd.f32 v48, v0  }
0x2a9: {  	v51 =	vld [tilespmem:s29+$0xD800]  }
0x2aa: {  	v0 =	vadd.f32 v49, v0  }
0x2ab: {  	v52 =	vld [tilespmem:s29+$0xDA00]  }
0x2ac: {  	v0 =	vadd.f32 v50, v0  }
0x2ad: {  	v53 =	vld [tilespmem:s29+$0xDC00]  }
0x2ae: {  	v0 =	vadd.f32 v51, v0  }
0x2af: {  	v54 =	vld [tilespmem:s29+$0xDE00]  }
0x2b0: {  	v0 =	vadd.f32 v52, v0  }
0x2b1: {  	v55 =	vld [tilespmem:s29+$0xE000]  }
0x2b2: {  	v0 =	vadd.f32 v53, v0  }
0x2b3: {  	v56 =	vld [tilespmem:s29+$0xE200]  }
0x2b4: {  	v0 =	vadd.f32 v54, v0  }
0x2b5: {  	v57 =	vld [tilespmem:s29+$0xE400]  }
0x2b6: {  	v0 =	vadd.f32 v55, v0  }
0x2b7: {  	v58 =	vld [tilespmem:s29+$0xE600]  }
0x2b8: {  	v0 =	vadd.f32 v56, v0  }
0x2b9: {  	v59 =	vld [tilespmem:s29+$0xE800]  }
0x2ba: {  	v0 =	vadd.f32 v57, v0  }
0x2bb: {  	v60 =	vld [tilespmem:s29+$0xEA00]  }
0x2bc: {  	v0 =	vadd.f32 v58, v0  }
0x2bd: {  	v61 =	vld [tilespmem:s29+$0xEC00]  }
0x2be: {  	v0 =	vadd.f32 v59, v0  }
0x2bf: {  	v62 =	vld [tilespmem:s29+$0xEE00]  }
0x2c0: {  	v0 =	vadd.f32 v60, v0  }
0x2c1: {  	v63 =	vld [tilespmem:s29+$0x14400]  }
0x2c2: {  	v0 =	vadd.f32 v61, v0;
	_ =	sdelay $0x1  }
0x2c3: {  	v0 =	vadd.f32 v62, v0;
	_ =	sdelay $0x1  }
0x2c4: {  	v0 =	vadd.f32 v0, v63;
	_ =	sdelay $0x1  }
0x2c5: {  	[tilespmem:s29+$0x14400] =	vst v0  }
0x2c6: {  	_ =	swait.ge [sflag:s22], $0x200  }
0x2c7: {  	s26 =	simm.s32 $0x27;
	[sflag:s22] =	ssyncset.done $0x0  }
.LBB2_22:
0x2c8: {  	p0 =	sne.s32 s26, $0x1;
	s26 =	sadd.s32 $0xFFFFFFFF, s26;
	[sflag:s22] =	ssyncadd.s32 $0xFFFFFE00  }
.Ltmp10:
0x2c9: {  	(pc) =	sbr.rel @p0 .LBB2_22-.Ltmp10, $3  }
0x2ca: {  	_ =	sdelay $0x1  }
0x2cb: {  	_ =	swait.ge [sflag:s22], $0x200  }
0x2cc: {  	[sflag:s22] =	ssyncset.done $0x0  }
0x2cd: {  	[sflag:s22] =	ssyncadd.s32 $0xFFFFFE00  }
0x2ce: {  	_ =	swait.ge [sflag:s18], $0x5000  }
0x2cf: {  	s26 =	simm.s32 $0x800;
	[sflag:s18] =	ssyncset.done $0x0  }
0x2d0: {  	s28 =	simm.s32 $0x0;
	s29 =	simm.s32 $0xA000;
	[sflag:s18] =	ssyncadd.s32 $0xFFFFB000  }
.LBB2_24:
0x2d1: {  	[tilespmem:s29], [sflag:$0x3] =	stream.indirect.gather [hbm4b:s1+s15], $0x1, s28, s15, $0xb8;
	[tilespmem:$0x14600] =	vst v63  }
0x2d2: {  	s28 =	smov.u32 s26;
	p0 =	sne.s32 s26, $0x13800  }
.Ltmp11:
0x2d3: {  	s26 =	sadd.s32 $0x800, s26;
	(pc) =	sbr.rel @p0 .LBB2_24-.Ltmp11, $3  }
0x2d4: {  	_ =	sdelay $0x1  }
0x2d5: {  	s28 =	sshra.s32 s28, $0x2  }
0x2d6: {  	s29 =	sadd.s32 $0xA000, s28  }
0x2d7: {  	[tilespmem:s29], [sflag:$0x3] =	stream.indirect.gather [hbm4b:s1+s15], $0x1, s28, s15, $0xb8;
	[tilespmem:$0x14600] =	vst v63  }
0x2d8: {  	s28 =	simm.s32 $0x0  }
0x2d9: {  	v0 =	vld [tilespmem:s28+$0xF000];
	_ =	sdelay $0x1  }
0x2da: {  	v1 =	vld [tilespmem:s28+$0xF200];
	_ =	sdelay $0x1  }
0x2db: {  	v2 =	vld [tilespmem:s28+$0xF400]  }
0x2dc: {  	v0 =	vadd.f32 $0.0e+00, v0  }
0x2dd: {  	v3 =	vld [tilespmem:s28+$0xF600]  }
0x2de: {  	v0 =	vadd.f32 v1, v0  }
0x2df: {  	v1 =	vld [tilespmem:s28+$0xF800]  }
0x2e0: {  	v0 =	vadd.f32 v2, v0  }
0x2e1: {  	v2 =	vld [tilespmem:s28+$0xFA00]  }
0x2e2: {  	v0 =	vadd.f32 v3, v0  }
0x2e3: {  	v3 =	vld [tilespmem:s28+$0xFC00]  }
0x2e4: {  	v0 =	vadd.f32 v1, v0  }
0x2e5: {  	v1 =	vld [tilespmem:s28+$0xFE00]  }
0x2e6: {  	v0 =	vadd.f32 v2, v0  }
0x2e7: {  	v2 =	vld [tilespmem:s28+$0x10000]  }
0x2e8: {  	v0 =	vadd.f32 v3, v0  }
0x2e9: {  	v3 =	vld [tilespmem:s28+$0x10200]  }
0x2ea: {  	v0 =	vadd.f32 v1, v0  }
0x2eb: {  	v1 =	vld [tilespmem:s28+$0x10400]  }
0x2ec: {  	v0 =	vadd.f32 v2, v0  }
0x2ed: {  	v2 =	vld [tilespmem:s28+$0x10600]  }
0x2ee: {  	v0 =	vadd.f32 v3, v0  }
0x2ef: {  	v3 =	vld [tilespmem:s28+$0x10800]  }
0x2f0: {  	v0 =	vadd.f32 v1, v0  }
0x2f1: {  	v1 =	vld [tilespmem:s28+$0x10A00]  }
0x2f2: {  	v0 =	vadd.f32 v2, v0  }
0x2f3: {  	v2 =	vld [tilespmem:s28+$0x10C00]  }
0x2f4: {  	v0 =	vadd.f32 v3, v0  }
0x2f5: {  	v3 =	vld [tilespmem:s28+$0x10E00]  }
0x2f6: {  	v0 =	vadd.f32 v1, v0  }
0x2f7: {  	v1 =	vld [tilespmem:s28+$0x11000]  }
0x2f8: {  	v0 =	vadd.f32 v2, v0  }
0x2f9: {  	v2 =	vld [tilespmem:s28+$0x11200]  }
0x2fa: {  	v0 =	vadd.f32 v3, v0  }
0x2fb: {  	v3 =	vld [tilespmem:s28+$0x11400]  }
0x2fc: {  	v0 =	vadd.f32 v1, v0  }
0x2fd: {  	v1 =	vld [tilespmem:s28+$0x11600]  }
0x2fe: {  	v0 =	vadd.f32 v2, v0  }
0x2ff: {  	s26 =	simm.s32 $0x10;
	v2 =	vld [tilespmem:s28+$0x11800]  }
0x300: {  	v4 =	vld [tilespmem:s26+$0xF000];
	v0 =	vadd.f32 v3, v0  }
0x301: {  	v3 =	vld [tilespmem:s28+$0x11A00]  }
0x302: {  	v5 =	vld [tilespmem:s26+$0xF200];
	v0 =	vadd.f32 v1, v0  }
0x303: {  	v1 =	vld [tilespmem:s28+$0x11C00]  }
0x304: {  	v6 =	vld [tilespmem:s26+$0xF400];
	v0 =	vadd.f32 v2, v0  }
0x305: {  	v4 =	vadd.f32 $0.0e+00, v4;
	v2 =	vld [tilespmem:s28+$0x11E00]  }
0x306: {  	v7 =	vld [tilespmem:s26+$0xF600];
	v0 =	vadd.f32 v3, v0  }
0x307: {  	v4 =	vadd.f32 v5, v4;
	v3 =	vld [tilespmem:s28+$0x12000]  }
0x308: {  	v5 =	vld [tilespmem:s26+$0xF800];
	v0 =	vadd.f32 v1, v0  }
0x309: {  	v4 =	vadd.f32 v6, v4;
	v1 =	vld [tilespmem:s28+$0x12200]  }
0x30a: {  	v6 =	vld [tilespmem:s26+$0xFA00];
	v0 =	vadd.f32 v2, v0  }
0x30b: {  	v4 =	vadd.f32 v7, v4;
	v2 =	vld [tilespmem:s28+$0x12400]  }
0x30c: {  	v7 =	vld [tilespmem:s26+$0xFC00];
	v0 =	vadd.f32 v3, v0  }
0x30d: {  	v4 =	vadd.f32 v5, v4;
	v3 =	vld [tilespmem:s28+$0x12600]  }
0x30e: {  	v5 =	vld [tilespmem:s26+$0xFE00];
	v0 =	vadd.f32 v1, v0  }
0x30f: {  	v4 =	vadd.f32 v6, v4;
	v1 =	vld [tilespmem:s28+$0x12800]  }
0x310: {  	v6 =	vld [tilespmem:s26+$0x10000];
	v0 =	vadd.f32 v2, v0  }
0x311: {  	v4 =	vadd.f32 v7, v4;
	v2 =	vld [tilespmem:s28+$0x12A00]  }
0x312: {  	v7 =	vld [tilespmem:s26+$0x10200];
	v0 =	vadd.f32 v3, v0  }
0x313: {  	v4 =	vadd.f32 v5, v4;
	v3 =	vld [tilespmem:s28+$0x12C00]  }
0x314: {  	v5 =	vld [tilespmem:s26+$0x10400];
	v0 =	vadd.f32 v1, v0  }
0x315: {  	v4 =	vadd.f32 v6, v4;
	v1 =	vld [tilespmem:s28+$0x12E00]  }
0x316: {  	v6 =	vld [tilespmem:s26+$0x10600];
	v0 =	vadd.f32 v2, v0  }
0x317: {  	v4 =	vadd.f32 v7, v4;
	v2 =	vld [tilespmem:s28+$0x13000]  }
0x318: {  	v7 =	vld [tilespmem:s26+$0x10800];
	v0 =	vadd.f32 v3, v0  }
0x319: {  	v4 =	vadd.f32 v5, v4;
	v3 =	vld [tilespmem:s28+$0x13200]  }
0x31a: {  	v5 =	vld [tilespmem:s26+$0x10A00];
	v0 =	vadd.f32 v1, v0  }
0x31b: {  	v4 =	vadd.f32 v6, v4;
	v1 =	vld [tilespmem:s28+$0x13400]  }
0x31c: {  	v6 =	vld [tilespmem:s26+$0x10C00];
	v0 =	vadd.f32 v2, v0  }
0x31d: {  	v4 =	vadd.f32 v7, v4;
	v2 =	vld [tilespmem:s28+$0x13600]  }
0x31e: {  	v7 =	vld [tilespmem:s26+$0x10E00];
	v0 =	vadd.f32 v3, v0  }
0x31f: {  	v4 =	vadd.f32 v5, v4;
	v3 =	vld [tilespmem:s28+$0x13800]  }
0x320: {  	v5 =	vld [tilespmem:s26+$0x11000];
	v0 =	vadd.f32 v1, v0  }
0x321: {  	v8 =	vld [tilespmem:s28+$0x13A00];
	v1 =	vadd.f32 v6, v4  }
0x322: {  	v4 =	vld [tilespmem:s26+$0x11200];
	v2 =	vadd.f32 v2, v0  }
0x323: {  	v6 =	vld [tilespmem:s28+$0x13C00];
	v1 =	vadd.f32 v7, v1  }
0x324: {  	v0 =	vld [tilespmem:s26+$0x11400];
	v3 =	vadd.f32 v3, v2  }
0x325: {  	v2 =	vld [tilespmem:s28+$0x13E00];
	v5 =	vadd.f32 v5, v1  }
0x326: {  	v1 =	vld [tilespmem:s26+$0x11600];
	v7 =	vadd.f32 v8, v3  }
0x327: {  	v3 =	vld [tilespmem:s28+$0x14400];
	v5 =	vadd.f32 v4, v5  }
0x328: {  	s29 =	simm.s32 $0x20;
	s30 =	simm.s32 $0xC0;
	v4 =	vld [tilespmem:s26+$0x11800];
	v6 =	vadd.f32 v6, v7  }
.LBB2_26:
0x329: {  	p0 =	sne.s32 s30, $0x7C0;
	v7 =	vld [tilespmem:s29+$0xF000];
	v0 =	vadd.f32 v0, v5  }
0x32a: {  	v5 =	vld [tilespmem:s26+$0x11A00];
	v2 =	vadd.f32 v2, v6  }
0x32b: {  	v6 =	vld [tilespmem:s29+$0xF200];
	v0 =	vadd.f32 v1, v0  }
0x32c: {  	v1 =	vld [tilespmem:s26+$0x11C00];
	v2 =	vadd.f32 v2, v3  }
0x32d: {  	v3 =	vld [tilespmem:s29+$0xF400];
	v0 =	vadd.f32 v4, v0  }
0x32e: {  	v4 =	vadd.f32 $0.0e+00, v7;
	v7 =	vld [tilespmem:s26+$0x11E00];
	[tilespmem:s28+$0x14400] =	vst v2;
	s28 =	smov.u32 s26;
	s26 =	smov.u32 s29  }
0x32f: {  	v2 =	vld [tilespmem:s26+$0xF600];
	v0 =	vadd.f32 v5, v0  }
0x330: {  	v4 =	vadd.f32 v6, v4;
	v5 =	vld [tilespmem:s28+$0x12000]  }
0x331: {  	v6 =	vld [tilespmem:s26+$0xF800];
	v0 =	vadd.f32 v1, v0  }
0x332: {  	v1 =	vadd.f32 v3, v4;
	v3 =	vld [tilespmem:s28+$0x12200]  }
0x333: {  	v4 =	vld [tilespmem:s26+$0xFA00];
	v0 =	vadd.f32 v7, v0  }
0x334: {  	v1 =	vadd.f32 v2, v1;
	v2 =	vld [tilespmem:s28+$0x12400]  }
0x335: {  	v7 =	vld [tilespmem:s26+$0xFC00];
	v0 =	vadd.f32 v5, v0  }
0x336: {  	v1 =	vadd.f32 v6, v1;
	v5 =	vld [tilespmem:s28+$0x12600]  }
0x337: {  	v6 =	vld [tilespmem:s26+$0xFE00];
	v0 =	vadd.f32 v3, v0  }
0x338: {  	v1 =	vadd.f32 v4, v1;
	v3 =	vld [tilespmem:s28+$0x12800]  }
0x339: {  	v4 =	vld [tilespmem:s26+$0x10000];
	v0 =	vadd.f32 v2, v0  }
0x33a: {  	v1 =	vadd.f32 v7, v1;
	v2 =	vld [tilespmem:s28+$0x12A00]  }
0x33b: {  	v7 =	vld [tilespmem:s26+$0x10200];
	v0 =	vadd.f32 v5, v0  }
0x33c: {  	v1 =	vadd.f32 v6, v1;
	v5 =	vld [tilespmem:s28+$0x12C00]  }
0x33d: {  	v6 =	vld [tilespmem:s26+$0x10400];
	v0 =	vadd.f32 v3, v0  }
0x33e: {  	v1 =	vadd.f32 v4, v1;
	v3 =	vld [tilespmem:s28+$0x12E00]  }
0x33f: {  	v4 =	vld [tilespmem:s26+$0x10600];
	v0 =	vadd.f32 v2, v0  }
0x340: {  	v1 =	vadd.f32 v7, v1;
	v2 =	vld [tilespmem:s28+$0x13000]  }
0x341: {  	v7 =	vld [tilespmem:s26+$0x10800];
	v0 =	vadd.f32 v5, v0  }
0x342: {  	v1 =	vadd.f32 v6, v1;
	v5 =	vld [tilespmem:s28+$0x13200]  }
0x343: {  	v6 =	vld [tilespmem:s26+$0x10A00];
	v0 =	vadd.f32 v3, v0  }
0x344: {  	v1 =	vadd.f32 v4, v1;
	v3 =	vld [tilespmem:s28+$0x13400]  }
0x345: {  	v4 =	vld [tilespmem:s26+$0x10C00];
	v0 =	vadd.f32 v2, v0  }
0x346: {  	v1 =	vadd.f32 v7, v1;
	v2 =	vld [tilespmem:s28+$0x13600]  }
0x347: {  	v7 =	vld [tilespmem:s26+$0x10E00];
	v0 =	vadd.f32 v5, v0  }
0x348: {  	v1 =	vadd.f32 v6, v1;
	v5 =	vld [tilespmem:s28+$0x13800]  }
0x349: {  	v6 =	vld [tilespmem:s26+$0x11000];
	v0 =	vadd.f32 v3, v0  }
0x34a: {  	v1 =	vadd.f32 v4, v1;
	v3 =	vld [tilespmem:s28+$0x13A00]  }
0x34b: {  	v4 =	vld [tilespmem:s26+$0x11200];
	v2 =	vadd.f32 v2, v0  }
0x34c: {  	v1 =	vadd.f32 v7, v1;
	v7 =	vld [tilespmem:s28+$0x13C00]  }
.Ltmp12:
0x34d: {  	v0 =	vld [tilespmem:s26+$0x11400];
	v5 =	vadd.f32 v5, v2;
	(pc) =	sbr.rel @p0 .LBB2_26-.Ltmp12, $4  }
0x34e: {  	v6 =	vadd.f32 v6, v1;
	v2 =	vld [tilespmem:s28+$0x13E00]  }
0x34f: {  	v1 =	vld [tilespmem:s26+$0x11600];
	v8 =	vadd.f32 v3, v5  }
0x350: {  	v5 =	vadd.f32 v4, v6;
	v3 =	vld [tilespmem:s28+$0x14400]  }
0x351: {  	s29 =	sshra.s32 s30, $0x2;
	s30 =	sadd.s32 $0x40, s30;
	v4 =	vld [tilespmem:s26+$0x11800];
	v6 =	vadd.f32 v7, v8  }
0x352: {  	v7 =	vld [tilespmem:s29+$0xF000]  }
0x353: {  	v8 =	vld [tilespmem:s26+$0x11A00];
	v0 =	vadd.f32 v0, v5;
	v2 =	vadd.f32 v2, v6  }
0x354: {  	v58 =	vld [tilespmem:s29+$0xF200]  }
0x355: {  	v59 =	vld [tilespmem:s26+$0x11C00];
	v0 =	vadd.f32 v1, v0;
	v60 =	vadd.f32 v2, v3  }
0x356: {  	v61 =	vld [tilespmem:s29+$0xF400]  }
0x357: {  	v62 =	vld [tilespmem:s26+$0x11E00];
	v0 =	vadd.f32 v4, v0;
	v63 =	vadd.f32 $0.0e+00, v7;
	[tilespmem:s28+$0x14400] =	vst v60  }
0x358: {  	v1 =	vld [tilespmem:s29+$0xF600]  }
0x359: {  	v0 =	vadd.f32 v8, v0;
	v9 =	vld [tilespmem:s26+$0x12000];
	v4 =	vadd.f32 v58, v63  }
0x35a: {  	v10 =	vld [tilespmem:s29+$0xF800]  }
0x35b: {  	v11 =	vld [tilespmem:s26+$0x12200];
	v0 =	vadd.f32 v59, v0;
	v2 =	vadd.f32 v61, v4  }
0x35c: {  	v12 =	vld [tilespmem:s29+$0xFA00]  }
0x35d: {  	v13 =	vld [tilespmem:s26+$0x12400];
	v0 =	vadd.f32 v62, v0;
	v1 =	vadd.f32 v1, v2  }
0x35e: {  	v14 =	vld [tilespmem:s29+$0xFC00]  }
0x35f: {  	v15 =	vld [tilespmem:s26+$0x12600];
	v0 =	vadd.f32 v9, v0;
	v1 =	vadd.f32 v10, v1  }
0x360: {  	v16 =	vld [tilespmem:s29+$0xFE00]  }
0x361: {  	v17 =	vld [tilespmem:s26+$0x12800];
	v0 =	vadd.f32 v11, v0;
	v1 =	vadd.f32 v12, v1  }
0x362: {  	v18 =	vld [tilespmem:s29+$0x10000]  }
0x363: {  	v19 =	vld [tilespmem:s26+$0x12A00];
	v0 =	vadd.f32 v13, v0;
	v1 =	vadd.f32 v14, v1  }
0x364: {  	v20 =	vld [tilespmem:s29+$0x10200]  }
0x365: {  	v21 =	vld [tilespmem:s26+$0x12C00];
	v0 =	vadd.f32 v15, v0;
	v1 =	vadd.f32 v16, v1  }
0x366: {  	v22 =	vld [tilespmem:s29+$0x10400]  }
0x367: {  	v23 =	vld [tilespmem:s26+$0x12E00];
	v0 =	vadd.f32 v17, v0;
	v1 =	vadd.f32 v18, v1  }
0x368: {  	v24 =	vld [tilespmem:s29+$0x10600]  }
0x369: {  	v25 =	vld [tilespmem:s26+$0x13000];
	v0 =	vadd.f32 v19, v0;
	v1 =	vadd.f32 v20, v1  }
0x36a: {  	v26 =	vld [tilespmem:s29+$0x10800]  }
0x36b: {  	v27 =	vld [tilespmem:s26+$0x13200];
	v0 =	vadd.f32 v21, v0;
	v1 =	vadd.f32 v22, v1  }
0x36c: {  	v28 =	vld [tilespmem:s29+$0x10A00]  }
0x36d: {  	v29 =	vld [tilespmem:s26+$0x13400];
	v0 =	vadd.f32 v23, v0;
	v1 =	vadd.f32 v24, v1  }
0x36e: {  	v30 =	vld [tilespmem:s29+$0x10C00]  }
0x36f: {  	v31 =	vld [tilespmem:s26+$0x13600];
	v0 =	vadd.f32 v25, v0;
	v1 =	vadd.f32 v26, v1  }
0x370: {  	v32 =	vld [tilespmem:s29+$0x10E00]  }
0x371: {  	v33 =	vld [tilespmem:s26+$0x13800];
	v0 =	vadd.f32 v27, v0;
	v1 =	vadd.f32 v28, v1  }
0x372: {  	v34 =	vld [tilespmem:s29+$0x11000]  }
0x373: {  	v35 =	vld [tilespmem:s26+$0x13A00];
	v0 =	vadd.f32 v29, v0;
	v1 =	vadd.f32 v30, v1  }
0x374: {  	v36 =	vld [tilespmem:s29+$0x11200]  }
0x375: {  	v37 =	vld [tilespmem:s26+$0x13C00];
	v0 =	vadd.f32 v31, v0;
	v1 =	vadd.f32 v32, v1  }
0x376: {  	v38 =	vld [tilespmem:s29+$0x11400]  }
0x377: {  	v39 =	vld [tilespmem:s26+$0x13E00];
	v0 =	vadd.f32 v33, v0;
	v1 =	vadd.f32 v34, v1  }
0x378: {  	v40 =	vld [tilespmem:s29+$0x11600]  }
0x379: {  	v41 =	vld [tilespmem:s26+$0x14400];
	v0 =	vadd.f32 v35, v0;
	v1 =	vadd.f32 v36, v1  }
0x37a: {  	v42 =	vld [tilespmem:s29+$0x11800]  }
0x37b: {  	v0 =	vadd.f32 v37, v0;
	v1 =	vadd.f32 v38, v1  }
0x37c: {  	v43 =	vld [tilespmem:s29+$0x11A00]  }
0x37d: {  	v0 =	vadd.f32 v39, v0;
	v1 =	vadd.f32 v40, v1  }
0x37e: {  	v44 =	vld [tilespmem:s29+$0x11C00]  }
0x37f: {  	v0 =	vadd.f32 v0, v41;
	v1 =	vadd.f32 v42, v1  }
0x380: {  	v45 =	vld [tilespmem:s29+$0x11E00]  }
0x381: {  	[tilespmem:s26+$0x14400] =	vst v0;
	v46 =	vadd.f32 v43, v1  }
0x382: {  	v47 =	vld [tilespmem:s29+$0x12000]  }
0x383: {  	v0 =	vadd.f32 v44, v46  }
0x384: {  	v48 =	vld [tilespmem:s29+$0x12200]  }
0x385: {  	v0 =	vadd.f32 v45, v0  }
0x386: {  	v49 =	vld [tilespmem:s29+$0x12400]  }
0x387: {  	v0 =	vadd.f32 v47, v0  }
0x388: {  	v50 =	vld [tilespmem:s29+$0x12600]  }
0x389: {  	v0 =	vadd.f32 v48, v0  }
0x38a: {  	v51 =	vld [tilespmem:s29+$0x12800]  }
0x38b: {  	v0 =	vadd.f32 v49, v0  }
0x38c: {  	v52 =	vld [tilespmem:s29+$0x12A00]  }
0x38d: {  	v0 =	vadd.f32 v50, v0  }
0x38e: {  	v53 =	vld [tilespmem:s29+$0x12C00]  }
0x38f: {  	v0 =	vadd.f32 v51, v0  }
0x390: {  	v54 =	vld [tilespmem:s29+$0x12E00]  }
0x391: {  	v0 =	vadd.f32 v52, v0  }
0x392: {  	v55 =	vld [tilespmem:s29+$0x13000]  }
0x393: {  	v0 =	vadd.f32 v53, v0  }
0x394: {  	v56 =	vld [tilespmem:s29+$0x13200]  }
0x395: {  	v0 =	vadd.f32 v54, v0  }
0x396: {  	v57 =	vld [tilespmem:s29+$0x13400]  }
0x397: {  	v0 =	vadd.f32 v55, v0  }
0x398: {  	v58 =	vld [tilespmem:s29+$0x13600]  }
0x399: {  	v0 =	vadd.f32 v56, v0  }
0x39a: {  	v59 =	vld [tilespmem:s29+$0x13800]  }
0x39b: {  	v0 =	vadd.f32 v57, v0  }
0x39c: {  	v60 =	vld [tilespmem:s29+$0x13A00]  }
0x39d: {  	v0 =	vadd.f32 v58, v0  }
0x39e: {  	v61 =	vld [tilespmem:s29+$0x13C00]  }
0x39f: {  	v0 =	vadd.f32 v59, v0  }
0x3a0: {  	v62 =	vld [tilespmem:s29+$0x13E00]  }
0x3a1: {  	v0 =	vadd.f32 v60, v0  }
0x3a2: {  	v63 =	vld [tilespmem:s29+$0x14400]  }
0x3a3: {  	v0 =	vadd.f32 v61, v0;
	_ =	sdelay $0x1  }
0x3a4: {  	v0 =	vadd.f32 v62, v0;
	_ =	sdelay $0x1  }
0x3a5: {  	v0 =	vadd.f32 v0, v63;
	_ =	sdelay $0x1  }
0x3a6: {  	s26 =	simm.s32 $0x28;
	[tilespmem:s29+$0x14400] =	vst v0  }
.LBB2_28:
0x3a7: {  	p0 =	sne.s32 s26, $0x1  }
.Ltmp13:
0x3a8: {  	_ = 	snop;
	(pc) =	sbr.rel @p0 .LBB2_28-.Ltmp13, $4  }
0x3a9: {  	_ = 	snop  }
0x3aa: {  	_ =	swait.ge [sflag:s20], $0x200  }
0x3ab: {  	[sflag:s20] =	ssyncset.done $0x0  }
0x3ac: {  	s26 =	sadd.s32 $0xFFFFFFFF, s26;
	[sflag:s20] =	ssyncadd.s32 $0xFFFFFE00  }
0x3ad: {  	s28 =	simm.s32 $0x0  }
0x3ae: {  	v0 =	vld [tilespmem:s28+$0xA000];
	_ =	sdelay $0x1  }
0x3af: {  	v1 =	vld [tilespmem:s28+$0xA200];
	_ =	sdelay $0x1  }
0x3b0: {  	v2 =	vld [tilespmem:s28+$0xA400]  }
0x3b1: {  	v0 =	vadd.f32 $0.0e+00, v0  }
0x3b2: {  	v3 =	vld [tilespmem:s28+$0xA600]  }
0x3b3: {  	v0 =	vadd.f32 v1, v0  }
0x3b4: {  	v1 =	vld [tilespmem:s28+$0xA800]  }
0x3b5: {  	v0 =	vadd.f32 v2, v0  }
0x3b6: {  	v2 =	vld [tilespmem:s28+$0xAA00]  }
0x3b7: {  	v0 =	vadd.f32 v3, v0  }
0x3b8: {  	v3 =	vld [tilespmem:s28+$0xAC00]  }
0x3b9: {  	v0 =	vadd.f32 v1, v0  }
0x3ba: {  	v1 =	vld [tilespmem:s28+$0xAE00]  }
0x3bb: {  	v0 =	vadd.f32 v2, v0  }
0x3bc: {  	v2 =	vld [tilespmem:s28+$0xB000]  }
0x3bd: {  	v0 =	vadd.f32 v3, v0  }
0x3be: {  	v3 =	vld [tilespmem:s28+$0xB200]  }
0x3bf: {  	v0 =	vadd.f32 v1, v0  }
0x3c0: {  	v1 =	vld [tilespmem:s28+$0xB400]  }
0x3c1: {  	v0 =	vadd.f32 v2, v0  }
0x3c2: {  	v2 =	vld [tilespmem:s28+$0xB600]  }
0x3c3: {  	v0 =	vadd.f32 v3, v0  }
0x3c4: {  	v3 =	vld [tilespmem:s28+$0xB800]  }
0x3c5: {  	v0 =	vadd.f32 v1, v0  }
0x3c6: {  	v1 =	vld [tilespmem:s28+$0xBA00]  }
0x3c7: {  	v0 =	vadd.f32 v2, v0  }
0x3c8: {  	v2 =	vld [tilespmem:s28+$0xBC00]  }
0x3c9: {  	v0 =	vadd.f32 v3, v0  }
0x3ca: {  	v3 =	vld [tilespmem:s28+$0xBE00]  }
0x3cb: {  	v0 =	vadd.f32 v1, v0  }
0x3cc: {  	v1 =	vld [tilespmem:s28+$0xC000]  }
0x3cd: {  	v0 =	vadd.f32 v2, v0  }
0x3ce: {  	v2 =	vld [tilespmem:s28+$0xC200]  }
0x3cf: {  	v0 =	vadd.f32 v3, v0  }
0x3d0: {  	v3 =	vld [tilespmem:s28+$0xC400]  }
0x3d1: {  	v0 =	vadd.f32 v1, v0  }
0x3d2: {  	v1 =	vld [tilespmem:s28+$0xC600]  }
0x3d3: {  	v0 =	vadd.f32 v2, v0  }
0x3d4: {  	s26 =	simm.s32 $0x10;
	v2 =	vld [tilespmem:s28+$0xC800]  }
0x3d5: {  	v4 =	vld [tilespmem:s26+$0xA000];
	v0 =	vadd.f32 v3, v0  }
0x3d6: {  	v3 =	vld [tilespmem:s28+$0xCA00]  }
0x3d7: {  	v5 =	vld [tilespmem:s26+$0xA200];
	v0 =	vadd.f32 v1, v0  }
0x3d8: {  	v1 =	vld [tilespmem:s28+$0xCC00]  }
0x3d9: {  	v6 =	vld [tilespmem:s26+$0xA400];
	v0 =	vadd.f32 v2, v0  }
0x3da: {  	v4 =	vadd.f32 $0.0e+00, v4;
	v2 =	vld [tilespmem:s28+$0xCE00]  }
0x3db: {  	v7 =	vld [tilespmem:s26+$0xA600];
	v0 =	vadd.f32 v3, v0  }
0x3dc: {  	v4 =	vadd.f32 v5, v4;
	v3 =	vld [tilespmem:s28+$0xD000]  }
0x3dd: {  	v5 =	vld [tilespmem:s26+$0xA800];
	v0 =	vadd.f32 v1, v0  }
0x3de: {  	v4 =	vadd.f32 v6, v4;
	v1 =	vld [tilespmem:s28+$0xD200]  }
0x3df: {  	v6 =	vld [tilespmem:s26+$0xAA00];
	v0 =	vadd.f32 v2, v0  }
0x3e0: {  	v4 =	vadd.f32 v7, v4;
	v2 =	vld [tilespmem:s28+$0xD400]  }
0x3e1: {  	v7 =	vld [tilespmem:s26+$0xAC00];
	v0 =	vadd.f32 v3, v0  }
0x3e2: {  	v4 =	vadd.f32 v5, v4;
	v3 =	vld [tilespmem:s28+$0xD600]  }
0x3e3: {  	v5 =	vld [tilespmem:s26+$0xAE00];
	v0 =	vadd.f32 v1, v0  }
0x3e4: {  	v4 =	vadd.f32 v6, v4;
	v1 =	vld [tilespmem:s28+$0xD800]  }
0x3e5: {  	v6 =	vld [tilespmem:s26+$0xB000];
	v0 =	vadd.f32 v2, v0  }
0x3e6: {  	v4 =	vadd.f32 v7, v4;
	v2 =	vld [tilespmem:s28+$0xDA00]  }
0x3e7: {  	v7 =	vld [tilespmem:s26+$0xB200];
	v0 =	vadd.f32 v3, v0  }
0x3e8: {  	v4 =	vadd.f32 v5, v4;
	v3 =	vld [tilespmem:s28+$0xDC00]  }
0x3e9: {  	v5 =	vld [tilespmem:s26+$0xB400];
	v0 =	vadd.f32 v1, v0  }
0x3ea: {  	v4 =	vadd.f32 v6, v4;
	v1 =	vld [tilespmem:s28+$0xDE00]  }
0x3eb: {  	v6 =	vld [tilespmem:s26+$0xB600];
	v0 =	vadd.f32 v2, v0  }
0x3ec: {  	v4 =	vadd.f32 v7, v4;
	v2 =	vld [tilespmem:s28+$0xE000]  }
0x3ed: {  	v7 =	vld [tilespmem:s26+$0xB800];
	v0 =	vadd.f32 v3, v0  }
0x3ee: {  	v4 =	vadd.f32 v5, v4;
	v3 =	vld [tilespmem:s28+$0xE200]  }
0x3ef: {  	v5 =	vld [tilespmem:s26+$0xBA00];
	v0 =	vadd.f32 v1, v0  }
0x3f0: {  	v4 =	vadd.f32 v6, v4;
	v1 =	vld [tilespmem:s28+$0xE400]  }
0x3f1: {  	v6 =	vld [tilespmem:s26+$0xBC00];
	v0 =	vadd.f32 v2, v0  }
0x3f2: {  	v4 =	vadd.f32 v7, v4;
	v2 =	vld [tilespmem:s28+$0xE600]  }
0x3f3: {  	v7 =	vld [tilespmem:s26+$0xBE00];
	v0 =	vadd.f32 v3, v0  }
0x3f4: {  	v4 =	vadd.f32 v5, v4;
	v3 =	vld [tilespmem:s28+$0xE800]  }
0x3f5: {  	v5 =	vld [tilespmem:s26+$0xC000];
	v0 =	vadd.f32 v1, v0  }
0x3f6: {  	v8 =	vld [tilespmem:s28+$0xEA00];
	v1 =	vadd.f32 v6, v4  }
0x3f7: {  	v4 =	vld [tilespmem:s26+$0xC200];
	v2 =	vadd.f32 v2, v0  }
0x3f8: {  	v6 =	vld [tilespmem:s28+$0xEC00];
	v1 =	vadd.f32 v7, v1  }
0x3f9: {  	v0 =	vld [tilespmem:s26+$0xC400];
	v3 =	vadd.f32 v3, v2  }
0x3fa: {  	v2 =	vld [tilespmem:s28+$0xEE00];
	v5 =	vadd.f32 v5, v1  }
0x3fb: {  	v1 =	vld [tilespmem:s26+$0xC600];
	v7 =	vadd.f32 v8, v3  }
0x3fc: {  	v3 =	vld [tilespmem:s28+$0x14400];
	v5 =	vadd.f32 v4, v5  }
0x3fd: {  	s29 =	simm.s32 $0x20;
	s30 =	simm.s32 $0xC0;
	v4 =	vld [tilespmem:s26+$0xC800];
	v6 =	vadd.f32 v6, v7  }
.LBB2_30:
0x3fe: {  	p0 =	sne.s32 s30, $0x7C0;
	v7 =	vld [tilespmem:s29+$0xA000];
	v0 =	vadd.f32 v0, v5  }
0x3ff: {  	v5 =	vld [tilespmem:s26+$0xCA00];
	v2 =	vadd.f32 v2, v6  }
0x400: {  	v6 =	vld [tilespmem:s29+$0xA200];
	v0 =	vadd.f32 v1, v0  }
0x401: {  	v1 =	vld [tilespmem:s26+$0xCC00];
	v2 =	vadd.f32 v2, v3  }
0x402: {  	v3 =	vld [tilespmem:s29+$0xA400];
	v0 =	vadd.f32 v4, v0  }
0x403: {  	v4 =	vadd.f32 $0.0e+00, v7;
	v7 =	vld [tilespmem:s26+$0xCE00];
	[tilespmem:s28+$0x14400] =	vst v2;
	s28 =	smov.u32 s26;
	s26 =	smov.u32 s29  }
0x404: {  	v2 =	vld [tilespmem:s26+$0xA600];
	v0 =	vadd.f32 v5, v0  }
0x405: {  	v4 =	vadd.f32 v6, v4;
	v5 =	vld [tilespmem:s28+$0xD000]  }
0x406: {  	v6 =	vld [tilespmem:s26+$0xA800];
	v0 =	vadd.f32 v1, v0  }
0x407: {  	v1 =	vadd.f32 v3, v4;
	v3 =	vld [tilespmem:s28+$0xD200]  }
0x408: {  	v4 =	vld [tilespmem:s26+$0xAA00];
	v0 =	vadd.f32 v7, v0  }
0x409: {  	v1 =	vadd.f32 v2, v1;
	v2 =	vld [tilespmem:s28+$0xD400]  }
0x40a: {  	v7 =	vld [tilespmem:s26+$0xAC00];
	v0 =	vadd.f32 v5, v0  }
0x40b: {  	v1 =	vadd.f32 v6, v1;
	v5 =	vld [tilespmem:s28+$0xD600]  }
0x40c: {  	v6 =	vld [tilespmem:s26+$0xAE00];
	v0 =	vadd.f32 v3, v0  }
0x40d: {  	v1 =	vadd.f32 v4, v1;
	v3 =	vld [tilespmem:s28+$0xD800]  }
0x40e: {  	v4 =	vld [tilespmem:s26+$0xB000];
	v0 =	vadd.f32 v2, v0  }
0x40f: {  	v1 =	vadd.f32 v7, v1;
	v2 =	vld [tilespmem:s28+$0xDA00]  }
0x410: {  	v7 =	vld [tilespmem:s26+$0xB200];
	v0 =	vadd.f32 v5, v0  }
0x411: {  	v1 =	vadd.f32 v6, v1;
	v5 =	vld [tilespmem:s28+$0xDC00]  }
0x412: {  	v6 =	vld [tilespmem:s26+$0xB400];
	v0 =	vadd.f32 v3, v0  }
0x413: {  	v1 =	vadd.f32 v4, v1;
	v3 =	vld [tilespmem:s28+$0xDE00]  }
0x414: {  	v4 =	vld [tilespmem:s26+$0xB600];
	v0 =	vadd.f32 v2, v0  }
0x415: {  	v1 =	vadd.f32 v7, v1;
	v2 =	vld [tilespmem:s28+$0xE000]  }
0x416: {  	v7 =	vld [tilespmem:s26+$0xB800];
	v0 =	vadd.f32 v5, v0  }
0x417: {  	v1 =	vadd.f32 v6, v1;
	v5 =	vld [tilespmem:s28+$0xE200]  }
0x418: {  	v6 =	vld [tilespmem:s26+$0xBA00];
	v0 =	vadd.f32 v3, v0  }
0x419: {  	v1 =	vadd.f32 v4, v1;
	v3 =	vld [tilespmem:s28+$0xE400]  }
0x41a: {  	v4 =	vld [tilespmem:s26+$0xBC00];
	v0 =	vadd.f32 v2, v0  }
0x41b: {  	v1 =	vadd.f32 v7, v1;
	v2 =	vld [tilespmem:s28+$0xE600]  }
0x41c: {  	v7 =	vld [tilespmem:s26+$0xBE00];
	v0 =	vadd.f32 v5, v0  }
0x41d: {  	v1 =	vadd.f32 v6, v1;
	v5 =	vld [tilespmem:s28+$0xE800]  }
0x41e: {  	v6 =	vld [tilespmem:s26+$0xC000];
	v0 =	vadd.f32 v3, v0  }
0x41f: {  	v1 =	vadd.f32 v4, v1;
	v3 =	vld [tilespmem:s28+$0xEA00]  }
0x420: {  	v4 =	vld [tilespmem:s26+$0xC200];
	v2 =	vadd.f32 v2, v0  }
0x421: {  	v1 =	vadd.f32 v7, v1;
	v7 =	vld [tilespmem:s28+$0xEC00]  }
.Ltmp14:
0x422: {  	v0 =	vld [tilespmem:s26+$0xC400];
	v5 =	vadd.f32 v5, v2;
	(pc) =	sbr.rel @p0 .LBB2_30-.Ltmp14, $4  }
0x423: {  	v6 =	vadd.f32 v6, v1;
	v2 =	vld [tilespmem:s28+$0xEE00]  }
0x424: {  	v1 =	vld [tilespmem:s26+$0xC600];
	v8 =	vadd.f32 v3, v5  }
0x425: {  	v5 =	vadd.f32 v4, v6;
	v3 =	vld [tilespmem:s28+$0x14400]  }
0x426: {  	s29 =	sshra.s32 s30, $0x2;
	s30 =	sadd.s32 $0x40, s30;
	v4 =	vld [tilespmem:s26+$0xC800];
	v6 =	vadd.f32 v7, v8  }
0x427: {  	v7 =	vld [tilespmem:s29+$0xA000]  }
0x428: {  	v8 =	vld [tilespmem:s26+$0xCA00];
	v0 =	vadd.f32 v0, v5;
	v2 =	vadd.f32 v2, v6  }
0x429: {  	v55 =	vld [tilespmem:s29+$0xA200]  }
0x42a: {  	v56 =	vld [tilespmem:s26+$0xCC00];
	v0 =	vadd.f32 v1, v0;
	v57 =	vadd.f32 v2, v3  }
0x42b: {  	v58 =	vld [tilespmem:s29+$0xA400]  }
0x42c: {  	v59 =	vld [tilespmem:s26+$0xCE00];
	v0 =	vadd.f32 v4, v0;
	v60 =	vadd.f32 $0.0e+00, v7;
	[tilespmem:s28+$0x14400] =	vst v57  }
0x42d: {  	v1 =	vld [tilespmem:s29+$0xA600]  }
0x42e: {  	v0 =	vadd.f32 v8, v0;
	v61 =	vld [tilespmem:s26+$0xD000];
	v4 =	vadd.f32 v55, v60  }
0x42f: {  	v62 =	vld [tilespmem:s29+$0xA800]  }
0x430: {  	v63 =	vld [tilespmem:s26+$0xD200];
	v0 =	vadd.f32 v56, v0;
	v2 =	vadd.f32 v58, v4  }
0x431: {  	v9 =	vld [tilespmem:s29+$0xAA00]  }
0x432: {  	v10 =	vld [tilespmem:s26+$0xD400];
	v0 =	vadd.f32 v59, v0;
	v1 =	vadd.f32 v1, v2  }
0x433: {  	v11 =	vld [tilespmem:s29+$0xAC00]  }
0x434: {  	v12 =	vld [tilespmem:s26+$0xD600];
	v0 =	vadd.f32 v61, v0;
	v1 =	vadd.f32 v62, v1  }
0x435: {  	v13 =	vld [tilespmem:s29+$0xAE00]  }
0x436: {  	v14 =	vld [tilespmem:s26+$0xD800];
	v0 =	vadd.f32 v63, v0;
	v1 =	vadd.f32 v9, v1  }
0x437: {  	v15 =	vld [tilespmem:s29+$0xB000]  }
0x438: {  	v16 =	vld [tilespmem:s26+$0xDA00];
	v0 =	vadd.f32 v10, v0;
	v1 =	vadd.f32 v11, v1  }
0x439: {  	v17 =	vld [tilespmem:s29+$0xB200]  }
0x43a: {  	v18 =	vld [tilespmem:s26+$0xDC00];
	v0 =	vadd.f32 v12, v0;
	v1 =	vadd.f32 v13, v1  }
0x43b: {  	v19 =	vld [tilespmem:s29+$0xB400]  }
0x43c: {  	v20 =	vld [tilespmem:s26+$0xDE00];
	v0 =	vadd.f32 v14, v0;
	v1 =	vadd.f32 v15, v1  }
0x43d: {  	v21 =	vld [tilespmem:s29+$0xB600]  }
0x43e: {  	v22 =	vld [tilespmem:s26+$0xE000];
	v0 =	vadd.f32 v16, v0;
	v1 =	vadd.f32 v17, v1  }
0x43f: {  	v23 =	vld [tilespmem:s29+$0xB800]  }
0x440: {  	v24 =	vld [tilespmem:s26+$0xE200];
	v0 =	vadd.f32 v18, v0;
	v1 =	vadd.f32 v19, v1  }
0x441: {  	v25 =	vld [tilespmem:s29+$0xBA00]  }
0x442: {  	v26 =	vld [tilespmem:s26+$0xE400];
	v0 =	vadd.f32 v20, v0;
	v1 =	vadd.f32 v21, v1  }
0x443: {  	v27 =	vld [tilespmem:s29+$0xBC00]  }
0x444: {  	v28 =	vld [tilespmem:s26+$0xE600];
	v0 =	vadd.f32 v22, v0;
	v1 =	vadd.f32 v23, v1  }
0x445: {  	v29 =	vld [tilespmem:s29+$0xBE00]  }
0x446: {  	v30 =	vld [tilespmem:s26+$0xE800];
	v0 =	vadd.f32 v24, v0;
	v1 =	vadd.f32 v25, v1  }
0x447: {  	v31 =	vld [tilespmem:s29+$0xC000]  }
0x448: {  	v32 =	vld [tilespmem:s26+$0xEA00];
	v0 =	vadd.f32 v26, v0;
	v1 =	vadd.f32 v27, v1  }
0x449: {  	v33 =	vld [tilespmem:s29+$0xC200]  }
0x44a: {  	v34 =	vld [tilespmem:s26+$0xEC00];
	v0 =	vadd.f32 v28, v0;
	v1 =	vadd.f32 v29, v1  }
0x44b: {  	v35 =	vld [tilespmem:s29+$0xC400]  }
0x44c: {  	v36 =	vld [tilespmem:s26+$0xEE00];
	v0 =	vadd.f32 v30, v0;
	v1 =	vadd.f32 v31, v1  }
0x44d: {  	v37 =	vld [tilespmem:s29+$0xC600]  }
0x44e: {  	v38 =	vld [tilespmem:s26+$0x14400];
	v0 =	vadd.f32 v32, v0;
	v1 =	vadd.f32 v33, v1  }
0x44f: {  	v39 =	vld [tilespmem:s29+$0xC800]  }
0x450: {  	v0 =	vadd.f32 v34, v0;
	v1 =	vadd.f32 v35, v1  }
0x451: {  	v40 =	vld [tilespmem:s29+$0xCA00]  }
0x452: {  	v0 =	vadd.f32 v36, v0;
	v1 =	vadd.f32 v37, v1  }
0x453: {  	v41 =	vld [tilespmem:s29+$0xCC00]  }
0x454: {  	v0 =	vadd.f32 v0, v38;
	v1 =	vadd.f32 v39, v1  }
0x455: {  	v42 =	vld [tilespmem:s29+$0xCE00]  }
0x456: {  	[tilespmem:s26+$0x14400] =	vst v0;
	v43 =	vadd.f32 v40, v1  }
0x457: {  	v44 =	vld [tilespmem:s29+$0xD000]  }
0x458: {  	v0 =	vadd.f32 v41, v43  }
0x459: {  	v45 =	vld [tilespmem:s29+$0xD200]  }
0x45a: {  	v0 =	vadd.f32 v42, v0  }
0x45b: {  	v46 =	vld [tilespmem:s29+$0xD400]  }
0x45c: {  	v0 =	vadd.f32 v44, v0  }
0x45d: {  	v47 =	vld [tilespmem:s29+$0xD600]  }
0x45e: {  	v0 =	vadd.f32 v45, v0  }
0x45f: {  	v48 =	vld [tilespmem:s29+$0xD800]  }
0x460: {  	v0 =	vadd.f32 v46, v0  }
0x461: {  	v49 =	vld [tilespmem:s29+$0xDA00]  }
0x462: {  	v0 =	vadd.f32 v47, v0  }
0x463: {  	v50 =	vld [tilespmem:s29+$0xDC00]  }
0x464: {  	v0 =	vadd.f32 v48, v0  }
0x465: {  	v51 =	vld [tilespmem:s29+$0xDE00]  }
0x466: {  	v0 =	vadd.f32 v49, v0  }
0x467: {  	v52 =	vld [tilespmem:s29+$0xE000]  }
0x468: {  	v0 =	vadd.f32 v50, v0  }
0x469: {  	v53 =	vld [tilespmem:s29+$0xE200]  }
0x46a: {  	v0 =	vadd.f32 v51, v0  }
0x46b: {  	v54 =	vld [tilespmem:s29+$0xE400]  }
0x46c: {  	v0 =	vadd.f32 v52, v0  }
0x46d: {  	v55 =	vld [tilespmem:s29+$0xE600]  }
0x46e: {  	v0 =	vadd.f32 v53, v0  }
0x46f: {  	v56 =	vld [tilespmem:s29+$0xE800]  }
0x470: {  	v0 =	vadd.f32 v54, v0  }
0x471: {  	v57 =	vld [tilespmem:s29+$0xEA00]  }
0x472: {  	v0 =	vadd.f32 v55, v0  }
0x473: {  	v58 =	vld [tilespmem:s29+$0xEC00]  }
0x474: {  	v0 =	vadd.f32 v56, v0  }
0x475: {  	v59 =	vld [tilespmem:s29+$0xEE00]  }
0x476: {  	v0 =	vadd.f32 v57, v0  }
0x477: {  	v60 =	vld [tilespmem:s29+$0x14400]  }
0x478: {  	v0 =	vadd.f32 v58, v0;
	_ =	sdelay $0x1  }
0x479: {  	v0 =	vadd.f32 v59, v0;
	_ =	sdelay $0x1  }
0x47a: {  	v0 =	vadd.f32 v0, v60;
	_ =	sdelay $0x1  }
0x47b: {  	[tilespmem:s29+$0x14400] =	vst v0  }
0x47c: {  	_ =	swait.ge [sflag:s23], $0x200  }
0x47d: {  	[sflag:s23] =	ssyncset.done $0x0  }
0x47e: {  	[sflag:s23] =	ssyncadd.s32 $0xFFFFFE00  }
0x47f: {  	v61 =	vld [tilespmem:$0x14400]  }
0x480: {  	v62 =	vld [tilespmem:$0x14200]  }
0x481: {  	v63 =	vld [tilespmem:$0x14410]  }
0x482: {  	v40 =	vld [tilespmem:$0x14210]  }
0x483: {  	v41 =	vld [tilespmem:$0x14420]  }
0x484: {  	v42 =	vld [tilespmem:$0x14220]  }
0x485: {  	v43 =	vld [tilespmem:$0x14430]  }
0x486: {  	v44 =	vld [tilespmem:$0x14230]  }
0x487: {  	v45 =	vld [tilespmem:$0x14440]  }
0x488: {  	v9 =	vld [tilespmem:$0x14240]  }
0x489: {  	v10 =	vld [tilespmem:$0x14450]  }
0x48a: {  	v11 =	vld [tilespmem:$0x14250]  }
0x48b: {  	v12 =	vld [tilespmem:$0x14460]  }
0x48c: {  	v13 =	vld [tilespmem:$0x14260]  }
0x48d: {  	v14 =	vld [tilespmem:$0x14470]  }
0x48e: {  	v15 =	vld [tilespmem:$0x14270]  }
0x48f: {  	v16 =	vld [tilespmem:$0x14480]  }
0x490: {  	v17 =	vld [tilespmem:$0x14280]  }
0x491: {  	v18 =	vld [tilespmem:$0x14490]  }
0x492: {  	v19 =	vld [tilespmem:$0x14290]  }
0x493: {  	v20 =	vld [tilespmem:$0x144A0]  }
0x494: {  	v21 =	vld [tilespmem:$0x142A0]  }
0x495: {  	v22 =	vld [tilespmem:$0x144B0]  }
0x496: {  	v23 =	vld [tilespmem:$0x142B0]  }
0x497: {  	v24 =	vld [tilespmem:$0x144C0]  }
0x498: {  	v25 =	vld [tilespmem:$0x142C0]  }
0x499: {  	v26 =	vld [tilespmem:$0x144D0]  }
0x49a: {  	v27 =	vld [tilespmem:$0x142D0]  }
0x49b: {  	v28 =	vld [tilespmem:$0x144E0]  }
0x49c: {  	v29 =	vld [tilespmem:$0x142E0]  }
0x49d: {  	v30 =	vld [tilespmem:$0x144F0]  }
0x49e: {  	v31 =	vld [tilespmem:$0x142F0]  }
0x49f: {  	v32 =	vld [tilespmem:$0x14500]  }
0x4a0: {  	v33 =	vld [tilespmem:$0x14300]  }
0x4a1: {  	v34 =	vld [tilespmem:$0x14510]  }
0x4a2: {  	v35 =	vld [tilespmem:$0x14310]  }
0x4a3: {  	v36 =	vld [tilespmem:$0x14520]  }
0x4a4: {  	v46 =	vld [tilespmem:$0x14320];
	v0 =	vadd.f32 v62, v61  }
0x4a5: {  	v47 =	vld [tilespmem:$0x14530];
	v2 =	vadd.f32 v40, v63  }
0x4a6: {  	v49 =	vld [tilespmem:$0x14330];
	v48 =	vadd.f32 v42, v41;
	[tilespmem:$0x14400] =	vst v0  }
0x4a7: {  	v51 =	vld [tilespmem:$0x14540];
	v50 =	vadd.f32 v44, v43;
	[tilespmem:$0x14410] =	vst v2  }
0x4a8: {  	v53 =	vld [tilespmem:$0x14340];
	v52 =	vadd.f32 v9, v45;
	[tilespmem:$0x14420] =	vst v48  }
0x4a9: {  	v55 =	vld [tilespmem:$0x14550];
	v54 =	vadd.f32 v11, v10;
	[tilespmem:$0x14430] =	vst v50  }
0x4aa: {  	v57 =	vld [tilespmem:$0x14350];
	v56 =	vadd.f32 v13, v12;
	[tilespmem:$0x14440] =	vst v52  }
0x4ab: {  	v59 =	vld [tilespmem:$0x14560];
	v58 =	vadd.f32 v15, v14;
	[tilespmem:$0x14450] =	vst v54  }
0x4ac: {  	v37 =	vld [tilespmem:$0x145A0];
	v60 =	vadd.f32 v17, v16;
	[tilespmem:$0x14460] =	vst v56  }
0x4ad: {  	v39 =	vld [tilespmem:$0x143A0];
	v62 =	vadd.f32 v19, v18;
	[tilespmem:$0x14470] =	vst v58  }
0x4ae: {  	v61 =	vld [tilespmem:$0x14360];
	v20 =	vadd.f32 v21, v20;
	[tilespmem:$0x14480] =	vst v60  }
0x4af: {  	v63 =	vld [tilespmem:$0x14570];
	v22 =	vadd.f32 v23, v22;
	[tilespmem:$0x14490] =	vst v62  }
0x4b0: {  	v21 =	vld [tilespmem:$0x14370];
	v24 =	vadd.f32 v25, v24;
	[tilespmem:$0x144A0] =	vst v20  }
0x4b1: {  	v23 =	vld [tilespmem:$0x14580];
	v26 =	vadd.f32 v27, v26;
	[tilespmem:$0x144B0] =	vst v22  }
0x4b2: {  	v25 =	vld [tilespmem:$0x14380];
	v28 =	vadd.f32 v29, v28;
	[tilespmem:$0x144C0] =	vst v24  }
0x4b3: {  	v27 =	vld [tilespmem:$0x14590];
	v31 =	vadd.f32 v31, v30;
	[tilespmem:$0x144D0] =	vst v26  }
0x4b4: {  	v29 =	vld [tilespmem:$0x14390];
	v38 =	vadd.f32 v33, v32;
	[tilespmem:$0x144E0] =	vst v28  }
0x4b5: {  	v40 =	vadd.f32 v35, v34;
	v41 =	vld [tilespmem:$0x145B0];
	[tilespmem:$0x144F0] =	vst v31  }
0x4b6: {  	v42 =	vadd.f32 v46, v36;
	v43 =	vld [tilespmem:$0x143B0];
	[tilespmem:$0x14500] =	vst v38  }
0x4b7: {  	v44 =	vadd.f32 v49, v47;
	v45 =	vld [tilespmem:$0x145C0];
	[tilespmem:$0x14510] =	vst v40  }
0x4b8: {  	v46 =	vadd.f32 v53, v51;
	v47 =	vld [tilespmem:$0x143C0];
	[tilespmem:$0x14520] =	vst v42  }
0x4b9: {  	v49 =	vld [tilespmem:$0x145D0];
	[tilespmem:$0x14530] =	vst v44;
	v48 =	vadd.f32 v57, v55  }
0x4ba: {  	v51 =	vld [tilespmem:$0x143D0];
	[tilespmem:$0x14540] =	vst v46;
	v58 =	vadd.f32 v39, v37  }
0x4bb: {  	v53 =	vld [tilespmem:$0x145E0];
	[tilespmem:$0x14550] =	vst v48;
	v50 =	vadd.f32 v61, v59  }
0x4bc: {  	v55 =	vld [tilespmem:$0x143E0];
	[tilespmem:$0x145A0] =	vst v58;
	v52 =	vadd.f32 v21, v63  }
0x4bd: {  	v57 =	vld [tilespmem:$0x145F0];
	v54 =	vadd.f32 v25, v23;
	[tilespmem:$0x14560] =	vst v50  }
0x4be: {  	v56 =	vadd.f32 v29, v27;
	v59 =	vld [tilespmem:$0x143F0];
	[tilespmem:$0x14570] =	vst v52  }
0x4bf: {  	v1 =	vadd.f32 v43, v41;
	[tilespmem:$0x14580] =	vst v54  }
0x4c0: {  	v60 =	vadd.f32 v47, v45;
	[tilespmem:$0x14590] =	vst v56  }
0x4c1: {  	v61 =	vadd.f32 v51, v49;
	[tilespmem:$0x145B0] =	vst v1  }
0x4c2: {  	[tilespmem:$0x145C0] =	vst v60;
	v62 =	vadd.f32 v55, v53  }
0x4c3: {  	s25 =	sadd.s32 $0x1, s25;
	[tilespmem:$0x145D0] =	vst v61;
	v63 =	vadd.f32 v59, v57  }
0x4c4: {  	p0 =	sne.s32 s25, s12;
	[tilespmem:$0x145E0] =	vst v62  }
.Ltmp15:
0x4c5: {  	[tilespmem:$0x145F0] =	vst v63;
	(pc) =	sbr.rel @p0 .LBB2_1-.Ltmp15, $4  }
0x4c6: {  	[hbm4b:s11+s4] =	stream.linear.scatter [tilespmem:s24], [sflag:$0x6], $0x200, $0x38;
	[tilespmem:$0x14600] =	vst v63  }
0x4c7: {  	_ =	swait.ge [sflag:s14], $0x200  }
0x4c8: {  	[sflag:s14] =	ssyncset.done $0x0  }
0x4c9: {  	[sflag:s14] =	ssyncadd.s32 $0xFFFFFE00  }
0x4ca: {  	_ =	sfence.sel $0x180000  }
0x4cb: {  	[bflag:$0x0] =	sbarrier.arrive $0xFFFF  }
0x4cc: {  	p0 =	sne.s32 s3, $0x0;
	_ =	strace $0x90000047  }
0x4cd: {  	s0 =	sadd.s32 @!p0 $0x100000, s0;
	[bflag:$0x2] =	sbarrier.arrive $0xFFFF  }
0x4ce: {  	[sflag:s0] =	ssyncadd.tile.s32 @!p0 $0x1;
	_ =	shalt  }
.Lfunc_end2:
_tile_overlayer_lowered:
.L_overlay_start_2:
0x4cf: {  	(tag) =	ssettag $0x2  }
0x4d0: {  	s0 =	rddreg [dreg:$0x0];
	s2 =	stileid.u32  }
0x4d1: {  	s1 =	rddreg [dreg:$0x1];
	p0 =	sne.s32 s2, $0x0  }
0x4d2: {  	s3 =	rddreg [dreg:$0x2];
	[bflag:$0x3] =	sbarrier.arrive $0xFFFF;
	s2 =	simm.s32 @!p0 $0x1C06  }
0x4d3: {  	[timem:s3], [sflag:s2] =	dma.local @!p0 [hbm:s0], s1  }
0x4d4: {  	s0 =	simm.s32 @!p0 $0x6  }
0x4d5: {  	_ =	swait.ge @!p0 [sflag:s0], s1  }
0x4d6: {  	s1 =	ssub.s32 @!p0 $0x0, s1;
	[sflag:s0] =	ssyncset.done @!p0 $0x0  }
0x4d7: {  	[sflag:s0] =	ssyncadd.s32 @!p0 s1  }
0x4d8: {  	[bflag:$0x3] =	sbarrier.arrive $0xFFFF  }
0x4d9: {  	_ =	shalt  }

</sc_bundles>
